<compile_context>
chip_gen: v7x
topology: tpu7x:2x2x1
jax: 0.10.2.dev20260603
libtpu: 0.0.44.dev20260713+nightly
codegen_flags: <defaults>
</compile_context>

<pallas_src>
import functools

import jax
import jax.numpy as jnp
from jax import lax
from jax.experimental import pallas as pl
from jax.experimental.pallas import tpu as pltpu
from jax.experimental.pallas import tpu_sc as plsc

BS = 2
NQ = 2048
NV = 2048
D = 256
H = 8
P = 32
HD = D // H

BQ = 512
NC, NS = 2, 16
NW = NC * NS
QPW = (BS * NQ * H) // (NW * H) * 1
QC = 512
LG = 16
DB = 32
UNROLL = 2


def _pack_pair_words(lo, hi):
    lob = lo.astype(jnp.bfloat16).astype(jnp.float32)
    hib = hi.astype(jnp.bfloat16).astype(jnp.float32)
    lou = lax.bitcast_convert_type(lob, jnp.uint32) >> 16
    hiu = lax.bitcast_convert_type(hib, jnp.uint32) & jnp.uint32(0xFFFF0000)
    return lax.bitcast_convert_type(lou | hiu, jnp.int32)


def _stage1_body(q_ref, v_ref, r_ref, wv_ref, bv_ref, wo_ref, bo_ref,
                 wsw_ref, bsw_ref, vout_ref, c_ref, j_ref):
    q = q_ref[0]
    v = v_ref[0]
    vp = jnp.dot(v, wv_ref[...].T, preferred_element_type=jnp.float32) + bv_ref[...]
    vout_ref[0] = vp.T.reshape(H, HD, BQ)

    off = jnp.dot(q, wo_ref[...].T, preferred_element_type=jnp.float32) + bo_ref[...]
    r = r_ref[0]
    x = r * float(NV) - 1.0 + off

    sw = jnp.dot(q, wsw_ref[...].T, preferred_element_type=jnp.float32) + bsw_ref[...]
    sw3 = sw.reshape(BQ, H, P)
    m = jnp.max(sw3, axis=-1, keepdims=True)
    e = jnp.exp(sw3 - m)
    s = jnp.sum(e, axis=-1, keepdims=True)
    w = (e / s).reshape(BQ, H * P)

    xl = jnp.floor(x)
    lx = x - xl
    hx = 1.0 - lx
    a = jnp.where((xl >= 0.0) & (xl <= float(NV - 2)), w * hx, 0.0)
    bb = (jnp.where((xl >= -1.0) & (xl <= float(NV - 2)), w * lx, 0.0)
          + jnp.where(xl == float(NV - 1), w * hx, 0.0))
    jv = jnp.clip(xl + 1.0, 0.0, float(NV - 1)).astype(jnp.int32)
    cw = _pack_pair_words(a, bb)
    c_ref[0] = cw.T.reshape(H, P, BQ)
    j_ref[0] = jv.T.reshape(H, P, BQ)


def _stage1(query, value, ref_pts, W_v, b_v, W_off, b_off, W_sw, b_sw):
    grid = (BS, NQ // BQ)
    blk_rows = pl.BlockSpec((1, BQ, D), lambda b, i: (b, i, 0))
    blk_full = pl.BlockSpec((D, D), lambda b, i: (0, 0))
    blk_vec = pl.BlockSpec((D,), lambda b, i: (0,))
    blk_r = pl.BlockSpec((1, BQ, 1), lambda b, i: (b, i, 0))
    blk_t = pl.BlockSpec((1, H, P, BQ), lambda b, i: (b, 0, 0, i))
    blk_vt = pl.BlockSpec((1, H, HD, BQ), lambda b, i: (b, 0, 0, i))
    return pl.pallas_call(
        _stage1_body,
        grid=grid,
        in_specs=[blk_rows, blk_rows, blk_r, blk_full, blk_vec, blk_full,
                  blk_vec, blk_full, blk_vec],
        out_specs=[blk_vt, blk_t, blk_t],
        out_shape=[
            jax.ShapeDtypeStruct((BS, H, HD, NV), jnp.float32),
            jax.ShapeDtypeStruct((BS, H, P, NQ), jnp.int32),
            jax.ShapeDtypeStruct((BS, H, P, NQ), jnp.int32),
        ],
    )(query, value, ref_pts, W_v, b_v, W_off, b_off, W_sw, b_sw)


def _pack_body(v_ref, t_ref):
    v = v_ref[0, 0]
    z = jnp.zeros((HD, PSTRIDE - NV), jnp.float32)
    lo = jnp.concatenate([v[:, :1], v[:, :NV - 1], z], axis=1)
    hi = jnp.concatenate([v, z], axis=1)
    t_ref[0, 0] = _pack_pair_words(lo, hi)


def _pack_table(v_proj):
    return pl.pallas_call(
        _pack_body,
        grid=(BS, H),
        in_specs=[pl.BlockSpec((1, 1, HD, NV), lambda b, h: (b, h, 0, 0))],
        out_specs=pl.BlockSpec((1, 1, HD, PSTRIDE), lambda b, h: (b, h, 0, 0)),
        out_shape=jax.ShapeDtypeStruct((BS, H, HD, PSTRIDE), jnp.int32),
    )(v_proj)


PSTRIDE = 2064


def _sc_attend(pair_tab, cpk, jvi):
    mesh = plsc.VectorSubcoreMesh(core_axis_name="c", subcore_axis_name="s",
                                  num_cores=NC, num_subcores=NS)

    @functools.partial(
        pl.kernel,
        out_type=jax.ShapeDtypeStruct((BS, H, HD, NQ), jnp.float32),
        mesh=mesh,
        compiler_params=pltpu.CompilerParams(needs_layout_passes=False),
        scratch_types=[
            pltpu.VMEM((HD * PSTRIDE,), jnp.int32),
            pltpu.VMEM((P, QC), jnp.int32),
            pltpu.VMEM((P, QC), jnp.int32),
            pltpu.VMEM((HD, QC), jnp.float32),
        ],
    )
    def sc_kernel(t_hbm, c_hbm, j_hbm, out_hbm, ptab, cbuf, jbuf, obuf):
        cid = lax.axis_index("c")
        sid = lax.axis_index("s")
        wid = sid * NC + cid
        bh = wid % (BS * H)
        half = wid // (BS * H)
        b = bh // H
        h = bh % H

        pltpu.sync_copy(t_hbm.at[b, h], ptab)

        def do_chunk(qs):
            pltpu.sync_copy(c_hbm.at[b, h, :, pl.ds(qs, QC)], cbuf)
            pltpu.sync_copy(j_hbm.at[b, h, :, pl.ds(qs, QC)], jbuf)

            def group_body(g, _):
                qoff = g * LG

                init = tuple(jnp.zeros((2 * LG,), jnp.bfloat16)
                             for _ in range(DB))

                @plsc.parallel_loop(0, P, carry=init, unroll=UNROLL)
                def accs(p, accs):
                    jv = jbuf[p, pl.ds(qoff, LG)]
                    cv = plsc.bitcast(cbuf[p, pl.ds(qoff, LG)], jnp.bfloat16)
                    new = []
                    for j in range(DB):
                        tab = ptab.at[pl.ds(j * PSTRIDE, PSTRIDE)]
                        gv = plsc.load_gather(tab, [jv])
                        gb = plsc.bitcast(gv, jnp.bfloat16)
                        new.append(accs[j] + gb * cv)
                    return tuple(new)

                for j in range(DB):
                    lo, hi = plsc.unpack(accs[j],
                                         format=plsc.PackFormat.INTERLEAVED)
                    obuf[j, pl.ds(qoff, LG)] = lo + hi
                return 0

            lax.fori_loop(0, QC // LG, group_body, 0)
            pltpu.sync_copy(obuf, out_hbm.at[b, h, :, pl.ds(qs, QC)])

        q0 = half * (NQ // 2)
        for c in range(NQ // 2 // QC):
            do_chunk(q0 + c * QC)

    return sc_kernel(pair_tab, cpk, jvi)


def _stage3_body(ao_ref, q_ref, wo_ref, bo_ref, g_ref, beta_ref, out_ref):
    a = ao_ref[0].reshape(D, BQ).T
    o = jnp.dot(a, wo_ref[...].T, preferred_element_type=jnp.float32)
    o = o + bo_ref[...] + q_ref[0]
    mu = jnp.mean(o, axis=-1, keepdims=True)
    var = jnp.mean((o - mu) ** 2, axis=-1, keepdims=True)
    out_ref[0] = (o - mu) / jnp.sqrt(var + 1e-5) * g_ref[...] + beta_ref[...]


def _stage3(attn_t, query, W_out, b_out, ln_g, ln_b):
    grid = (BS, NQ // BQ)
    blk_rows = pl.BlockSpec((1, BQ, D), lambda b, i: (b, i, 0))
    blk_a = pl.BlockSpec((1, H, HD, BQ), lambda b, i: (b, 0, 0, i))
    blk_full = pl.BlockSpec((D, D), lambda b, i: (0, 0))
    blk_vec = pl.BlockSpec((D,), lambda b, i: (0,))
    return pl.pallas_call(
        _stage3_body,
        grid=grid,
        in_specs=[blk_a, blk_rows, blk_full, blk_vec, blk_vec, blk_vec],
        out_specs=blk_rows,
        out_shape=jax.ShapeDtypeStruct((BS, NQ, D), jnp.float32),
    )(attn_t, query, W_out, b_out, ln_g, ln_b)


@jax.jit
def _run(query, value, reference_points, W_off, b_off, W_sw, b_sw, W_v, b_v,
         W_out, b_out, ln_g, ln_b, spatial_shapes):
    ref2 = reference_points.reshape(BS, NQ, 1)
    v_proj, cpk, jvi = _stage1(query, value, ref2, W_v, b_v,
                               W_off, b_off, W_sw, b_sw)
    pair_tab = _pack_table(v_proj).reshape(BS, H, HD * PSTRIDE)
    attn_t = _sc_attend(pair_tab, cpk, jvi)
    return _stage3(attn_t, query, W_out, b_out, ln_g, ln_b)


def kernel(query, value, reference_points, W_off, b_off, W_sw, b_sw, W_v, b_v,
           W_out, b_out, ln_g, ln_b, spatial_shapes):
    return _run(query, value, reference_points, W_off, b_off, W_sw, b_sw,
                W_v, b_v, W_out, b_out, ln_g, ln_b, spatial_shapes)

# --- scband reference (transcript-rebuilt; emitter-appended) ---
"""Pipeline reference for scband-deformable-attention-33689723470059 (READ-ONLY COPY).

The authoritative reference and input builder live on the scoring server;
editing this copy changes nothing except your own understanding.
"""

import jax, jax.numpy as jnp
import numpy as np

BS = 2
NQ = 2048
NV = 2048
D = 256
H = 8
P = 32
HD = D // H


def setup_inputs(seed: int = 0):
    key = jax.random.key(seed)
    ks = jax.random.split(key, 8)
    return {
        "query": jax.random.normal(ks[0], (BS, NQ, D), dtype=jnp.float32),
        "value": jax.random.normal(ks[1], (BS, NV, D), dtype=jnp.float32),
        "reference_points": jax.random.uniform(ks[2], (BS, NQ, 1, 1), dtype=jnp.float32),
        "W_off": jax.random.normal(ks[3], (H * P, D), dtype=jnp.float32) * 0.02,
        "b_off": jnp.zeros((H * P,), dtype=jnp.float32),
        "W_sw": jax.random.normal(ks[4], (H * P, D), dtype=jnp.float32) * 0.02,
        "b_sw": jnp.zeros((H * P,), dtype=jnp.float32),
        "W_v": jax.random.normal(ks[5], (D, D), dtype=jnp.float32) * 0.02,
        "b_v": jnp.zeros((D,), dtype=jnp.float32),
        "W_out": jax.random.normal(ks[6], (D, D), dtype=jnp.float32) * 0.02,
        "b_out": jnp.zeros((D,), dtype=jnp.float32),
        "ln_g": jnp.ones((D,), dtype=jnp.float32),
        "ln_b": jnp.zeros((D,), dtype=jnp.float32),
        "spatial_shapes": jnp.array([NV], dtype=jnp.int32),
    }


def _grid_sample_1d(value, grid):
    # value: (BH, d, L); grid: (BH, nq, P, 1) raw pixel coords; padding_mode='zeros'
    BH, d, L = value.shape
    x = grid[..., 0]
    x_low = jnp.floor(x).astype(jnp.int32)
    x_high = x_low + 1
    lx = x - x_low.astype(jnp.float32)
    hx = 1.0 - lx
    mask_low = ((x_low >= 0) & (x_low < L)).astype(jnp.float32)
    mask_high = ((x_high >= 0) & (x_high < L)).astype(jnp.float32)
    xl = jnp.clip(x_low, 0, L - 1)
    xh = jnp.clip(x_high, 0, L - 1)
    nq, npt = x.shape[1], x.shape[2]
    idx_l = jnp.broadcast_to(xl.reshape(BH, 1, nq * npt), (BH, d, nq * npt))
    idx_h = jnp.broadcast_to(xh.reshape(BH, 1, nq * npt), (BH, d, nq * npt))
    v1 = jnp.take_along_axis(value, idx_l, axis=2).reshape(BH, d, nq, npt)
    v2 = jnp.take_along_axis(value, idx_h, axis=2).reshape(BH, d, nq, npt)
    v1 = v1 * mask_low[:, None, :, :]
    v2 = v2 * mask_high[:, None, :, :]
    return hx[:, None, :, :] * v1 + lx[:, None, :, :] * v2


def _deformable_attn(value, spatial_shapes, sampling_locations, sampling_weights):
    # value: (bs, nv, H, hd); sampling_locations: (bs, nq, H, 1, P, 1); sampling_weights: (bs, nq, H, P)
    bs, nv, nh, hd = value.shape
    nq = sampling_locations.shape[1]
    npt = sampling_locations.shape[4]
    L = nv  # single level
    value_l = jnp.transpose(value, (0, 2, 3, 1)).reshape(bs * nh, hd, L)
    grid = jnp.transpose(sampling_locations[:, :, :, 0], (0, 2, 1, 3, 4)).reshape(bs * nh, nq, npt, 1)
    grid = grid * spatial_shapes[0].astype(jnp.float32) - 1.0
    samp = _grid_sample_1d(value_l, grid)  # (bs*nh, hd, nq, P)
    attn = jnp.transpose(sampling_weights, (0, 2, 1, 3)).reshape(bs * nh, 1, nq, npt)
    out = (samp * attn).sum(-1)  # (bs*nh, hd, nq)
    out = out.reshape(bs, nh * hd, nq)
    return jnp.transpose(out, (0, 2, 1))


def _forward(query, value, reference_points, W_off, b_off, W_sw, b_sw, W_v, b_v, W_out, b_out, ln_g, ln_b, spatial_shapes):
    identity = query
    bs, nq, _ = query.shape
    nv = value.shape[1]
    v = value @ W_v.T + b_v
    v = v.reshape(bs, nv, H, HD)
    off = (query @ W_off.T + b_off).reshape(bs, nq, H, 1, P, 1)
    sw = (query @ W_sw.T + b_sw).reshape(bs, nq, H, P)
    sw = jax.nn.softmax(sw, axis=-1)
    norm = spatial_shapes.astype(jnp.float32)
    loc = reference_points[:, :, None, :, None, :] + off / norm[None, None, None, :, None, None]
    out = _deformable_attn(v, spatial_shapes, loc, sw)
    out = out @ W_out.T + b_out
    out = out + identity  # dropout is identity in eval
    mu = out.mean(-1, keepdims=True)
    var = ((out - mu) ** 2).mean(-1, keepdims=True)
    return (out - mu) / jnp.sqrt(var + 1e-5) * ln_g + ln_b


def reference(query, value, reference_points, W_off, b_off, W_sw, b_sw, W_v, b_v, W_out, b_out, ln_g, ln_b, spatial_shapes):
    return _forward(query, value, reference_points, W_off, b_off, W_sw, b_sw, W_v, b_v, W_out, b_out, ln_g, ln_b, spatial_shapes)

if __name__ == "__main__":
    import jax
    _d = setup_inputs()
    print(jax.jit(kernel)(*tuple(_d.values())))

</pallas_src>

<mosaic_0001>
#map = affine_map<(d0, d1) -> (0, 0, 0)>
#map1 = affine_map<(d0, d1) -> (0, 0, 0, 0)>
module attributes {stable_mosaic.version = 14 : i64} {
  func.func @sc_kernel(%arg0: i32, %arg1: i32, %arg2: memref<2x8x66048xi32, #tpu.memory_space<hbm>>, %arg3: memref<2x8x32x2048xi32, #tpu.memory_space<hbm>>, %arg4: memref<2x8x32x2048xi32, #tpu.memory_space<hbm>>, %arg5: memref<2x8x32x2048xf32, #tpu.memory_space<hbm>>, %arg6: memref<66048xi32, #tpu.memory_space<vmem>>, %arg7: memref<32x512xi32, #tpu.memory_space<vmem>>, %arg8: memref<32x512xi32, #tpu.memory_space<vmem>>, %arg9: memref<32x512xf32, #tpu.memory_space<vmem>>) attributes {dimension_semantics = [#tpu.dimension_semantics<core_parallel>, #tpu.dimension_semantics<subcore_parallel>], iteration_bounds = array<i64: 2, 16>, scalar_prefetch = 0 : i64, scratch_operands = 4 : i64, tpu.core_type = #tpu.core_type<sc_vector_subcore>, window_params = [{transform_indices = #map}, {transform_indices = #map1}, {transform_indices = #map1}, {transform_indices = #map1}]} {
    %mul3A = arith.constant 2 : i32
    %mul3A_0 = arith.muli %arg1, %mul3A : i32
    %add3A = arith.addi %mul3A_0, %arg0 : i32
    %jit3A = arith.constant 16 : i32
    %eq3A = arith.constant 0 : i32
    %eq3A_1 = arith.cmpi eq, %jit3A, %eq3A : i32
    %jit3A_2 = arith.constant 1 : i32
    %select_n3A = arith.select %eq3A_1, %jit3A_2, %jit3A : i32
    %rem3A = arith.remsi %add3A, %select_n3A : i32
    %ne3A = arith.constant 0 : i32
    %ne3A_3 = arith.cmpi ne, %rem3A, %ne3A : i32
    %lt3A = arith.constant 0 : i32
    %lt3A_4 = arith.cmpi slt, %rem3A, %lt3A : i32
    %lt3A_5 = arith.constant 0 : i32
    %lt3A_6 = arith.cmpi slt, %select_n3A, %lt3A_5 : i32
    %ne3A_7 = arith.xori %lt3A_4, %lt3A_6 : i1
    %and3A = arith.andi %ne3A_7, %ne3A_3 : i1
    %add3A_8 = arith.addi %rem3A, %select_n3A : i32
    %select_n3A_9 = arith.select %and3A, %add3A_8, %rem3A : i32
    %jit3A_10 = arith.constant 16 : i32
    %div3A = arith.divsi %add3A, %jit3A_10 : i32
    %sign3A = arith.constant 0 : i32
    %sign3A_11 = arith.cmpi sgt, %add3A, %sign3A : i32
    %sign3A_12 = arith.extui %sign3A_11 : i1 to i32
    %sign3A_13 = arith.constant 0 : i32
    %sign3A_14 = arith.cmpi slt, %add3A, %sign3A_13 : i32
    %sign3A_15 = arith.extui %sign3A_14 : i1 to i32
    %sign3A_16 = arith.subi %sign3A_12, %sign3A_15 : i32
    %sign3A_17 = arith.constant 0 : i32
    %sign3A_18 = arith.cmpi sgt, %jit3A_10, %sign3A_17 : i32
    %sign3A_19 = arith.extui %sign3A_18 : i1 to i32
    %sign3A_20 = arith.constant 0 : i32
    %sign3A_21 = arith.cmpi slt, %jit3A_10, %sign3A_20 : i32
    %sign3A_22 = arith.extui %sign3A_21 : i1 to i32
    %sign3A_23 = arith.subi %sign3A_19, %sign3A_22 : i32
    %ne3A_24 = arith.cmpi ne, %sign3A_16, %sign3A_23 : i32
    %rem3A_25 = arith.remsi %add3A, %jit3A_10 : i32
    %ne3A_26 = arith.constant 0 : i32
    %ne3A_27 = arith.cmpi ne, %rem3A_25, %ne3A_26 : i32
    %and3A_28 = arith.andi %ne3A_24, %ne3A_27 : i1
    %sub3A = arith.constant 1 : i32
    %sub3A_29 = arith.subi %div3A, %sub3A : i32
    %select_n3A_30 = arith.select %and3A_28, %sub3A_29, %div3A : i32
    %jit3A_31 = arith.constant 8 : i32
    %div3A_32 = arith.divsi %select_n3A_9, %jit3A_31 : i32
    %sign3A_33 = arith.constant 0 : i32
    %sign3A_34 = arith.cmpi sgt, %select_n3A_9, %sign3A_33 : i32
    %sign3A_35 = arith.extui %sign3A_34 : i1 to i32
    %sign3A_36 = arith.constant 0 : i32
    %sign3A_37 = arith.cmpi slt, %select_n3A_9, %sign3A_36 : i32
    %sign3A_38 = arith.extui %sign3A_37 : i1 to i32
    %sign3A_39 = arith.subi %sign3A_35, %sign3A_38 : i32
    %sign3A_40 = arith.constant 0 : i32
    %sign3A_41 = arith.cmpi sgt, %jit3A_31, %sign3A_40 : i32
    %sign3A_42 = arith.extui %sign3A_41 : i1 to i32
    %sign3A_43 = arith.constant 0 : i32
    %sign3A_44 = arith.cmpi slt, %jit3A_31, %sign3A_43 : i32
    %sign3A_45 = arith.extui %sign3A_44 : i1 to i32
    %sign3A_46 = arith.subi %sign3A_42, %sign3A_45 : i32
    %ne3A_47 = arith.cmpi ne, %sign3A_39, %sign3A_46 : i32
    %rem3A_48 = arith.remsi %select_n3A_9, %jit3A_31 : i32
    %ne3A_49 = arith.constant 0 : i32
    %ne3A_50 = arith.cmpi ne, %rem3A_48, %ne3A_49 : i32
    %and3A_51 = arith.andi %ne3A_47, %ne3A_50 : i1
    %sub3A_52 = arith.constant 1 : i32
    %sub3A_53 = arith.subi %div3A_32, %sub3A_52 : i32
    %select_n3A_54 = arith.select %and3A_51, %sub3A_53, %div3A_32 : i32
    %jit3A_55 = arith.constant 8 : i32
    %eq3A_56 = arith.constant 0 : i32
    %eq3A_57 = arith.cmpi eq, %jit3A_55, %eq3A_56 : i32
    %jit3A_58 = arith.constant 1 : i32
    %select_n3A_59 = arith.select %eq3A_57, %jit3A_58, %jit3A_55 : i32
    %rem3A_60 = arith.remsi %select_n3A_9, %select_n3A_59 : i32
    %ne3A_61 = arith.constant 0 : i32
    %ne3A_62 = arith.cmpi ne, %rem3A_60, %ne3A_61 : i32
    %lt3A_63 = arith.constant 0 : i32
    %lt3A_64 = arith.cmpi slt, %rem3A_60, %lt3A_63 : i32
    %lt3A_65 = arith.constant 0 : i32
    %lt3A_66 = arith.cmpi slt, %select_n3A_59, %lt3A_65 : i32
    %ne3A_67 = arith.xori %lt3A_64, %lt3A_66 : i1
    %and3A_68 = arith.andi %ne3A_67, %ne3A_62 : i1
    %add3A_69 = arith.addi %rem3A_60, %select_n3A_59 : i32
    %select_n3A_70 = arith.select %and3A_68, %add3A_69, %rem3A_60 : i32
    "tpu.region"() ({
      %run_scoped3A = tpu.sem_alloc : memref<!tpu.dma_semaphore, #tpu.memory_space<semaphore_mem>>
      %dma_start3A = arith.constant 0 : i32
      %dma_start3A_90 = tpu.memref_slice %arg2[%select_n3A_54, %select_n3A_70, %dma_start3A] : memref<2x8x66048xi32, #tpu.memory_space<hbm>> -> memref<1x1x66048xi32, #tpu.memory_space<hbm>>
      %dma_start3A_91 = tpu.memref_squeeze %dma_start3A_90 : memref<1x1x66048xi32, #tpu.memory_space<hbm>> -> memref<66048xi32, #tpu.memory_space<hbm>>
      %dma_start3A_92 = arith.constant 0 : i32
      %dma_start3A_93 = tpu.memref_slice %arg2[%select_n3A_54, %select_n3A_70, %dma_start3A_92] : memref<2x8x66048xi32, #tpu.memory_space<hbm>> -> memref<1x1x66048xi32, #tpu.memory_space<hbm>>
      %dma_start3A_94 = tpu.memref_squeeze %dma_start3A_93 : memref<1x1x66048xi32, #tpu.memory_space<hbm>> -> memref<66048xi32, #tpu.memory_space<hbm>>
      tpu.enqueue_dma source(%dma_start3A_94 : memref<66048xi32, #tpu.memory_space<hbm>>) target(%arg6 : memref<66048xi32, #tpu.memory_space<vmem>>) target_semaphore(%run_scoped3A : memref<!tpu.dma_semaphore, #tpu.memory_space<semaphore_mem>>)
      %dma_wait3A = arith.constant 0 : i32
      %dma_wait3A_95 = tpu.memref_slice %arg2[%select_n3A_54, %select_n3A_70, %dma_wait3A] : memref<2x8x66048xi32, #tpu.memory_space<hbm>> -> memref<1x1x66048xi32, #tpu.memory_space<hbm>>
      %dma_wait3A_96 = tpu.memref_squeeze %dma_wait3A_95 : memref<1x1x66048xi32, #tpu.memory_space<hbm>> -> memref<66048xi32, #tpu.memory_space<hbm>>
      %dma_wait3A_97 = arith.constant 0 : i32
      %dma_wait3A_98 = tpu.memref_slice %arg2[%select_n3A_54, %select_n3A_70, %dma_wait3A_97] : memref<2x8x66048xi32, #tpu.memory_space<hbm>> -> memref<1x1x66048xi32, #tpu.memory_space<hbm>>
      %dma_wait3A_99 = tpu.memref_squeeze %dma_wait3A_98 : memref<1x1x66048xi32, #tpu.memory_space<hbm>> -> memref<66048xi32, #tpu.memory_space<hbm>>
      tpu.wait_dma2 semaphore(%run_scoped3A : memref<!tpu.dma_semaphore, #tpu.memory_space<semaphore_mem>>) src(%dma_wait3A_99 : memref<66048xi32, #tpu.memory_space<hbm>>) dst(%arg6 : memref<66048xi32, #tpu.memory_space<vmem>>)
      tpu.yield
    }) : () -> ()
    %mul3A_71 = arith.constant 1024 : i32
    %mul3A_72 = arith.muli %select_n3A_30, %mul3A_71 : i32
    %add3A_73 = arith.constant 0 : i32
    %add3A_74 = arith.addi %mul3A_72, %add3A_73 : i32
    "tpu.region"() ({
      %run_scoped3A = tpu.sem_alloc : memref<!tpu.dma_semaphore, #tpu.memory_space<semaphore_mem>>
      %dma_start3A = arith.constant 0 : i32
      %dma_start3A_90 = tpu.memref_slice %arg3[%select_n3A_54, %select_n3A_70, %dma_start3A, %add3A_74] : memref<2x8x32x2048xi32, #tpu.memory_space<hbm>> -> memref<1x1x32x512xi32, #tpu.memory_space<hbm>>
      %dma_start3A_91 = tpu.memref_squeeze %dma_start3A_90 : memref<1x1x32x512xi32, #tpu.memory_space<hbm>> -> memref<32x512xi32, #tpu.memory_space<hbm>>
      %dma_start3A_92 = arith.constant 0 : i32
      %dma_start3A_93 = tpu.memref_slice %arg3[%select_n3A_54, %select_n3A_70, %dma_start3A_92, %add3A_74] : memref<2x8x32x2048xi32, #tpu.memory_space<hbm>> -> memref<1x1x32x512xi32, #tpu.memory_space<hbm>>
      %dma_start3A_94 = tpu.memref_squeeze %dma_start3A_93 : memref<1x1x32x512xi32, #tpu.memory_space<hbm>> -> memref<32x512xi32, #tpu.memory_space<hbm>>
      tpu.enqueue_dma source(%dma_start3A_94 : memref<32x512xi32, #tpu.memory_space<hbm>>) target(%arg7 : memref<32x512xi32, #tpu.memory_space<vmem>>) target_semaphore(%run_scoped3A : memref<!tpu.dma_semaphore, #tpu.memory_space<semaphore_mem>>)
      %dma_wait3A = arith.constant 0 : i32
      %dma_wait3A_95 = tpu.memref_slice %arg3[%select_n3A_54, %select_n3A_70, %dma_wait3A, %add3A_74] : memref<2x8x32x2048xi32, #tpu.memory_space<hbm>> -> memref<1x1x32x512xi32, #tpu.memory_space<hbm>>
      %dma_wait3A_96 = tpu.memref_squeeze %dma_wait3A_95 : memref<1x1x32x512xi32, #tpu.memory_space<hbm>> -> memref<32x512xi32, #tpu.memory_space<hbm>>
      %dma_wait3A_97 = arith.constant 0 : i32
      %dma_wait3A_98 = tpu.memref_slice %arg3[%select_n3A_54, %select_n3A_70, %dma_wait3A_97, %add3A_74] : memref<2x8x32x2048xi32, #tpu.memory_space<hbm>> -> memref<1x1x32x512xi32, #tpu.memory_space<hbm>>
      %dma_wait3A_99 = tpu.memref_squeeze %dma_wait3A_98 : memref<1x1x32x512xi32, #tpu.memory_space<hbm>> -> memref<32x512xi32, #tpu.memory_space<hbm>>
      tpu.wait_dma2 semaphore(%run_scoped3A : memref<!tpu.dma_semaphore, #tpu.memory_space<semaphore_mem>>) src(%dma_wait3A_99 : memref<32x512xi32, #tpu.memory_space<hbm>>) dst(%arg7 : memref<32x512xi32, #tpu.memory_space<vmem>>)
      tpu.yield
    }) : () -> ()
    "tpu.region"() ({
      %run_scoped3A = tpu.sem_alloc : memref<!tpu.dma_semaphore, #tpu.memory_space<semaphore_mem>>
      %dma_start3A = arith.constant 0 : i32
      %dma_start3A_90 = tpu.memref_slice %arg4[%select_n3A_54, %select_n3A_70, %dma_start3A, %add3A_74] : memref<2x8x32x2048xi32, #tpu.memory_space<hbm>> -> memref<1x1x32x512xi32, #tpu.memory_space<hbm>>
      %dma_start3A_91 = tpu.memref_squeeze %dma_start3A_90 : memref<1x1x32x512xi32, #tpu.memory_space<hbm>> -> memref<32x512xi32, #tpu.memory_space<hbm>>
      %dma_start3A_92 = arith.constant 0 : i32
      %dma_start3A_93 = tpu.memref_slice %arg4[%select_n3A_54, %select_n3A_70, %dma_start3A_92, %add3A_74] : memref<2x8x32x2048xi32, #tpu.memory_space<hbm>> -> memref<1x1x32x512xi32, #tpu.memory_space<hbm>>
      %dma_start3A_94 = tpu.memref_squeeze %dma_start3A_93 : memref<1x1x32x512xi32, #tpu.memory_space<hbm>> -> memref<32x512xi32, #tpu.memory_space<hbm>>
      tpu.enqueue_dma source(%dma_start3A_94 : memref<32x512xi32, #tpu.memory_space<hbm>>) target(%arg8 : memref<32x512xi32, #tpu.memory_space<vmem>>) target_semaphore(%run_scoped3A : memref<!tpu.dma_semaphore, #tpu.memory_space<semaphore_mem>>)
      %dma_wait3A = arith.constant 0 : i32
      %dma_wait3A_95 = tpu.memref_slice %arg4[%select_n3A_54, %select_n3A_70, %dma_wait3A, %add3A_74] : memref<2x8x32x2048xi32, #tpu.memory_space<hbm>> -> memref<1x1x32x512xi32, #tpu.memory_space<hbm>>
      %dma_wait3A_96 = tpu.memref_squeeze %dma_wait3A_95 : memref<1x1x32x512xi32, #tpu.memory_space<hbm>> -> memref<32x512xi32, #tpu.memory_space<hbm>>
      %dma_wait3A_97 = arith.constant 0 : i32
      %dma_wait3A_98 = tpu.memref_slice %arg4[%select_n3A_54, %select_n3A_70, %dma_wait3A_97, %add3A_74] : memref<2x8x32x2048xi32, #tpu.memory_space<hbm>> -> memref<1x1x32x512xi32, #tpu.memory_space<hbm>>
      %dma_wait3A_99 = tpu.memref_squeeze %dma_wait3A_98 : memref<1x1x32x512xi32, #tpu.memory_space<hbm>> -> memref<32x512xi32, #tpu.memory_space<hbm>>
      tpu.wait_dma2 semaphore(%run_scoped3A : memref<!tpu.dma_semaphore, #tpu.memory_space<semaphore_mem>>) src(%dma_wait3A_99 : memref<32x512xi32, #tpu.memory_space<hbm>>) dst(%arg8 : memref<32x512xi32, #tpu.memory_space<vmem>>)
      tpu.yield
    }) : () -> ()
    %scan3A = arith.constant 0 : i32
    %scan3A_75 = arith.constant 0 : i32
    %scan3A_76 = arith.constant 32 : i32
    %scan3A_77 = arith.addi %scan3A_75, %scan3A_76 : i32
    %scan3A_78 = arith.constant 1 : i32
    %scan3A_79 = scf.for %scan3A_90 = %scan3A_75 to %scan3A_77 step %scan3A_78 iter_args(%scan3A_91 = %scan3A) -> (i32)  : i32 {
      %mul3A_92 = arith.constant 16 : i32
      %mul3A_93 = arith.muli %scan3A_90, %mul3A_92 : i32
      %broadcast_in_dim3A = arith.constant 0.000000e+00 : bf16
      %broadcast_in_dim3A_94 = vector.broadcast %broadcast_in_dim3A : bf16 to vector<32xbf16>
      %broadcast_in_dim3A_95 = arith.constant 0.000000e+00 : bf16
      %broadcast_in_dim3A_96 = vector.broadcast %broadcast_in_dim3A_95 : bf16 to vector<32xbf16>
      %broadcast_in_dim3A_97 = arith.constant 0.000000e+00 : bf16
      %broadcast_in_dim3A_98 = vector.broadcast %broadcast_in_dim3A_97 : bf16 to vector<32xbf16>
      %broadcast_in_dim3A_99 = arith.constant 0.000000e+00 : bf16
      %broadcast_in_dim3A_100 = vector.broadcast %broadcast_in_dim3A_99 : bf16 to vector<32xbf16>
      %broadcast_in_dim3A_101 = arith.constant 0.000000e+00 : bf16
      %broadcast_in_dim3A_102 = vector.broadcast %broadcast_in_dim3A_101 : bf16 to vector<32xbf16>
      %broadcast_in_dim3A_103 = arith.constant 0.000000e+00 : bf16
      %broadcast_in_dim3A_104 = vector.broadcast %broadcast_in_dim3A_103 : bf16 to vector<32xbf16>
      %broadcast_in_dim3A_105 = arith.constant 0.000000e+00 : bf16
      %broadcast_in_dim3A_106 = vector.broadcast %broadcast_in_dim3A_105 : bf16 to vector<32xbf16>
      %broadcast_in_dim3A_107 = arith.constant 0.000000e+00 : bf16
      %broadcast_in_dim3A_108 = vector.broadcast %broadcast_in_dim3A_107 : bf16 to vector<32xbf16>
      %broadcast_in_dim3A_109 = arith.constant 0.000000e+00 : bf16
      %broadcast_in_dim3A_110 = vector.broadcast %broadcast_in_dim3A_109 : bf16 to vector<32xbf16>
      %broadcast_in_dim3A_111 = arith.constant 0.000000e+00 : bf16
      %broadcast_in_dim3A_112 = vector.broadcast %broadcast_in_dim3A_111 : bf16 to vector<32xbf16>
      %broadcast_in_dim3A_113 = arith.constant 0.000000e+00 : bf16
      %broadcast_in_dim3A_114 = vector.broadcast %broadcast_in_dim3A_113 : bf16 to vector<32xbf16>
      %broadcast_in_dim3A_115 = arith.constant 0.000000e+00 : bf16
      %broadcast_in_dim3A_116 = vector.broadcast %broadcast_in_dim3A_115 : bf16 to vector<32xbf16>
      %broadcast_in_dim3A_117 = arith.constant 0.000000e+00 : bf16
      %broadcast_in_dim3A_118 = vector.broadcast %broadcast_in_dim3A_117 : bf16 to vector<32xbf16>
      %broadcast_in_dim3A_119 = arith.constant 0.000000e+00 : bf16
      %broadcast_in_dim3A_120 = vector.broadcast %broadcast_in_dim3A_119 : bf16 to vector<32xbf16>
      %broadcast_in_dim3A_121 = arith.constant 0.000000e+00 : bf16
      %broadcast_in_dim3A_122 = vector.broadcast %broadcast_in_dim3A_121 : bf16 to vector<32xbf16>
      %broadcast_in_dim3A_123 = arith.constant 0.000000e+00 : bf16
      %broadcast_in_dim3A_124 = vector.broadcast %broadcast_in_dim3A_123 : bf16 to vector<32xbf16>
      %broadcast_in_dim3A_125 = arith.constant 0.000000e+00 : bf16
      %broadcast_in_dim3A_126 = vector.broadcast %broadcast_in_dim3A_125 : bf16 to vector<32xbf16>
      %broadcast_in_dim3A_127 = arith.constant 0.000000e+00 : bf16
      %broadcast_in_dim3A_128 = vector.broadcast %broadcast_in_dim3A_127 : bf16 to vector<32xbf16>
      %broadcast_in_dim3A_129 = arith.constant 0.000000e+00 : bf16
      %broadcast_in_dim3A_130 = vector.broadcast %broadcast_in_dim3A_129 : bf16 to vector<32xbf16>
      %broadcast_in_dim3A_131 = arith.constant 0.000000e+00 : bf16
      %broadcast_in_dim3A_132 = vector.broadcast %broadcast_in_dim3A_131 : bf16 to vector<32xbf16>
      %broadcast_in_dim3A_133 = arith.constant 0.000000e+00 : bf16
      %broadcast_in_dim3A_134 = vector.broadcast %broadcast_in_dim3A_133 : bf16 to vector<32xbf16>
      %broadcast_in_dim3A_135 = arith.constant 0.000000e+00 : bf16
      %broadcast_in_dim3A_136 = vector.broadcast %broadcast_in_dim3A_135 : bf16 to vector<32xbf16>
      %broadcast_in_dim3A_137 = arith.constant 0.000000e+00 : bf16
      %broadcast_in_dim3A_138 = vector.broadcast %broadcast_in_dim3A_137 : bf16 to vector<32xbf16>
      %broadcast_in_dim3A_139 = arith.constant 0.000000e+00 : bf16
      %broadcast_in_dim3A_140 = vector.broadcast %broadcast_in_dim3A_139 : bf16 to vector<32xbf16>
      %broadcast_in_dim3A_141 = arith.constant 0.000000e+00 : bf16
      %broadcast_in_dim3A_142 = vector.broadcast %broadcast_in_dim3A_141 : bf16 to vector<32xbf16>
      %broadcast_in_dim3A_143 = arith.constant 0.000000e+00 : bf16
      %broadcast_in_dim3A_144 = vector.broadcast %broadcast_in_dim3A_143 : bf16 to vector<32xbf16>
      %broadcast_in_dim3A_145 = arith.constant 0.000000e+00 : bf16
      %broadcast_in_dim3A_146 = vector.broadcast %broadcast_in_dim3A_145 : bf16 to vector<32xbf16>
      %broadcast_in_dim3A_147 = arith.constant 0.000000e+00 : bf16
      %broadcast_in_dim3A_148 = vector.broadcast %broadcast_in_dim3A_147 : bf16 to vector<32xbf16>
      %broadcast_in_dim3A_149 = arith.constant 0.000000e+00 : bf16
      %broadcast_in_dim3A_150 = vector.broadcast %broadcast_in_dim3A_149 : bf16 to vector<32xbf16>
      %broadcast_in_dim3A_151 = arith.constant 0.000000e+00 : bf16
      %broadcast_in_dim3A_152 = vector.broadcast %broadcast_in_dim3A_151 : bf16 to vector<32xbf16>
      %broadcast_in_dim3A_153 = arith.constant 0.000000e+00 : bf16
      %broadcast_in_dim3A_154 = vector.broadcast %broadcast_in_dim3A_153 : bf16 to vector<32xbf16>
      %broadcast_in_dim3A_155 = arith.constant 0.000000e+00 : bf16
      %broadcast_in_dim3A_156 = vector.broadcast %broadcast_in_dim3A_155 : bf16 to vector<32xbf16>
      %parallel_loop3A = arith.constant 0 : i32
      %parallel_loop3A_157 = arith.constant 32 : i32
      %parallel_loop3A_158 = arith.constant 1 : i32
      %parallel_loop3A_159:32 = scf.for %parallel_loop3A_383 = %parallel_loop3A to %parallel_loop3A_157 step %parallel_loop3A_158 iter_args(%parallel_loop3A_384 = %broadcast_in_dim3A_94, %parallel_loop3A_385 = %broadcast_in_dim3A_96, %parallel_loop3A_386 = %broadcast_in_dim3A_98, %parallel_loop3A_387 = %broadcast_in_dim3A_100, %parallel_loop3A_388 = %broadcast_in_dim3A_102, %parallel_loop3A_389 = %broadcast_in_dim3A_104, %parallel_loop3A_390 = %broadcast_in_dim3A_106, %parallel_loop3A_391 = %broadcast_in_dim3A_108, %parallel_loop3A_392 = %broadcast_in_dim3A_110, %parallel_loop3A_393 = %broadcast_in_dim3A_112, %parallel_loop3A_394 = %broadcast_in_dim3A_114, %parallel_loop3A_395 = %broadcast_in_dim3A_116, %parallel_loop3A_396 = %broadcast_in_dim3A_118, %parallel_loop3A_397 = %broadcast_in_dim3A_120, %parallel_loop3A_398 = %broadcast_in_dim3A_122, %parallel_loop3A_399 = %broadcast_in_dim3A_124, %parallel_loop3A_400 = %broadcast_in_dim3A_126, %parallel_loop3A_401 = %broadcast_in_dim3A_128, %parallel_loop3A_402 = %broadcast_in_dim3A_130, %parallel_loop3A_403 = %broadcast_in_dim3A_132, %parallel_loop3A_404 = %broadcast_in_dim3A_134, %parallel_loop3A_405 = %broadcast_in_dim3A_136, %parallel_loop3A_406 = %broadcast_in_dim3A_138, %parallel_loop3A_407 = %broadcast_in_dim3A_140, %parallel_loop3A_408 = %broadcast_in_dim3A_142, %parallel_loop3A_409 = %broadcast_in_dim3A_144, %parallel_loop3A_410 = %broadcast_in_dim3A_146, %parallel_loop3A_411 = %broadcast_in_dim3A_148, %parallel_loop3A_412 = %broadcast_in_dim3A_150, %parallel_loop3A_413 = %broadcast_in_dim3A_152, %parallel_loop3A_414 = %broadcast_in_dim3A_154, %parallel_loop3A_415 = %broadcast_in_dim3A_156) -> (vector<32xbf16>, vector<32xbf16>, vector<32xbf16>, vector<32xbf16>, vector<32xbf16>, vector<32xbf16>, vector<32xbf16>, vector<32xbf16>, vector<32xbf16>, vector<32xbf16>, vector<32xbf16>, vector<32xbf16>, vector<32xbf16>, vector<32xbf16>, vector<32xbf16>, vector<32xbf16>, vector<32xbf16>, vector<32xbf16>, vector<32xbf16>, vector<32xbf16>, vector<32xbf16>, vector<32xbf16>, vector<32xbf16>, vector<32xbf16>, vector<32xbf16>, vector<32xbf16>, vector<32xbf16>, vector<32xbf16>, vector<32xbf16>, vector<32xbf16>, vector<32xbf16>, vector<32xbf16>)  : i32 {
        %parallel_loop3A_416 = arith.index_cast %parallel_loop3A_383 : i32 to index
        %parallel_loop3A_417 = arith.index_cast %mul3A_93 : i32 to index
        %parallel_loop3A_418 = tpu.vector_load %arg8[%parallel_loop3A_416, %parallel_loop3A_417] {strides = array<i32>} : memref<32x512xi32, #tpu.memory_space<vmem>>, vector<16xi32>,
        %parallel_loop3A_419 = arith.index_cast %parallel_loop3A_383 : i32 to index
        %parallel_loop3A_420 = arith.index_cast %mul3A_93 : i32 to index
        %parallel_loop3A_421 = tpu.vector_load %arg7[%parallel_loop3A_419, %parallel_loop3A_420] {strides = array<i32>} : memref<32x512xi32, #tpu.memory_space<vmem>>, vector<16xi32>,
        %parallel_loop3A_422 = vector.bitcast %parallel_loop3A_421 : vector<16xi32> to vector<32xbf16>
        %parallel_loop3A_423 = arith.constant 0 : i32
        %parallel_loop3A_424 = tpu.memref_slice %arg6[%parallel_loop3A_423] : memref<66048xi32, #tpu.memory_space<vmem>> -> memref<2064xi32, #tpu.memory_space<vmem>>
        %parallel_loop3A_425 = tpu.vector_load_idx %parallel_loop3A_424[%parallel_loop3A_418] : memref<2064xi32, #tpu.memory_space<vmem>>[vector<16xi32>], vector<16xi32>,
        %parallel_loop3A_426 = vector.bitcast %parallel_loop3A_425 : vector<16xi32> to vector<32xbf16>
        %parallel_loop3A_427 = arith.mulf %parallel_loop3A_426, %parallel_loop3A_422 : vector<32xbf16>
        %parallel_loop3A_428 = arith.addf %parallel_loop3A_384, %parallel_loop3A_427 : vector<32xbf16>
        %parallel_loop3A_429 = arith.constant 2064 : i32
        %parallel_loop3A_430 = tpu.memref_slice %arg6[%parallel_loop3A_429] : memref<66048xi32, #tpu.memory_space<vmem>> -> memref<2064xi32, #tpu.memory_space<vmem>>
        %parallel_loop3A_431 = tpu.vector_load_idx %parallel_loop3A_430[%parallel_loop3A_418] : memref<2064xi32, #tpu.memory_space<vmem>>[vector<16xi32>], vector<16xi32>,
        %parallel_loop3A_432 = vector.bitcast %parallel_loop3A_431 : vector<16xi32> to vector<32xbf16>
        %parallel_loop3A_433 = arith.mulf %parallel_loop3A_432, %parallel_loop3A_422 : vector<32xbf16>
        %parallel_loop3A_434 = arith.addf %parallel_loop3A_385, %parallel_loop3A_433 : vector<32xbf16>
        %parallel_loop3A_435 = arith.constant 4128 : i32
        %parallel_loop3A_436 = tpu.memref_slice %arg6[%parallel_loop3A_435] : memref<66048xi32, #tpu.memory_space<vmem>> -> memref<2064xi32, #tpu.memory_space<vmem>>
        %parallel_loop3A_437 = tpu.vector_load_idx %parallel_loop3A_436[%parallel_loop3A_418] : memref<2064xi32, #tpu.memory_space<vmem>>[vector<16xi32>], vector<16xi32>,
        %parallel_loop3A_438 = vector.bitcast %parallel_loop3A_437 : vector<16xi32> to vector<32xbf16>
        %parallel_loop3A_439 = arith.mulf %parallel_loop3A_438, %parallel_loop3A_422 : vector<32xbf16>
        %parallel_loop3A_440 = arith.addf %parallel_loop3A_386, %parallel_loop3A_439 : vector<32xbf16>
        %parallel_loop3A_441 = arith.constant 6192 : i32
        %parallel_loop3A_442 = tpu.memref_slice %arg6[%parallel_loop3A_441] : memref<66048xi32, #tpu.memory_space<vmem>> -> memref<2064xi32, #tpu.memory_space<vmem>>
        %parallel_loop3A_443 = tpu.vector_load_idx %parallel_loop3A_442[%parallel_loop3A_418] : memref<2064xi32, #tpu.memory_space<vmem>>[vector<16xi32>], vector<16xi32>,
        %parallel_loop3A_444 = vector.bitcast %parallel_loop3A_443 : vector<16xi32> to vector<32xbf16>
        %parallel_loop3A_445 = arith.mulf %parallel_loop3A_444, %parallel_loop3A_422 : vector<32xbf16>
        %parallel_loop3A_446 = arith.addf %parallel_loop3A_387, %parallel_loop3A_445 : vector<32xbf16>
        %parallel_loop3A_447 = arith.constant 8256 : i32
        %parallel_loop3A_448 = tpu.memref_slice %arg6[%parallel_loop3A_447] : memref<66048xi32, #tpu.memory_space<vmem>> -> memref<2064xi32, #tpu.memory_space<vmem>>
        %parallel_loop3A_449 = tpu.vector_load_idx %parallel_loop3A_448[%parallel_loop3A_418] : memref<2064xi32, #tpu.memory_space<vmem>>[vector<16xi32>], vector<16xi32>,
        %parallel_loop3A_450 = vector.bitcast %parallel_loop3A_449 : vector<16xi32> to vector<32xbf16>
        %parallel_loop3A_451 = arith.mulf %parallel_loop3A_450, %parallel_loop3A_422 : vector<32xbf16>
        %parallel_loop3A_452 = arith.addf %parallel_loop3A_388, %parallel_loop3A_451 : vector<32xbf16>
        %parallel_loop3A_453 = arith.constant 10320 : i32
        %parallel_loop3A_454 = tpu.memref_slice %arg6[%parallel_loop3A_453] : memref<66048xi32, #tpu.memory_space<vmem>> -> memref<2064xi32, #tpu.memory_space<vmem>>
        %parallel_loop3A_455 = tpu.vector_load_idx %parallel_loop3A_454[%parallel_loop3A_418] : memref<2064xi32, #tpu.memory_space<vmem>>[vector<16xi32>], vector<16xi32>,
        %parallel_loop3A_456 = vector.bitcast %parallel_loop3A_455 : vector<16xi32> to vector<32xbf16>
        %parallel_loop3A_457 = arith.mulf %parallel_loop3A_456, %parallel_loop3A_422 : vector<32xbf16>
        %parallel_loop3A_458 = arith.addf %parallel_loop3A_389, %parallel_loop3A_457 : vector<32xbf16>
        %parallel_loop3A_459 = arith.constant 12384 : i32
        %parallel_loop3A_460 = tpu.memref_slice %arg6[%parallel_loop3A_459] : memref<66048xi32, #tpu.memory_space<vmem>> -> memref<2064xi32, #tpu.memory_space<vmem>>
        %parallel_loop3A_461 = tpu.vector_load_idx %parallel_loop3A_460[%parallel_loop3A_418] : memref<2064xi32, #tpu.memory_space<vmem>>[vector<16xi32>], vector<16xi32>,
        %parallel_loop3A_462 = vector.bitcast %parallel_loop3A_461 : vector<16xi32> to vector<32xbf16>
        %parallel_loop3A_463 = arith.mulf %parallel_loop3A_462, %parallel_loop3A_422 : vector<32xbf16>
        %parallel_loop3A_464 = arith.addf %parallel_loop3A_390, %parallel_loop3A_463 : vector<32xbf16>
        %parallel_loop3A_465 = arith.constant 14448 : i32
        %parallel_loop3A_466 = tpu.memref_slice %arg6[%parallel_loop3A_465] : memref<66048xi32, #tpu.memory_space<vmem>> -> memref<2064xi32, #tpu.memory_space<vmem>>
        %parallel_loop3A_467 = tpu.vector_load_idx %parallel_loop3A_466[%parallel_loop3A_418] : memref<2064xi32, #tpu.memory_space<vmem>>[vector<16xi32>], vector<16xi32>,
        %parallel_loop3A_468 = vector.bitcast %parallel_loop3A_467 : vector<16xi32> to vector<32xbf16>
        %parallel_loop3A_469 = arith.mulf %parallel_loop3A_468, %parallel_loop3A_422 : vector<32xbf16>
        %parallel_loop3A_470 = arith.addf %parallel_loop3A_391, %parallel_loop3A_469 : vector<32xbf16>
        %parallel_loop3A_471 = arith.constant 16512 : i32
        %parallel_loop3A_472 = tpu.memref_slice %arg6[%parallel_loop3A_471] : memref<66048xi32, #tpu.memory_space<vmem>> -> memref<2064xi32, #tpu.memory_space<vmem>>
        %parallel_loop3A_473 = tpu.vector_load_idx %parallel_loop3A_472[%parallel_loop3A_418] : memref<2064xi32, #tpu.memory_space<vmem>>[vector<16xi32>], vector<16xi32>,
        %parallel_loop3A_474 = vector.bitcast %parallel_loop3A_473 : vector<16xi32> to vector<32xbf16>
        %parallel_loop3A_475 = arith.mulf %parallel_loop3A_474, %parallel_loop3A_422 : vector<32xbf16>
        %parallel_loop3A_476 = arith.addf %parallel_loop3A_392, %parallel_loop3A_475 : vector<32xbf16>
        %parallel_loop3A_477 = arith.constant 18576 : i32
        %parallel_loop3A_478 = tpu.memref_slice %arg6[%parallel_loop3A_477] : memref<66048xi32, #tpu.memory_space<vmem>> -> memref<2064xi32, #tpu.memory_space<vmem>>
        %parallel_loop3A_479 = tpu.vector_load_idx %parallel_loop3A_478[%parallel_loop3A_418] : memref<2064xi32, #tpu.memory_space<vmem>>[vector<16xi32>], vector<16xi32>,
        %parallel_loop3A_480 = vector.bitcast %parallel_loop3A_479 : vector<16xi32> to vector<32xbf16>
        %parallel_loop3A_481 = arith.mulf %parallel_loop3A_480, %parallel_loop3A_422 : vector<32xbf16>
        %parallel_loop3A_482 = arith.addf %parallel_loop3A_393, %parallel_loop3A_481 : vector<32xbf16>
        %parallel_loop3A_483 = arith.constant 20640 : i32
        %parallel_loop3A_484 = tpu.memref_slice %arg6[%parallel_loop3A_483] : memref<66048xi32, #tpu.memory_space<vmem>> -> memref<2064xi32, #tpu.memory_space<vmem>>
        %parallel_loop3A_485 = tpu.vector_load_idx %parallel_loop3A_484[%parallel_loop3A_418] : memref<2064xi32, #tpu.memory_space<vmem>>[vector<16xi32>], vector<16xi32>,
        %parallel_loop3A_486 = vector.bitcast %parallel_loop3A_485 : vector<16xi32> to vector<32xbf16>
        %parallel_loop3A_487 = arith.mulf %parallel_loop3A_486, %parallel_loop3A_422 : vector<32xbf16>
        %parallel_loop3A_488 = arith.addf %parallel_loop3A_394, %parallel_loop3A_487 : vector<32xbf16>
        %parallel_loop3A_489 = arith.constant 22704 : i32
        %parallel_loop3A_490 = tpu.memref_slice %arg6[%parallel_loop3A_489] : memref<66048xi32, #tpu.memory_space<vmem>> -> memref<2064xi32, #tpu.memory_space<vmem>>
        %parallel_loop3A_491 = tpu.vector_load_idx %parallel_loop3A_490[%parallel_loop3A_418] : memref<2064xi32, #tpu.memory_space<vmem>>[vector<16xi32>], vector<16xi32>,
        %parallel_loop3A_492 = vector.bitcast %parallel_loop3A_491 : vector<16xi32> to vector<32xbf16>
        %parallel_loop3A_493 = arith.mulf %parallel_loop3A_492, %parallel_loop3A_422 : vector<32xbf16>
        %parallel_loop3A_494 = arith.addf %parallel_loop3A_395, %parallel_loop3A_493 : vector<32xbf16>
        %parallel_loop3A_495 = arith.constant 24768 : i32
        %parallel_loop3A_496 = tpu.memref_slice %arg6[%parallel_loop3A_495] : memref<66048xi32, #tpu.memory_space<vmem>> -> memref<2064xi32, #tpu.memory_space<vmem>>
        %parallel_loop3A_497 = tpu.vector_load_idx %parallel_loop3A_496[%parallel_loop3A_418] : memref<2064xi32, #tpu.memory_space<vmem>>[vector<16xi32>], vector<16xi32>,
        %parallel_loop3A_498 = vector.bitcast %parallel_loop3A_497 : vector<16xi32> to vector<32xbf16>
        %parallel_loop3A_499 = arith.mulf %parallel_loop3A_498, %parallel_loop3A_422 : vector<32xbf16>
        %parallel_loop3A_500 = arith.addf %parallel_loop3A_396, %parallel_loop3A_499 : vector<32xbf16>
        %parallel_loop3A_501 = arith.constant 26832 : i32
        %parallel_loop3A_502 = tpu.memref_slice %arg6[%parallel_loop3A_501] : memref<66048xi32, #tpu.memory_space<vmem>> -> memref<2064xi32, #tpu.memory_space<vmem>>
        %parallel_loop3A_503 = tpu.vector_load_idx %parallel_loop3A_502[%parallel_loop3A_418] : memref<2064xi32, #tpu.memory_space<vmem>>[vector<16xi32>], vector<16xi32>,
        %parallel_loop3A_504 = vector.bitcast %parallel_loop3A_503 : vector<16xi32> to vector<32xbf16>
        %parallel_loop3A_505 = arith.mulf %parallel_loop3A_504, %parallel_loop3A_422 : vector<32xbf16>
        %parallel_loop3A_506 = arith.addf %parallel_loop3A_397, %parallel_loop3A_505 : vector<32xbf16>
        %parallel_loop3A_507 = arith.constant 28896 : i32
        %parallel_loop3A_508 = tpu.memref_slice %arg6[%parallel_loop3A_507] : memref<66048xi32, #tpu.memory_space<vmem>> -> memref<2064xi32, #tpu.memory_space<vmem>>
        %parallel_loop3A_509 = tpu.vector_load_idx %parallel_loop3A_508[%parallel_loop3A_418] : memref<2064xi32, #tpu.memory_space<vmem>>[vector<16xi32>], vector<16xi32>,
        %parallel_loop3A_510 = vector.bitcast %parallel_loop3A_509 : vector<16xi32> to vector<32xbf16>
        %parallel_loop3A_511 = arith.mulf %parallel_loop3A_510, %parallel_loop3A_422 : vector<32xbf16>
        %parallel_loop3A_512 = arith.addf %parallel_loop3A_398, %parallel_loop3A_511 : vector<32xbf16>
        %parallel_loop3A_513 = arith.constant 30960 : i32
        %parallel_loop3A_514 = tpu.memref_slice %arg6[%parallel_loop3A_513] : memref<66048xi32, #tpu.memory_space<vmem>> -> memref<2064xi32, #tpu.memory_space<vmem>>
        %parallel_loop3A_515 = tpu.vector_load_idx %parallel_loop3A_514[%parallel_loop3A_418] : memref<2064xi32, #tpu.memory_space<vmem>>[vector<16xi32>], vector<16xi32>,
        %parallel_loop3A_516 = vector.bitcast %parallel_loop3A_515 : vector<16xi32> to vector<32xbf16>
        %parallel_loop3A_517 = arith.mulf %parallel_loop3A_516, %parallel_loop3A_422 : vector<32xbf16>
        %parallel_loop3A_518 = arith.addf %parallel_loop3A_399, %parallel_loop3A_517 : vector<32xbf16>
        %parallel_loop3A_519 = arith.constant 33024 : i32
        %parallel_loop3A_520 = tpu.memref_slice %arg6[%parallel_loop3A_519] : memref<66048xi32, #tpu.memory_space<vmem>> -> memref<2064xi32, #tpu.memory_space<vmem>>
        %parallel_loop3A_521 = tpu.vector_load_idx %parallel_loop3A_520[%parallel_loop3A_418] : memref<2064xi32, #tpu.memory_space<vmem>>[vector<16xi32>], vector<16xi32>,
        %parallel_loop3A_522 = vector.bitcast %parallel_loop3A_521 : vector<16xi32> to vector<32xbf16>
        %parallel_loop3A_523 = arith.mulf %parallel_loop3A_522, %parallel_loop3A_422 : vector<32xbf16>
        %parallel_loop3A_524 = arith.addf %parallel_loop3A_400, %parallel_loop3A_523 : vector<32xbf16>
        %parallel_loop3A_525 = arith.constant 35088 : i32
        %parallel_loop3A_526 = tpu.memref_slice %arg6[%parallel_loop3A_525] : memref<66048xi32, #tpu.memory_space<vmem>> -> memref<2064xi32, #tpu.memory_space<vmem>>
        %parallel_loop3A_527 = tpu.vector_load_idx %parallel_loop3A_526[%parallel_loop3A_418] : memref<2064xi32, #tpu.memory_space<vmem>>[vector<16xi32>], vector<16xi32>,
        %parallel_loop3A_528 = vector.bitcast %parallel_loop3A_527 : vector<16xi32> to vector<32xbf16>
        %parallel_loop3A_529 = arith.mulf %parallel_loop3A_528, %parallel_loop3A_422 : vector<32xbf16>
        %parallel_loop3A_530 = arith.addf %parallel_loop3A_401, %parallel_loop3A_529 : vector<32xbf16>
        %parallel_loop3A_531 = arith.constant 37152 : i32
        %parallel_loop3A_532 = tpu.memref_slice %arg6[%parallel_loop3A_531] : memref<66048xi32, #tpu.memory_space<vmem>> -> memref<2064xi32, #tpu.memory_space<vmem>>
        %parallel_loop3A_533 = tpu.vector_load_idx %parallel_loop3A_532[%parallel_loop3A_418] : memref<2064xi32, #tpu.memory_space<vmem>>[vector<16xi32>], vector<16xi32>,
        %parallel_loop3A_534 = vector.bitcast %parallel_loop3A_533 : vector<16xi32> to vector<32xbf16>
        %parallel_loop3A_535 = arith.mulf %parallel_loop3A_534, %parallel_loop3A_422 : vector<32xbf16>
        %parallel_loop3A_536 = arith.addf %parallel_loop3A_402, %parallel_loop3A_535 : vector<32xbf16>
        %parallel_loop3A_537 = arith.constant 39216 : i32
        %parallel_loop3A_538 = tpu.memref_slice %arg6[%parallel_loop3A_537] : memref<66048xi32, #tpu.memory_space<vmem>> -> memref<2064xi32, #tpu.memory_space<vmem>>
        %parallel_loop3A_539 = tpu.vector_load_idx %parallel_loop3A_538[%parallel_loop3A_418] : memref<2064xi32, #tpu.memory_space<vmem>>[vector<16xi32>], vector<16xi32>,
        %parallel_loop3A_540 = vector.bitcast %parallel_loop3A_539 : vector<16xi32> to vector<32xbf16>
        %parallel_loop3A_541 = arith.mulf %parallel_loop3A_540, %parallel_loop3A_422 : vector<32xbf16>
        %parallel_loop3A_542 = arith.addf %parallel_loop3A_403, %parallel_loop3A_541 : vector<32xbf16>
        %parallel_loop3A_543 = arith.constant 41280 : i32
        %parallel_loop3A_544 = tpu.memref_slice %arg6[%parallel_loop3A_543] : memref<66048xi32, #tpu.memory_space<vmem>> -> memref<2064xi32, #tpu.memory_space<vmem>>
        %parallel_loop3A_545 = tpu.vector_load_idx %parallel_loop3A_544[%parallel_loop3A_418] : memref<2064xi32, #tpu.memory_space<vmem>>[vector<16xi32>], vector<16xi32>,
        %parallel_loop3A_546 = vector.bitcast %parallel_loop3A_545 : vector<16xi32> to vector<32xbf16>
        %parallel_loop3A_547 = arith.mulf %parallel_loop3A_546, %parallel_loop3A_422 : vector<32xbf16>
        %parallel_loop3A_548 = arith.addf %parallel_loop3A_404, %parallel_loop3A_547 : vector<32xbf16>
        %parallel_loop3A_549 = arith.constant 43344 : i32
        %parallel_loop3A_550 = tpu.memref_slice %arg6[%parallel_loop3A_549] : memref<66048xi32, #tpu.memory_space<vmem>> -> memref<2064xi32, #tpu.memory_space<vmem>>
        %parallel_loop3A_551 = tpu.vector_load_idx %parallel_loop3A_550[%parallel_loop3A_418] : memref<2064xi32, #tpu.memory_space<vmem>>[vector<16xi32>], vector<16xi32>,
        %parallel_loop3A_552 = vector.bitcast %parallel_loop3A_551 : vector<16xi32> to vector<32xbf16>
        %parallel_loop3A_553 = arith.mulf %parallel_loop3A_552, %parallel_loop3A_422 : vector<32xbf16>
        %parallel_loop3A_554 = arith.addf %parallel_loop3A_405, %parallel_loop3A_553 : vector<32xbf16>
        %parallel_loop3A_555 = arith.constant 45408 : i32
        %parallel_loop3A_556 = tpu.memref_slice %arg6[%parallel_loop3A_555] : memref<66048xi32, #tpu.memory_space<vmem>> -> memref<2064xi32, #tpu.memory_space<vmem>>
        %parallel_loop3A_557 = tpu.vector_load_idx %parallel_loop3A_556[%parallel_loop3A_418] : memref<2064xi32, #tpu.memory_space<vmem>>[vector<16xi32>], vector<16xi32>,
        %parallel_loop3A_558 = vector.bitcast %parallel_loop3A_557 : vector<16xi32> to vector<32xbf16>
        %parallel_loop3A_559 = arith.mulf %parallel_loop3A_558, %parallel_loop3A_422 : vector<32xbf16>
        %parallel_loop3A_560 = arith.addf %parallel_loop3A_406, %parallel_loop3A_559 : vector<32xbf16>
        %parallel_loop3A_561 = arith.constant 47472 : i32
        %parallel_loop3A_562 = tpu.memref_slice %arg6[%parallel_loop3A_561] : memref<66048xi32, #tpu.memory_space<vmem>> -> memref<2064xi32, #tpu.memory_space<vmem>>
        %parallel_loop3A_563 = tpu.vector_load_idx %parallel_loop3A_562[%parallel_loop3A_418] : memref<2064xi32, #tpu.memory_space<vmem>>[vector<16xi32>], vector<16xi32>,
        %parallel_loop3A_564 = vector.bitcast %parallel_loop3A_563 : vector<16xi32> to vector<32xbf16>
        %parallel_loop3A_565 = arith.mulf %parallel_loop3A_564, %parallel_loop3A_422 : vector<32xbf16>
        %parallel_loop3A_566 = arith.addf %parallel_loop3A_407, %parallel_loop3A_565 : vector<32xbf16>
        %parallel_loop3A_567 = arith.constant 49536 : i32
        %parallel_loop3A_568 = tpu.memref_slice %arg6[%parallel_loop3A_567] : memref<66048xi32, #tpu.memory_space<vmem>> -> memref<2064xi32, #tpu.memory_space<vmem>>
        %parallel_loop3A_569 = tpu.vector_load_idx %parallel_loop3A_568[%parallel_loop3A_418] : memref<2064xi32, #tpu.memory_space<vmem>>[vector<16xi32>], vector<16xi32>,
        %parallel_loop3A_570 = vector.bitcast %parallel_loop3A_569 : vector<16xi32> to vector<32xbf16>
        %parallel_loop3A_571 = arith.mulf %parallel_loop3A_570, %parallel_loop3A_422 : vector<32xbf16>
        %parallel_loop3A_572 = arith.addf %parallel_loop3A_408, %parallel_loop3A_571 : vector<32xbf16>
        %parallel_loop3A_573 = arith.constant 51600 : i32
        %parallel_loop3A_574 = tpu.memref_slice %arg6[%parallel_loop3A_573] : memref<66048xi32, #tpu.memory_space<vmem>> -> memref<2064xi32, #tpu.memory_space<vmem>>
        %parallel_loop3A_575 = tpu.vector_load_idx %parallel_loop3A_574[%parallel_loop3A_418] : memref<2064xi32, #tpu.memory_space<vmem>>[vector<16xi32>], vector<16xi32>,
        %parallel_loop3A_576 = vector.bitcast %parallel_loop3A_575 : vector<16xi32> to vector<32xbf16>
        %parallel_loop3A_577 = arith.mulf %parallel_loop3A_576, %parallel_loop3A_422 : vector<32xbf16>
        %parallel_loop3A_578 = arith.addf %parallel_loop3A_409, %parallel_loop3A_577 : vector<32xbf16>
        %parallel_loop3A_579 = arith.constant 53664 : i32
        %parallel_loop3A_580 = tpu.memref_slice %arg6[%parallel_loop3A_579] : memref<66048xi32, #tpu.memory_space<vmem>> -> memref<2064xi32, #tpu.memory_space<vmem>>
        %parallel_loop3A_581 = tpu.vector_load_idx %parallel_loop3A_580[%parallel_loop3A_418] : memref<2064xi32, #tpu.memory_space<vmem>>[vector<16xi32>], vector<16xi32>,
        %parallel_loop3A_582 = vector.bitcast %parallel_loop3A_581 : vector<16xi32> to vector<32xbf16>
        %parallel_loop3A_583 = arith.mulf %parallel_loop3A_582, %parallel_loop3A_422 : vector<32xbf16>
        %parallel_loop3A_584 = arith.addf %parallel_loop3A_410, %parallel_loop3A_583 : vector<32xbf16>
        %parallel_loop3A_585 = arith.constant 55728 : i32
        %parallel_loop3A_586 = tpu.memref_slice %arg6[%parallel_loop3A_585] : memref<66048xi32, #tpu.memory_space<vmem>> -> memref<2064xi32, #tpu.memory_space<vmem>>
        %parallel_loop3A_587 = tpu.vector_load_idx %parallel_loop3A_586[%parallel_loop3A_418] : memref<2064xi32, #tpu.memory_space<vmem>>[vector<16xi32>], vector<16xi32>,
        %parallel_loop3A_588 = vector.bitcast %parallel_loop3A_587 : vector<16xi32> to vector<32xbf16>
        %parallel_loop3A_589 = arith.mulf %parallel_loop3A_588, %parallel_loop3A_422 : vector<32xbf16>
        %parallel_loop3A_590 = arith.addf %parallel_loop3A_411, %parallel_loop3A_589 : vector<32xbf16>
        %parallel_loop3A_591 = arith.constant 57792 : i32
        %parallel_loop3A_592 = tpu.memref_slice %arg6[%parallel_loop3A_591] : memref<66048xi32, #tpu.memory_space<vmem>> -> memref<2064xi32, #tpu.memory_space<vmem>>
        %parallel_loop3A_593 = tpu.vector_load_idx %parallel_loop3A_592[%parallel_loop3A_418] : memref<2064xi32, #tpu.memory_space<vmem>>[vector<16xi32>], vector<16xi32>,
        %parallel_loop3A_594 = vector.bitcast %parallel_loop3A_593 : vector<16xi32> to vector<32xbf16>
        %parallel_loop3A_595 = arith.mulf %parallel_loop3A_594, %parallel_loop3A_422 : vector<32xbf16>
        %parallel_loop3A_596 = arith.addf %parallel_loop3A_412, %parallel_loop3A_595 : vector<32xbf16>
        %parallel_loop3A_597 = arith.constant 59856 : i32
        %parallel_loop3A_598 = tpu.memref_slice %arg6[%parallel_loop3A_597] : memref<66048xi32, #tpu.memory_space<vmem>> -> memref<2064xi32, #tpu.memory_space<vmem>>
        %parallel_loop3A_599 = tpu.vector_load_idx %parallel_loop3A_598[%parallel_loop3A_418] : memref<2064xi32, #tpu.memory_space<vmem>>[vector<16xi32>], vector<16xi32>,
        %parallel_loop3A_600 = vector.bitcast %parallel_loop3A_599 : vector<16xi32> to vector<32xbf16>
        %parallel_loop3A_601 = arith.mulf %parallel_loop3A_600, %parallel_loop3A_422 : vector<32xbf16>
        %parallel_loop3A_602 = arith.addf %parallel_loop3A_413, %parallel_loop3A_601 : vector<32xbf16>
        %parallel_loop3A_603 = arith.constant 61920 : i32
        %parallel_loop3A_604 = tpu.memref_slice %arg6[%parallel_loop3A_603] : memref<66048xi32, #tpu.memory_space<vmem>> -> memref<2064xi32, #tpu.memory_space<vmem>>
        %parallel_loop3A_605 = tpu.vector_load_idx %parallel_loop3A_604[%parallel_loop3A_418] : memref<2064xi32, #tpu.memory_space<vmem>>[vector<16xi32>], vector<16xi32>,
        %parallel_loop3A_606 = vector.bitcast %parallel_loop3A_605 : vector<16xi32> to vector<32xbf16>
        %parallel_loop3A_607 = arith.mulf %parallel_loop3A_606, %parallel_loop3A_422 : vector<32xbf16>
        %parallel_loop3A_608 = arith.addf %parallel_loop3A_414, %parallel_loop3A_607 : vector<32xbf16>
        %parallel_loop3A_609 = arith.constant 63984 : i32
        %parallel_loop3A_610 = tpu.memref_slice %arg6[%parallel_loop3A_609] : memref<66048xi32, #tpu.memory_space<vmem>> -> memref<2064xi32, #tpu.memory_space<vmem>>
        %parallel_loop3A_611 = tpu.vector_load_idx %parallel_loop3A_610[%parallel_loop3A_418] : memref<2064xi32, #tpu.memory_space<vmem>>[vector<16xi32>], vector<16xi32>,
        %parallel_loop3A_612 = vector.bitcast %parallel_loop3A_611 : vector<16xi32> to vector<32xbf16>
        %parallel_loop3A_613 = arith.mulf %parallel_loop3A_612, %parallel_loop3A_422 : vector<32xbf16>
        %parallel_loop3A_614 = arith.addf %parallel_loop3A_415, %parallel_loop3A_613 : vector<32xbf16>
        scf.yield %parallel_loop3A_428, %parallel_loop3A_434, %parallel_loop3A_440, %parallel_loop3A_446, %parallel_loop3A_452, %parallel_loop3A_458, %parallel_loop3A_464, %parallel_loop3A_470, %parallel_loop3A_476, %parallel_loop3A_482, %parallel_loop3A_488, %parallel_loop3A_494, %parallel_loop3A_500, %parallel_loop3A_506, %parallel_loop3A_512, %parallel_loop3A_518, %parallel_loop3A_524, %parallel_loop3A_530, %parallel_loop3A_536, %parallel_loop3A_542, %parallel_loop3A_548, %parallel_loop3A_554, %parallel_loop3A_560, %parallel_loop3A_566, %parallel_loop3A_572, %parallel_loop3A_578, %parallel_loop3A_584, %parallel_loop3A_590, %parallel_loop3A_596, %parallel_loop3A_602, %parallel_loop3A_608, %parallel_loop3A_614 : vector<32xbf16>, vector<32xbf16>, vector<32xbf16>, vector<32xbf16>, vector<32xbf16>, vector<32xbf16>, vector<32xbf16>, vector<32xbf16>, vector<32xbf16>, vector<32xbf16>, vector<32xbf16>, vector<32xbf16>, vector<32xbf16>, vector<32xbf16>, vector<32xbf16>, vector<32xbf16>, vector<32xbf16>, vector<32xbf16>, vector<32xbf16>, vector<32xbf16>, vector<32xbf16>, vector<32xbf16>, vector<32xbf16>, vector<32xbf16>, vector<32xbf16>, vector<32xbf16>, vector<32xbf16>, vector<32xbf16>, vector<32xbf16>, vector<32xbf16>, vector<32xbf16>, vector<32xbf16>
      } {sc.loop_unroll_factor = 2 : i64, sc.parallel_access}
      %unpack3A = tpu.unpack_subelements %parallel_loop3A_159#0, 0 {pack_format = #tpu.pack_format<interleaved>} : vector<32xbf16> -> vector<16xf32>
      %unpack3A_160 = tpu.unpack_subelements %parallel_loop3A_159#0, 1 {pack_format = #tpu.pack_format<interleaved>} : vector<32xbf16> -> vector<16xf32>
      %add3A_161 = arith.addf %unpack3A, %unpack3A_160 : vector<16xf32>
      %swap3A = arith.constant 0 : i32
      %swap3A_162 = arith.index_cast %swap3A : i32 to index
      %swap3A_163 = arith.index_cast %mul3A_93 : i32 to index
      %swap3A_164 = tpu.vector_load %arg9[%swap3A_162, %swap3A_163] {strides = array<i32>} : memref<32x512xf32, #tpu.memory_space<vmem>>, vector<16xf32>,
      tpu.vector_store %arg9[%swap3A_162, %swap3A_163], %add3A_161 {strides = array<i32>} : memref<32x512xf32, #tpu.memory_space<vmem>>, vector<16xf32>,
      %unpack3A_165 = tpu.unpack_subelements %parallel_loop3A_159#1, 0 {pack_format = #tpu.pack_format<interleaved>} : vector<32xbf16> -> vector<16xf32>
      %unpack3A_166 = tpu.unpack_subelements %parallel_loop3A_159#1, 1 {pack_format = #tpu.pack_format<interleaved>} : vector<32xbf16> -> vector<16xf32>
      %add3A_167 = arith.addf %unpack3A_165, %unpack3A_166 : vector<16xf32>
      %swap3A_168 = arith.constant 1 : i32
      %swap3A_169 = arith.index_cast %swap3A_168 : i32 to index
      %swap3A_170 = arith.index_cast %mul3A_93 : i32 to index
      %swap3A_171 = tpu.vector_load %arg9[%swap3A_169, %swap3A_170] {strides = array<i32>} : memref<32x512xf32, #tpu.memory_space<vmem>>, vector<16xf32>,
      tpu.vector_store %arg9[%swap3A_169, %swap3A_170], %add3A_167 {strides = array<i32>} : memref<32x512xf32, #tpu.memory_space<vmem>>, vector<16xf32>,
      %unpack3A_172 = tpu.unpack_subelements %parallel_loop3A_159#2, 0 {pack_format = #tpu.pack_format<interleaved>} : vector<32xbf16> -> vector<16xf32>
      %unpack3A_173 = tpu.unpack_subelements %parallel_loop3A_159#2, 1 {pack_format = #tpu.pack_format<interleaved>} : vector<32xbf16> -> vector<16xf32>
      %add3A_174 = arith.addf %unpack3A_172, %unpack3A_173 : vector<16xf32>
      %swap3A_175 = arith.constant 2 : i32
      %swap3A_176 = arith.index_cast %swap3A_175 : i32 to index
      %swap3A_177 = arith.index_cast %mul3A_93 : i32 to index
      %swap3A_178 = tpu.vector_load %arg9[%swap3A_176, %swap3A_177] {strides = array<i32>} : memref<32x512xf32, #tpu.memory_space<vmem>>, vector<16xf32>,
      tpu.vector_store %arg9[%swap3A_176, %swap3A_177], %add3A_174 {strides = array<i32>} : memref<32x512xf32, #tpu.memory_space<vmem>>, vector<16xf32>,
      %unpack3A_179 = tpu.unpack_subelements %parallel_loop3A_159#3, 0 {pack_format = #tpu.pack_format<interleaved>} : vector<32xbf16> -> vector<16xf32>
      %unpack3A_180 = tpu.unpack_subelements %parallel_loop3A_159#3, 1 {pack_format = #tpu.pack_format<interleaved>} : vector<32xbf16> -> vector<16xf32>
      %add3A_181 = arith.addf %unpack3A_179, %unpack3A_180 : vector<16xf32>
      %swap3A_182 = arith.constant 3 : i32
      %swap3A_183 = arith.index_cast %swap3A_182 : i32 to index
      %swap3A_184 = arith.index_cast %mul3A_93 : i32 to index
      %swap3A_185 = tpu.vector_load %arg9[%swap3A_183, %swap3A_184] {strides = array<i32>} : memref<32x512xf32, #tpu.memory_space<vmem>>, vector<16xf32>,
      tpu.vector_store %arg9[%swap3A_183, %swap3A_184], %add3A_181 {strides = array<i32>} : memref<32x512xf32, #tpu.memory_space<vmem>>, vector<16xf32>,
      %unpack3A_186 = tpu.unpack_subelements %parallel_loop3A_159#4, 0 {pack_format = #tpu.pack_format<interleaved>} : vector<32xbf16> -> vector<16xf32>
      %unpack3A_187 = tpu.unpack_subelements %parallel_loop3A_159#4, 1 {pack_format = #tpu.pack_format<interleaved>} : vector<32xbf16> -> vector<16xf32>
      %add3A_188 = arith.addf %unpack3A_186, %unpack3A_187 : vector<16xf32>
      %swap3A_189 = arith.constant 4 : i32
      %swap3A_190 = arith.index_cast %swap3A_189 : i32 to index
      %swap3A_191 = arith.index_cast %mul3A_93 : i32 to index
      %swap3A_192 = tpu.vector_load %arg9[%swap3A_190, %swap3A_191] {strides = array<i32>} : memref<32x512xf32, #tpu.memory_space<vmem>>, vector<16xf32>,
      tpu.vector_store %arg9[%swap3A_190, %swap3A_191], %add3A_188 {strides = array<i32>} : memref<32x512xf32, #tpu.memory_space<vmem>>, vector<16xf32>,
      %unpack3A_193 = tpu.unpack_subelements %parallel_loop3A_159#5, 0 {pack_format = #tpu.pack_format<interleaved>} : vector<32xbf16> -> vector<16xf32>
      %unpack3A_194 = tpu.unpack_subelements %parallel_loop3A_159#5, 1 {pack_format = #tpu.pack_format<interleaved>} : vector<32xbf16> -> vector<16xf32>
      %add3A_195 = arith.addf %unpack3A_193, %unpack3A_194 : vector<16xf32>
      %swap3A_196 = arith.constant 5 : i32
      %swap3A_197 = arith.index_cast %swap3A_196 : i32 to index
      %swap3A_198 = arith.index_cast %mul3A_93 : i32 to index
      %swap3A_199 = tpu.vector_load %arg9[%swap3A_197, %swap3A_198] {strides = array<i32>} : memref<32x512xf32, #tpu.memory_space<vmem>>, vector<16xf32>,
      tpu.vector_store %arg9[%swap3A_197, %swap3A_198], %add3A_195 {strides = array<i32>} : memref<32x512xf32, #tpu.memory_space<vmem>>, vector<16xf32>,
      %unpack3A_200 = tpu.unpack_subelements %parallel_loop3A_159#6, 0 {pack_format = #tpu.pack_format<interleaved>} : vector<32xbf16> -> vector<16xf32>
      %unpack3A_201 = tpu.unpack_subelements %parallel_loop3A_159#6, 1 {pack_format = #tpu.pack_format<interleaved>} : vector<32xbf16> -> vector<16xf32>
      %add3A_202 = arith.addf %unpack3A_200, %unpack3A_201 : vector<16xf32>
      %swap3A_203 = arith.constant 6 : i32
      %swap3A_204 = arith.index_cast %swap3A_203 : i32 to index
      %swap3A_205 = arith.index_cast %mul3A_93 : i32 to index
      %swap3A_206 = tpu.vector_load %arg9[%swap3A_204, %swap3A_205] {strides = array<i32>} : memref<32x512xf32, #tpu.memory_space<vmem>>, vector<16xf32>,
      tpu.vector_store %arg9[%swap3A_204, %swap3A_205], %add3A_202 {strides = array<i32>} : memref<32x512xf32, #tpu.memory_space<vmem>>, vector<16xf32>,
      %unpack3A_207 = tpu.unpack_subelements %parallel_loop3A_159#7, 0 {pack_format = #tpu.pack_format<interleaved>} : vector<32xbf16> -> vector<16xf32>
      %unpack3A_208 = tpu.unpack_subelements %parallel_loop3A_159#7, 1 {pack_format = #tpu.pack_format<interleaved>} : vector<32xbf16> -> vector<16xf32>
      %add3A_209 = arith.addf %unpack3A_207, %unpack3A_208 : vector<16xf32>
      %swap3A_210 = arith.constant 7 : i32
      %swap3A_211 = arith.index_cast %swap3A_210 : i32 to index
      %swap3A_212 = arith.index_cast %mul3A_93 : i32 to index
      %swap3A_213 = tpu.vector_load %arg9[%swap3A_211, %swap3A_212] {strides = array<i32>} : memref<32x512xf32, #tpu.memory_space<vmem>>, vector<16xf32>,
      tpu.vector_store %arg9[%swap3A_211, %swap3A_212], %add3A_209 {strides = array<i32>} : memref<32x512xf32, #tpu.memory_space<vmem>>, vector<16xf32>,
      %unpack3A_214 = tpu.unpack_subelements %parallel_loop3A_159#8, 0 {pack_format = #tpu.pack_format<interleaved>} : vector<32xbf16> -> vector<16xf32>
      %unpack3A_215 = tpu.unpack_subelements %parallel_loop3A_159#8, 1 {pack_format = #tpu.pack_format<interleaved>} : vector<32xbf16> -> vector<16xf32>
      %add3A_216 = arith.addf %unpack3A_214, %unpack3A_215 : vector<16xf32>
      %swap3A_217 = arith.constant 8 : i32
      %swap3A_218 = arith.index_cast %swap3A_217 : i32 to index
      %swap3A_219 = arith.index_cast %mul3A_93 : i32 to index
      %swap3A_220 = tpu.vector_load %arg9[%swap3A_218, %swap3A_219] {strides = array<i32>} : memref<32x512xf32, #tpu.memory_space<vmem>>, vector<16xf32>,
      tpu.vector_store %arg9[%swap3A_218, %swap3A_219], %add3A_216 {strides = array<i32>} : memref<32x512xf32, #tpu.memory_space<vmem>>, vector<16xf32>,
      %unpack3A_221 = tpu.unpack_subelements %parallel_loop3A_159#9, 0 {pack_format = #tpu.pack_format<interleaved>} : vector<32xbf16> -> vector<16xf32>
      %unpack3A_222 = tpu.unpack_subelements %parallel_loop3A_159#9, 1 {pack_format = #tpu.pack_format<interleaved>} : vector<32xbf16> -> vector<16xf32>
      %add3A_223 = arith.addf %unpack3A_221, %unpack3A_222 : vector<16xf32>
      %swap3A_224 = arith.constant 9 : i32
      %swap3A_225 = arith.index_cast %swap3A_224 : i32 to index
      %swap3A_226 = arith.index_cast %mul3A_93 : i32 to index
      %swap3A_227 = tpu.vector_load %arg9[%swap3A_225, %swap3A_226] {strides = array<i32>} : memref<32x512xf32, #tpu.memory_space<vmem>>, vector<16xf32>,
      tpu.vector_store %arg9[%swap3A_225, %swap3A_226], %add3A_223 {strides = array<i32>} : memref<32x512xf32, #tpu.memory_space<vmem>>, vector<16xf32>,
      %unpack3A_228 = tpu.unpack_subelements %parallel_loop3A_159#10, 0 {pack_format = #tpu.pack_format<interleaved>} : vector<32xbf16> -> vector<16xf32>
      %unpack3A_229 = tpu.unpack_subelements %parallel_loop3A_159#10, 1 {pack_format = #tpu.pack_format<interleaved>} : vector<32xbf16> -> vector<16xf32>
      %add3A_230 = arith.addf %unpack3A_228, %unpack3A_229 : vector<16xf32>
      %swap3A_231 = arith.constant 10 : i32
      %swap3A_232 = arith.index_cast %swap3A_231 : i32 to index
      %swap3A_233 = arith.index_cast %mul3A_93 : i32 to index
      %swap3A_234 = tpu.vector_load %arg9[%swap3A_232, %swap3A_233] {strides = array<i32>} : memref<32x512xf32, #tpu.memory_space<vmem>>, vector<16xf32>,
      tpu.vector_store %arg9[%swap3A_232, %swap3A_233], %add3A_230 {strides = array<i32>} : memref<32x512xf32, #tpu.memory_space<vmem>>, vector<16xf32>,
      %unpack3A_235 = tpu.unpack_subelements %parallel_loop3A_159#11, 0 {pack_format = #tpu.pack_format<interleaved>} : vector<32xbf16> -> vector<16xf32>
      %unpack3A_236 = tpu.unpack_subelements %parallel_loop3A_159#11, 1 {pack_format = #tpu.pack_format<interleaved>} : vector<32xbf16> -> vector<16xf32>
      %add3A_237 = arith.addf %unpack3A_235, %unpack3A_236 : vector<16xf32>
      %swap3A_238 = arith.constant 11 : i32
      %swap3A_239 = arith.index_cast %swap3A_238 : i32 to index
      %swap3A_240 = arith.index_cast %mul3A_93 : i32 to index
      %swap3A_241 = tpu.vector_load %arg9[%swap3A_239, %swap3A_240] {strides = array<i32>} : memref<32x512xf32, #tpu.memory_space<vmem>>, vector<16xf32>,
      tpu.vector_store %arg9[%swap3A_239, %swap3A_240], %add3A_237 {strides = array<i32>} : memref<32x512xf32, #tpu.memory_space<vmem>>, vector<16xf32>,
      %unpack3A_242 = tpu.unpack_subelements %parallel_loop3A_159#12, 0 {pack_format = #tpu.pack_format<interleaved>} : vector<32xbf16> -> vector<16xf32>
      %unpack3A_243 = tpu.unpack_subelements %parallel_loop3A_159#12, 1 {pack_format = #tpu.pack_format<interleaved>} : vector<32xbf16> -> vector<16xf32>
      %add3A_244 = arith.addf %unpack3A_242, %unpack3A_243 : vector<16xf32>
      %swap3A_245 = arith.constant 12 : i32
      %swap3A_246 = arith.index_cast %swap3A_245 : i32 to index
      %swap3A_247 = arith.index_cast %mul3A_93 : i32 to index
      %swap3A_248 = tpu.vector_load %arg9[%swap3A_246, %swap3A_247] {strides = array<i32>} : memref<32x512xf32, #tpu.memory_space<vmem>>, vector<16xf32>,
      tpu.vector_store %arg9[%swap3A_246, %swap3A_247], %add3A_244 {strides = array<i32>} : memref<32x512xf32, #tpu.memory_space<vmem>>, vector<16xf32>,
      %unpack3A_249 = tpu.unpack_subelements %parallel_loop3A_159#13, 0 {pack_format = #tpu.pack_format<interleaved>} : vector<32xbf16> -> vector<16xf32>
      %unpack3A_250 = tpu.unpack_subelements %parallel_loop3A_159#13, 1 {pack_format = #tpu.pack_format<interleaved>} : vector<32xbf16> -> vector<16xf32>
      %add3A_251 = arith.addf %unpack3A_249, %unpack3A_250 : vector<16xf32>
      %swap3A_252 = arith.constant 13 : i32
      %swap3A_253 = arith.index_cast %swap3A_252 : i32 to index
      %swap3A_254 = arith.index_cast %mul3A_93 : i32 to index
      %swap3A_255 = tpu.vector_load %arg9[%swap3A_253, %swap3A_254] {strides = array<i32>} : memref<32x512xf32, #tpu.memory_space<vmem>>, vector<16xf32>,
      tpu.vector_store %arg9[%swap3A_253, %swap3A_254], %add3A_251 {strides = array<i32>} : memref<32x512xf32, #tpu.memory_space<vmem>>, vector<16xf32>,
      %unpack3A_256 = tpu.unpack_subelements %parallel_loop3A_159#14, 0 {pack_format = #tpu.pack_format<interleaved>} : vector<32xbf16> -> vector<16xf32>
      %unpack3A_257 = tpu.unpack_subelements %parallel_loop3A_159#14, 1 {pack_format = #tpu.pack_format<interleaved>} : vector<32xbf16> -> vector<16xf32>
      %add3A_258 = arith.addf %unpack3A_256, %unpack3A_257 : vector<16xf32>
      %swap3A_259 = arith.constant 14 : i32
      %swap3A_260 = arith.index_cast %swap3A_259 : i32 to index
      %swap3A_261 = arith.index_cast %mul3A_93 : i32 to index
      %swap3A_262 = tpu.vector_load %arg9[%swap3A_260, %swap3A_261] {strides = array<i32>} : memref<32x512xf32, #tpu.memory_space<vmem>>, vector<16xf32>,
      tpu.vector_store %arg9[%swap3A_260, %swap3A_261], %add3A_258 {strides = array<i32>} : memref<32x512xf32, #tpu.memory_space<vmem>>, vector<16xf32>,
      %unpack3A_263 = tpu.unpack_subelements %parallel_loop3A_159#15, 0 {pack_format = #tpu.pack_format<interleaved>} : vector<32xbf16> -> vector<16xf32>
      %unpack3A_264 = tpu.unpack_subelements %parallel_loop3A_159#15, 1 {pack_format = #tpu.pack_format<interleaved>} : vector<32xbf16> -> vector<16xf32>
      %add3A_265 = arith.addf %unpack3A_263, %unpack3A_264 : vector<16xf32>
      %swap3A_266 = arith.constant 15 : i32
      %swap3A_267 = arith.index_cast %swap3A_266 : i32 to index
      %swap3A_268 = arith.index_cast %mul3A_93 : i32 to index
      %swap3A_269 = tpu.vector_load %arg9[%swap3A_267, %swap3A_268] {strides = array<i32>} : memref<32x512xf32, #tpu.memory_space<vmem>>, vector<16xf32>,
      tpu.vector_store %arg9[%swap3A_267, %swap3A_268], %add3A_265 {strides = array<i32>} : memref<32x512xf32, #tpu.memory_space<vmem>>, vector<16xf32>,
      %unpack3A_270 = tpu.unpack_subelements %parallel_loop3A_159#16, 0 {pack_format = #tpu.pack_format<interleaved>} : vector<32xbf16> -> vector<16xf32>
      %unpack3A_271 = tpu.unpack_subelements %parallel_loop3A_159#16, 1 {pack_format = #tpu.pack_format<interleaved>} : vector<32xbf16> -> vector<16xf32>
      %add3A_272 = arith.addf %unpack3A_270, %unpack3A_271 : vector<16xf32>
      %swap3A_273 = arith.constant 16 : i32
      %swap3A_274 = arith.index_cast %swap3A_273 : i32 to index
      %swap3A_275 = arith.index_cast %mul3A_93 : i32 to index
      %swap3A_276 = tpu.vector_load %arg9[%swap3A_274, %swap3A_275] {strides = array<i32>} : memref<32x512xf32, #tpu.memory_space<vmem>>, vector<16xf32>,
      tpu.vector_store %arg9[%swap3A_274, %swap3A_275], %add3A_272 {strides = array<i32>} : memref<32x512xf32, #tpu.memory_space<vmem>>, vector<16xf32>,
      %unpack3A_277 = tpu.unpack_subelements %parallel_loop3A_159#17, 0 {pack_format = #tpu.pack_format<interleaved>} : vector<32xbf16> -> vector<16xf32>
      %unpack3A_278 = tpu.unpack_subelements %parallel_loop3A_159#17, 1 {pack_format = #tpu.pack_format<interleaved>} : vector<32xbf16> -> vector<16xf32>
      %add3A_279 = arith.addf %unpack3A_277, %unpack3A_278 : vector<16xf32>
      %swap3A_280 = arith.constant 17 : i32
      %swap3A_281 = arith.index_cast %swap3A_280 : i32 to index
      %swap3A_282 = arith.index_cast %mul3A_93 : i32 to index
      %swap3A_283 = tpu.vector_load %arg9[%swap3A_281, %swap3A_282] {strides = array<i32>} : memref<32x512xf32, #tpu.memory_space<vmem>>, vector<16xf32>,
      tpu.vector_store %arg9[%swap3A_281, %swap3A_282], %add3A_279 {strides = array<i32>} : memref<32x512xf32, #tpu.memory_space<vmem>>, vector<16xf32>,
      %unpack3A_284 = tpu.unpack_subelements %parallel_loop3A_159#18, 0 {pack_format = #tpu.pack_format<interleaved>} : vector<32xbf16> -> vector<16xf32>
      %unpack3A_285 = tpu.unpack_subelements %parallel_loop3A_159#18, 1 {pack_format = #tpu.pack_format<interleaved>} : vector<32xbf16> -> vector<16xf32>
      %add3A_286 = arith.addf %unpack3A_284, %unpack3A_285 : vector<16xf32>
      %swap3A_287 = arith.constant 18 : i32
      %swap3A_288 = arith.index_cast %swap3A_287 : i32 to index
      %swap3A_289 = arith.index_cast %mul3A_93 : i32 to index
      %swap3A_290 = tpu.vector_load %arg9[%swap3A_288, %swap3A_289] {strides = array<i32>} : memref<32x512xf32, #tpu.memory_space<vmem>>, vector<16xf32>,
      tpu.vector_store %arg9[%swap3A_288, %swap3A_289], %add3A_286 {strides = array<i32>} : memref<32x512xf32, #tpu.memory_space<vmem>>, vector<16xf32>,
      %unpack3A_291 = tpu.unpack_subelements %parallel_loop3A_159#19, 0 {pack_format = #tpu.pack_format<interleaved>} : vector<32xbf16> -> vector<16xf32>
      %unpack3A_292 = tpu.unpack_subelements %parallel_loop3A_159#19, 1 {pack_format = #tpu.pack_format<interleaved>} : vector<32xbf16> -> vector<16xf32>
      %add3A_293 = arith.addf %unpack3A_291, %unpack3A_292 : vector<16xf32>
      %swap3A_294 = arith.constant 19 : i32
      %swap3A_295 = arith.index_cast %swap3A_294 : i32 to index
      %swap3A_296 = arith.index_cast %mul3A_93 : i32 to index
      %swap3A_297 = tpu.vector_load %arg9[%swap3A_295, %swap3A_296] {strides = array<i32>} : memref<32x512xf32, #tpu.memory_space<vmem>>, vector<16xf32>,
      tpu.vector_store %arg9[%swap3A_295, %swap3A_296], %add3A_293 {strides = array<i32>} : memref<32x512xf32, #tpu.memory_space<vmem>>, vector<16xf32>,
      %unpack3A_298 = tpu.unpack_subelements %parallel_loop3A_159#20, 0 {pack_format = #tpu.pack_format<interleaved>} : vector<32xbf16> -> vector<16xf32>
      %unpack3A_299 = tpu.unpack_subelements %parallel_loop3A_159#20, 1 {pack_format = #tpu.pack_format<interleaved>} : vector<32xbf16> -> vector<16xf32>
      %add3A_300 = arith.addf %unpack3A_298, %unpack3A_299 : vector<16xf32>
      %swap3A_301 = arith.constant 20 : i32
      %swap3A_302 = arith.index_cast %swap3A_301 : i32 to index
      %swap3A_303 = arith.index_cast %mul3A_93 : i32 to index
      %swap3A_304 = tpu.vector_load %arg9[%swap3A_302, %swap3A_303] {strides = array<i32>} : memref<32x512xf32, #tpu.memory_space<vmem>>, vector<16xf32>,
      tpu.vector_store %arg9[%swap3A_302, %swap3A_303], %add3A_300 {strides = array<i32>} : memref<32x512xf32, #tpu.memory_space<vmem>>, vector<16xf32>,
      %unpack3A_305 = tpu.unpack_subelements %parallel_loop3A_159#21, 0 {pack_format = #tpu.pack_format<interleaved>} : vector<32xbf16> -> vector<16xf32>
      %unpack3A_306 = tpu.unpack_subelements %parallel_loop3A_159#21, 1 {pack_format = #tpu.pack_format<interleaved>} : vector<32xbf16> -> vector<16xf32>
      %add3A_307 = arith.addf %unpack3A_305, %unpack3A_306 : vector<16xf32>
      %swap3A_308 = arith.constant 21 : i32
      %swap3A_309 = arith.index_cast %swap3A_308 : i32 to index
      %swap3A_310 = arith.index_cast %mul3A_93 : i32 to index
      %swap3A_311 = tpu.vector_load %arg9[%swap3A_309, %swap3A_310] {strides = array<i32>} : memref<32x512xf32, #tpu.memory_space<vmem>>, vector<16xf32>,
      tpu.vector_store %arg9[%swap3A_309, %swap3A_310], %add3A_307 {strides = array<i32>} : memref<32x512xf32, #tpu.memory_space<vmem>>, vector<16xf32>,
      %unpack3A_312 = tpu.unpack_subelements %parallel_loop3A_159#22, 0 {pack_format = #tpu.pack_format<interleaved>} : vector<32xbf16> -> vector<16xf32>
      %unpack3A_313 = tpu.unpack_subelements %parallel_loop3A_159#22, 1 {pack_format = #tpu.pack_format<interleaved>} : vector<32xbf16> -> vector<16xf32>
      %add3A_314 = arith.addf %unpack3A_312, %unpack3A_313 : vector<16xf32>
      %swap3A_315 = arith.constant 22 : i32
      %swap3A_316 = arith.index_cast %swap3A_315 : i32 to index
      %swap3A_317 = arith.index_cast %mul3A_93 : i32 to index
      %swap3A_318 = tpu.vector_load %arg9[%swap3A_316, %swap3A_317] {strides = array<i32>} : memref<32x512xf32, #tpu.memory_space<vmem>>, vector<16xf32>,
      tpu.vector_store %arg9[%swap3A_316, %swap3A_317], %add3A_314 {strides = array<i32>} : memref<32x512xf32, #tpu.memory_space<vmem>>, vector<16xf32>,
      %unpack3A_319 = tpu.unpack_subelements %parallel_loop3A_159#23, 0 {pack_format = #tpu.pack_format<interleaved>} : vector<32xbf16> -> vector<16xf32>
      %unpack3A_320 = tpu.unpack_subelements %parallel_loop3A_159#23, 1 {pack_format = #tpu.pack_format<interleaved>} : vector<32xbf16> -> vector<16xf32>
      %add3A_321 = arith.addf %unpack3A_319, %unpack3A_320 : vector<16xf32>
      %swap3A_322 = arith.constant 23 : i32
      %swap3A_323 = arith.index_cast %swap3A_322 : i32 to index
      %swap3A_324 = arith.index_cast %mul3A_93 : i32 to index
      %swap3A_325 = tpu.vector_load %arg9[%swap3A_323, %swap3A_324] {strides = array<i32>} : memref<32x512xf32, #tpu.memory_space<vmem>>, vector<16xf32>,
      tpu.vector_store %arg9[%swap3A_323, %swap3A_324], %add3A_321 {strides = array<i32>} : memref<32x512xf32, #tpu.memory_space<vmem>>, vector<16xf32>,
      %unpack3A_326 = tpu.unpack_subelements %parallel_loop3A_159#24, 0 {pack_format = #tpu.pack_format<interleaved>} : vector<32xbf16> -> vector<16xf32>
      %unpack3A_327 = tpu.unpack_subelements %parallel_loop3A_159#24, 1 {pack_format = #tpu.pack_format<interleaved>} : vector<32xbf16> -> vector<16xf32>
      %add3A_328 = arith.addf %unpack3A_326, %unpack3A_327 : vector<16xf32>
      %swap3A_329 = arith.constant 24 : i32
      %swap3A_330 = arith.index_cast %swap3A_329 : i32 to index
      %swap3A_331 = arith.index_cast %mul3A_93 : i32 to index
      %swap3A_332 = tpu.vector_load %arg9[%swap3A_330, %swap3A_331] {strides = array<i32>} : memref<32x512xf32, #tpu.memory_space<vmem>>, vector<16xf32>,
      tpu.vector_store %arg9[%swap3A_330, %swap3A_331], %add3A_328 {strides = array<i32>} : memref<32x512xf32, #tpu.memory_space<vmem>>, vector<16xf32>,
      %unpack3A_333 = tpu.unpack_subelements %parallel_loop3A_159#25, 0 {pack_format = #tpu.pack_format<interleaved>} : vector<32xbf16> -> vector<16xf32>
      %unpack3A_334 = tpu.unpack_subelements %parallel_loop3A_159#25, 1 {pack_format = #tpu.pack_format<interleaved>} : vector<32xbf16> -> vector<16xf32>
      %add3A_335 = arith.addf %unpack3A_333, %unpack3A_334 : vector<16xf32>
      %swap3A_336 = arith.constant 25 : i32
      %swap3A_337 = arith.index_cast %swap3A_336 : i32 to index
      %swap3A_338 = arith.index_cast %mul3A_93 : i32 to index
      %swap3A_339 = tpu.vector_load %arg9[%swap3A_337, %swap3A_338] {strides = array<i32>} : memref<32x512xf32, #tpu.memory_space<vmem>>, vector<16xf32>,
      tpu.vector_store %arg9[%swap3A_337, %swap3A_338], %add3A_335 {strides = array<i32>} : memref<32x512xf32, #tpu.memory_space<vmem>>, vector<16xf32>,
      %unpack3A_340 = tpu.unpack_subelements %parallel_loop3A_159#26, 0 {pack_format = #tpu.pack_format<interleaved>} : vector<32xbf16> -> vector<16xf32>
      %unpack3A_341 = tpu.unpack_subelements %parallel_loop3A_159#26, 1 {pack_format = #tpu.pack_format<interleaved>} : vector<32xbf16> -> vector<16xf32>
      %add3A_342 = arith.addf %unpack3A_340, %unpack3A_341 : vector<16xf32>
      %swap3A_343 = arith.constant 26 : i32
      %swap3A_344 = arith.index_cast %swap3A_343 : i32 to index
      %swap3A_345 = arith.index_cast %mul3A_93 : i32 to index
      %swap3A_346 = tpu.vector_load %arg9[%swap3A_344, %swap3A_345] {strides = array<i32>} : memref<32x512xf32, #tpu.memory_space<vmem>>, vector<16xf32>,
      tpu.vector_store %arg9[%swap3A_344, %swap3A_345], %add3A_342 {strides = array<i32>} : memref<32x512xf32, #tpu.memory_space<vmem>>, vector<16xf32>,
      %unpack3A_347 = tpu.unpack_subelements %parallel_loop3A_159#27, 0 {pack_format = #tpu.pack_format<interleaved>} : vector<32xbf16> -> vector<16xf32>
      %unpack3A_348 = tpu.unpack_subelements %parallel_loop3A_159#27, 1 {pack_format = #tpu.pack_format<interleaved>} : vector<32xbf16> -> vector<16xf32>
      %add3A_349 = arith.addf %unpack3A_347, %unpack3A_348 : vector<16xf32>
      %swap3A_350 = arith.constant 27 : i32
      %swap3A_351 = arith.index_cast %swap3A_350 : i32 to index
      %swap3A_352 = arith.index_cast %mul3A_93 : i32 to index
      %swap3A_353 = tpu.vector_load %arg9[%swap3A_351, %swap3A_352] {strides = array<i32>} : memref<32x512xf32, #tpu.memory_space<vmem>>, vector<16xf32>,
      tpu.vector_store %arg9[%swap3A_351, %swap3A_352], %add3A_349 {strides = array<i32>} : memref<32x512xf32, #tpu.memory_space<vmem>>, vector<16xf32>,
      %unpack3A_354 = tpu.unpack_subelements %parallel_loop3A_159#28, 0 {pack_format = #tpu.pack_format<interleaved>} : vector<32xbf16> -> vector<16xf32>
      %unpack3A_355 = tpu.unpack_subelements %parallel_loop3A_159#28, 1 {pack_format = #tpu.pack_format<interleaved>} : vector<32xbf16> -> vector<16xf32>
      %add3A_356 = arith.addf %unpack3A_354, %unpack3A_355 : vector<16xf32>
      %swap3A_357 = arith.constant 28 : i32
      %swap3A_358 = arith.index_cast %swap3A_357 : i32 to index
      %swap3A_359 = arith.index_cast %mul3A_93 : i32 to index
      %swap3A_360 = tpu.vector_load %arg9[%swap3A_358, %swap3A_359] {strides = array<i32>} : memref<32x512xf32, #tpu.memory_space<vmem>>, vector<16xf32>,
      tpu.vector_store %arg9[%swap3A_358, %swap3A_359], %add3A_356 {strides = array<i32>} : memref<32x512xf32, #tpu.memory_space<vmem>>, vector<16xf32>,
      %unpack3A_361 = tpu.unpack_subelements %parallel_loop3A_159#29, 0 {pack_format = #tpu.pack_format<interleaved>} : vector<32xbf16> -> vector<16xf32>
      %unpack3A_362 = tpu.unpack_subelements %parallel_loop3A_159#29, 1 {pack_format = #tpu.pack_format<interleaved>} : vector<32xbf16> -> vector<16xf32>
      %add3A_363 = arith.addf %unpack3A_361, %unpack3A_362 : vector<16xf32>
      %swap3A_364 = arith.constant 29 : i32
      %swap3A_365 = arith.index_cast %swap3A_364 : i32 to index
      %swap3A_366 = arith.index_cast %mul3A_93 : i32 to index
      %swap3A_367 = tpu.vector_load %arg9[%swap3A_365, %swap3A_366] {strides = array<i32>} : memref<32x512xf32, #tpu.memory_space<vmem>>, vector<16xf32>,
      tpu.vector_store %arg9[%swap3A_365, %swap3A_366], %add3A_363 {strides = array<i32>} : memref<32x512xf32, #tpu.memory_space<vmem>>, vector<16xf32>,
      %unpack3A_368 = tpu.unpack_subelements %parallel_loop3A_159#30, 0 {pack_format = #tpu.pack_format<interleaved>} : vector<32xbf16> -> vector<16xf32>
      %unpack3A_369 = tpu.unpack_subelements %parallel_loop3A_159#30, 1 {pack_format = #tpu.pack_format<interleaved>} : vector<32xbf16> -> vector<16xf32>
      %add3A_370 = arith.addf %unpack3A_368, %unpack3A_369 : vector<16xf32>
      %swap3A_371 = arith.constant 30 : i32
      %swap3A_372 = arith.index_cast %swap3A_371 : i32 to index
      %swap3A_373 = arith.index_cast %mul3A_93 : i32 to index
      %swap3A_374 = tpu.vector_load %arg9[%swap3A_372, %swap3A_373] {strides = array<i32>} : memref<32x512xf32, #tpu.memory_space<vmem>>, vector<16xf32>,
      tpu.vector_store %arg9[%swap3A_372, %swap3A_373], %add3A_370 {strides = array<i32>} : memref<32x512xf32, #tpu.memory_space<vmem>>, vector<16xf32>,
      %unpack3A_375 = tpu.unpack_subelements %parallel_loop3A_159#31, 0 {pack_format = #tpu.pack_format<interleaved>} : vector<32xbf16> -> vector<16xf32>
      %unpack3A_376 = tpu.unpack_subelements %parallel_loop3A_159#31, 1 {pack_format = #tpu.pack_format<interleaved>} : vector<32xbf16> -> vector<16xf32>
      %add3A_377 = arith.addf %unpack3A_375, %unpack3A_376 : vector<16xf32>
      %swap3A_378 = arith.constant 31 : i32
      %swap3A_379 = arith.index_cast %swap3A_378 : i32 to index
      %swap3A_380 = arith.index_cast %mul3A_93 : i32 to index
      %swap3A_381 = tpu.vector_load %arg9[%swap3A_379, %swap3A_380] {strides = array<i32>} : memref<32x512xf32, #tpu.memory_space<vmem>>, vector<16xf32>,
      tpu.vector_store %arg9[%swap3A_379, %swap3A_380], %add3A_377 {strides = array<i32>} : memref<32x512xf32, #tpu.memory_space<vmem>>, vector<16xf32>,
      %scan3A_382 = arith.constant 0 : i32
      scf.yield %scan3A_382 : i32
    }
    %scan3A_80 = arith.constant 32 : i32
    "tpu.region"() ({
      %run_scoped3A = tpu.sem_alloc : memref<!tpu.dma_semaphore, #tpu.memory_space<semaphore_mem>>
      %dma_start3A = arith.constant 0 : i32
      %dma_start3A_90 = tpu.memref_slice %arg5[%select_n3A_54, %select_n3A_70, %dma_start3A, %add3A_74] : memref<2x8x32x2048xf32, #tpu.memory_space<hbm>> -> memref<1x1x32x512xf32, #tpu.memory_space<hbm>>
      %dma_start3A_91 = tpu.memref_squeeze %dma_start3A_90 : memref<1x1x32x512xf32, #tpu.memory_space<hbm>> -> memref<32x512xf32, #tpu.memory_space<hbm>>
      %dma_start3A_92 = arith.constant 0 : i32
      %dma_start3A_93 = tpu.memref_slice %arg5[%select_n3A_54, %select_n3A_70, %dma_start3A_92, %add3A_74] : memref<2x8x32x2048xf32, #tpu.memory_space<hbm>> -> memref<1x1x32x512xf32, #tpu.memory_space<hbm>>
      %dma_start3A_94 = tpu.memref_squeeze %dma_start3A_93 : memref<1x1x32x512xf32, #tpu.memory_space<hbm>> -> memref<32x512xf32, #tpu.memory_space<hbm>>
      tpu.enqueue_dma source(%arg9 : memref<32x512xf32, #tpu.memory_space<vmem>>) target(%dma_start3A_94 : memref<32x512xf32, #tpu.memory_space<hbm>>) target_semaphore(%run_scoped3A : memref<!tpu.dma_semaphore, #tpu.memory_space<semaphore_mem>>)
      %dma_wait3A = arith.constant 0 : i32
      %dma_wait3A_95 = tpu.memref_slice %arg5[%select_n3A_54, %select_n3A_70, %dma_wait3A, %add3A_74] : memref<2x8x32x2048xf32, #tpu.memory_space<hbm>> -> memref<1x1x32x512xf32, #tpu.memory_space<hbm>>
      %dma_wait3A_96 = tpu.memref_squeeze %dma_wait3A_95 : memref<1x1x32x512xf32, #tpu.memory_space<hbm>> -> memref<32x512xf32, #tpu.memory_space<hbm>>
      %dma_wait3A_97 = arith.constant 0 : i32
      %dma_wait3A_98 = tpu.memref_slice %arg5[%select_n3A_54, %select_n3A_70, %dma_wait3A_97, %add3A_74] : memref<2x8x32x2048xf32, #tpu.memory_space<hbm>> -> memref<1x1x32x512xf32, #tpu.memory_space<hbm>>
      %dma_wait3A_99 = tpu.memref_squeeze %dma_wait3A_98 : memref<1x1x32x512xf32, #tpu.memory_space<hbm>> -> memref<32x512xf32, #tpu.memory_space<hbm>>
      tpu.wait_dma2 semaphore(%run_scoped3A : memref<!tpu.dma_semaphore, #tpu.memory_space<semaphore_mem>>) src(%arg9 : memref<32x512xf32, #tpu.memory_space<vmem>>) dst(%dma_wait3A_99 : memref<32x512xf32, #tpu.memory_space<hbm>>)
      tpu.yield
    }) : () -> ()
    %add3A_81 = arith.constant 512 : i32
    %add3A_82 = arith.addi %mul3A_72, %add3A_81 : i32
    "tpu.region"() ({
      %run_scoped3A = tpu.sem_alloc : memref<!tpu.dma_semaphore, #tpu.memory_space<semaphore_mem>>
      %dma_start3A = arith.constant 0 : i32
      %dma_start3A_90 = tpu.memref_slice %arg3[%select_n3A_54, %select_n3A_70, %dma_start3A, %add3A_82] : memref<2x8x32x2048xi32, #tpu.memory_space<hbm>> -> memref<1x1x32x512xi32, #tpu.memory_space<hbm>>
      %dma_start3A_91 = tpu.memref_squeeze %dma_start3A_90 : memref<1x1x32x512xi32, #tpu.memory_space<hbm>> -> memref<32x512xi32, #tpu.memory_space<hbm>>
      %dma_start3A_92 = arith.constant 0 : i32
      %dma_start3A_93 = tpu.memref_slice %arg3[%select_n3A_54, %select_n3A_70, %dma_start3A_92, %add3A_82] : memref<2x8x32x2048xi32, #tpu.memory_space<hbm>> -> memref<1x1x32x512xi32, #tpu.memory_space<hbm>>
      %dma_start3A_94 = tpu.memref_squeeze %dma_start3A_93 : memref<1x1x32x512xi32, #tpu.memory_space<hbm>> -> memref<32x512xi32, #tpu.memory_space<hbm>>
      tpu.enqueue_dma source(%dma_start3A_94 : memref<32x512xi32, #tpu.memory_space<hbm>>) target(%arg7 : memref<32x512xi32, #tpu.memory_space<vmem>>) target_semaphore(%run_scoped3A : memref<!tpu.dma_semaphore, #tpu.memory_space<semaphore_mem>>)
      %dma_wait3A = arith.constant 0 : i32
      %dma_wait3A_95 = tpu.memref_slice %arg3[%select_n3A_54, %select_n3A_70, %dma_wait3A, %add3A_82] : memref<2x8x32x2048xi32, #tpu.memory_space<hbm>> -> memref<1x1x32x512xi32, #tpu.memory_space<hbm>>
      %dma_wait3A_96 = tpu.memref_squeeze %dma_wait3A_95 : memref<1x1x32x512xi32, #tpu.memory_space<hbm>> -> memref<32x512xi32, #tpu.memory_space<hbm>>
      %dma_wait3A_97 = arith.constant 0 : i32
      %dma_wait3A_98 = tpu.memref_slice %arg3[%select_n3A_54, %select_n3A_70, %dma_wait3A_97, %add3A_82] : memref<2x8x32x2048xi32, #tpu.memory_space<hbm>> -> memref<1x1x32x512xi32, #tpu.memory_space<hbm>>
      %dma_wait3A_99 = tpu.memref_squeeze %dma_wait3A_98 : memref<1x1x32x512xi32, #tpu.memory_space<hbm>> -> memref<32x512xi32, #tpu.memory_space<hbm>>
      tpu.wait_dma2 semaphore(%run_scoped3A : memref<!tpu.dma_semaphore, #tpu.memory_space<semaphore_mem>>) src(%dma_wait3A_99 : memref<32x512xi32, #tpu.memory_space<hbm>>) dst(%arg7 : memref<32x512xi32, #tpu.memory_space<vmem>>)
      tpu.yield
    }) : () -> ()
    "tpu.region"() ({
      %run_scoped3A = tpu.sem_alloc : memref<!tpu.dma_semaphore, #tpu.memory_space<semaphore_mem>>
      %dma_start3A = arith.constant 0 : i32
      %dma_start3A_90 = tpu.memref_slice %arg4[%select_n3A_54, %select_n3A_70, %dma_start3A, %add3A_82] : memref<2x8x32x2048xi32, #tpu.memory_space<hbm>> -> memref<1x1x32x512xi32, #tpu.memory_space<hbm>>
      %dma_start3A_91 = tpu.memref_squeeze %dma_start3A_90 : memref<1x1x32x512xi32, #tpu.memory_space<hbm>> -> memref<32x512xi32, #tpu.memory_space<hbm>>
      %dma_start3A_92 = arith.constant 0 : i32
      %dma_start3A_93 = tpu.memref_slice %arg4[%select_n3A_54, %select_n3A_70, %dma_start3A_92, %add3A_82] : memref<2x8x32x2048xi32, #tpu.memory_space<hbm>> -> memref<1x1x32x512xi32, #tpu.memory_space<hbm>>
      %dma_start3A_94 = tpu.memref_squeeze %dma_start3A_93 : memref<1x1x32x512xi32, #tpu.memory_space<hbm>> -> memref<32x512xi32, #tpu.memory_space<hbm>>
      tpu.enqueue_dma source(%dma_start3A_94 : memref<32x512xi32, #tpu.memory_space<hbm>>) target(%arg8 : memref<32x512xi32, #tpu.memory_space<vmem>>) target_semaphore(%run_scoped3A : memref<!tpu.dma_semaphore, #tpu.memory_space<semaphore_mem>>)
      %dma_wait3A = arith.constant 0 : i32
      %dma_wait3A_95 = tpu.memref_slice %arg4[%select_n3A_54, %select_n3A_70, %dma_wait3A, %add3A_82] : memref<2x8x32x2048xi32, #tpu.memory_space<hbm>> -> memref<1x1x32x512xi32, #tpu.memory_space<hbm>>
      %dma_wait3A_96 = tpu.memref_squeeze %dma_wait3A_95 : memref<1x1x32x512xi32, #tpu.memory_space<hbm>> -> memref<32x512xi32, #tpu.memory_space<hbm>>
      %dma_wait3A_97 = arith.constant 0 : i32
      %dma_wait3A_98 = tpu.memref_slice %arg4[%select_n3A_54, %select_n3A_70, %dma_wait3A_97, %add3A_82] : memref<2x8x32x2048xi32, #tpu.memory_space<hbm>> -> memref<1x1x32x512xi32, #tpu.memory_space<hbm>>
      %dma_wait3A_99 = tpu.memref_squeeze %dma_wait3A_98 : memref<1x1x32x512xi32, #tpu.memory_space<hbm>> -> memref<32x512xi32, #tpu.memory_space<hbm>>
      tpu.wait_dma2 semaphore(%run_scoped3A : memref<!tpu.dma_semaphore, #tpu.memory_space<semaphore_mem>>) src(%dma_wait3A_99 : memref<32x512xi32, #tpu.memory_space<hbm>>) dst(%arg8 : memref<32x512xi32, #tpu.memory_space<vmem>>)
      tpu.yield
    }) : () -> ()
    %scan3A_83 = arith.constant 0 : i32
    %scan3A_84 = arith.constant 0 : i32
    %scan3A_85 = arith.constant 32 : i32
    %scan3A_86 = arith.addi %scan3A_84, %scan3A_85 : i32
    %scan3A_87 = arith.constant 1 : i32
    %scan3A_88 = scf.for %scan3A_90 = %scan3A_84 to %scan3A_86 step %scan3A_87 iter_args(%scan3A_91 = %scan3A_83) -> (i32)  : i32 {
      %mul3A_92 = arith.constant 16 : i32
      %mul3A_93 = arith.muli %scan3A_90, %mul3A_92 : i32
      %broadcast_in_dim3A = arith.constant 0.000000e+00 : bf16
      %broadcast_in_dim3A_94 = vector.broadcast %broadcast_in_dim3A : bf16 to vector<32xbf16>
      %broadcast_in_dim3A_95 = arith.constant 0.000000e+00 : bf16
      %broadcast_in_dim3A_96 = vector.broadcast %broadcast_in_dim3A_95 : bf16 to vector<32xbf16>
      %broadcast_in_dim3A_97 = arith.constant 0.000000e+00 : bf16
      %broadcast_in_dim3A_98 = vector.broadcast %broadcast_in_dim3A_97 : bf16 to vector<32xbf16>
      %broadcast_in_dim3A_99 = arith.constant 0.000000e+00 : bf16
      %broadcast_in_dim3A_100 = vector.broadcast %broadcast_in_dim3A_99 : bf16 to vector<32xbf16>
      %broadcast_in_dim3A_101 = arith.constant 0.000000e+00 : bf16
      %broadcast_in_dim3A_102 = vector.broadcast %broadcast_in_dim3A_101 : bf16 to vector<32xbf16>
      %broadcast_in_dim3A_103 = arith.constant 0.000000e+00 : bf16
      %broadcast_in_dim3A_104 = vector.broadcast %broadcast_in_dim3A_103 : bf16 to vector<32xbf16>
      %broadcast_in_dim3A_105 = arith.constant 0.000000e+00 : bf16
      %broadcast_in_dim3A_106 = vector.broadcast %broadcast_in_dim3A_105 : bf16 to vector<32xbf16>
      %broadcast_in_dim3A_107 = arith.constant 0.000000e+00 : bf16
      %broadcast_in_dim3A_108 = vector.broadcast %broadcast_in_dim3A_107 : bf16 to vector<32xbf16>
      %broadcast_in_dim3A_109 = arith.constant 0.000000e+00 : bf16
      %broadcast_in_dim3A_110 = vector.broadcast %broadcast_in_dim3A_109 : bf16 to vector<32xbf16>
      %broadcast_in_dim3A_111 = arith.constant 0.000000e+00 : bf16
      %broadcast_in_dim3A_112 = vector.broadcast %broadcast_in_dim3A_111 : bf16 to vector<32xbf16>
      %broadcast_in_dim3A_113 = arith.constant 0.000000e+00 : bf16
      %broadcast_in_dim3A_114 = vector.broadcast %broadcast_in_dim3A_113 : bf16 to vector<32xbf16>
      %broadcast_in_dim3A_115 = arith.constant 0.000000e+00 : bf16
      %broadcast_in_dim3A_116 = vector.broadcast %broadcast_in_dim3A_115 : bf16 to vector<32xbf16>
      %broadcast_in_dim3A_117 = arith.constant 0.000000e+00 : bf16
      %broadcast_in_dim3A_118 = vector.broadcast %broadcast_in_dim3A_117 : bf16 to vector<32xbf16>
      %broadcast_in_dim3A_119 = arith.constant 0.000000e+00 : bf16
      %broadcast_in_dim3A_120 = vector.broadcast %broadcast_in_dim3A_119 : bf16 to vector<32xbf16>
      %broadcast_in_dim3A_121 = arith.constant 0.000000e+00 : bf16
      %broadcast_in_dim3A_122 = vector.broadcast %broadcast_in_dim3A_121 : bf16 to vector<32xbf16>
      %broadcast_in_dim3A_123 = arith.constant 0.000000e+00 : bf16
      %broadcast_in_dim3A_124 = vector.broadcast %broadcast_in_dim3A_123 : bf16 to vector<32xbf16>
      %broadcast_in_dim3A_125 = arith.constant 0.000000e+00 : bf16
      %broadcast_in_dim3A_126 = vector.broadcast %broadcast_in_dim3A_125 : bf16 to vector<32xbf16>
      %broadcast_in_dim3A_127 = arith.constant 0.000000e+00 : bf16
      %broadcast_in_dim3A_128 = vector.broadcast %broadcast_in_dim3A_127 : bf16 to vector<32xbf16>
      %broadcast_in_dim3A_129 = arith.constant 0.000000e+00 : bf16
      %broadcast_in_dim3A_130 = vector.broadcast %broadcast_in_dim3A_129 : bf16 to vector<32xbf16>
      %broadcast_in_dim3A_131 = arith.constant 0.000000e+00 : bf16
      %broadcast_in_dim3A_132 = vector.broadcast %broadcast_in_dim3A_131 : bf16 to vector<32xbf16>
      %broadcast_in_dim3A_133 = arith.constant 0.000000e+00 : bf16
      %broadcast_in_dim3A_134 = vector.broadcast %broadcast_in_dim3A_133 : bf16 to vector<32xbf16>
      %broadcast_in_dim3A_135 = arith.constant 0.000000e+00 : bf16
      %broadcast_in_dim3A_136 = vector.broadcast %broadcast_in_dim3A_135 : bf16 to vector<32xbf16>
      %broadcast_in_dim3A_137 = arith.constant 0.000000e+00 : bf16
      %broadcast_in_dim3A_138 = vector.broadcast %broadcast_in_dim3A_137 : bf16 to vector<32xbf16>
      %broadcast_in_dim3A_139 = arith.constant 0.000000e+00 : bf16
      %broadcast_in_dim3A_140 = vector.broadcast %broadcast_in_dim3A_139 : bf16 to vector<32xbf16>
      %broadcast_in_dim3A_141 = arith.constant 0.000000e+00 : bf16
      %broadcast_in_dim3A_142 = vector.broadcast %broadcast_in_dim3A_141 : bf16 to vector<32xbf16>
      %broadcast_in_dim3A_143 = arith.constant 0.000000e+00 : bf16
      %broadcast_in_dim3A_144 = vector.broadcast %broadcast_in_dim3A_143 : bf16 to vector<32xbf16>
      %broadcast_in_dim3A_145 = arith.constant 0.000000e+00 : bf16
      %broadcast_in_dim3A_146 = vector.broadcast %broadcast_in_dim3A_145 : bf16 to vector<32xbf16>
      %broadcast_in_dim3A_147 = arith.constant 0.000000e+00 : bf16
      %broadcast_in_dim3A_148 = vector.broadcast %broadcast_in_dim3A_147 : bf16 to vector<32xbf16>
      %broadcast_in_dim3A_149 = arith.constant 0.000000e+00 : bf16
      %broadcast_in_dim3A_150 = vector.broadcast %broadcast_in_dim3A_149 : bf16 to vector<32xbf16>
      %broadcast_in_dim3A_151 = arith.constant 0.000000e+00 : bf16
      %broadcast_in_dim3A_152 = vector.broadcast %broadcast_in_dim3A_151 : bf16 to vector<32xbf16>
      %broadcast_in_dim3A_153 = arith.constant 0.000000e+00 : bf16
      %broadcast_in_dim3A_154 = vector.broadcast %broadcast_in_dim3A_153 : bf16 to vector<32xbf16>
      %broadcast_in_dim3A_155 = arith.constant 0.000000e+00 : bf16
      %broadcast_in_dim3A_156 = vector.broadcast %broadcast_in_dim3A_155 : bf16 to vector<32xbf16>
      %parallel_loop3A = arith.constant 0 : i32
      %parallel_loop3A_157 = arith.constant 32 : i32
      %parallel_loop3A_158 = arith.constant 1 : i32
      %parallel_loop3A_159:32 = scf.for %parallel_loop3A_383 = %parallel_loop3A to %parallel_loop3A_157 step %parallel_loop3A_158 iter_args(%parallel_loop3A_384 = %broadcast_in_dim3A_94, %parallel_loop3A_385 = %broadcast_in_dim3A_96, %parallel_loop3A_386 = %broadcast_in_dim3A_98, %parallel_loop3A_387 = %broadcast_in_dim3A_100, %parallel_loop3A_388 = %broadcast_in_dim3A_102, %parallel_loop3A_389 = %broadcast_in_dim3A_104, %parallel_loop3A_390 = %broadcast_in_dim3A_106, %parallel_loop3A_391 = %broadcast_in_dim3A_108, %parallel_loop3A_392 = %broadcast_in_dim3A_110, %parallel_loop3A_393 = %broadcast_in_dim3A_112, %parallel_loop3A_394 = %broadcast_in_dim3A_114, %parallel_loop3A_395 = %broadcast_in_dim3A_116, %parallel_loop3A_396 = %broadcast_in_dim3A_118, %parallel_loop3A_397 = %broadcast_in_dim3A_120, %parallel_loop3A_398 = %broadcast_in_dim3A_122, %parallel_loop3A_399 = %broadcast_in_dim3A_124, %parallel_loop3A_400 = %broadcast_in_dim3A_126, %parallel_loop3A_401 = %broadcast_in_dim3A_128, %parallel_loop3A_402 = %broadcast_in_dim3A_130, %parallel_loop3A_403 = %broadcast_in_dim3A_132, %parallel_loop3A_404 = %broadcast_in_dim3A_134, %parallel_loop3A_405 = %broadcast_in_dim3A_136, %parallel_loop3A_406 = %broadcast_in_dim3A_138, %parallel_loop3A_407 = %broadcast_in_dim3A_140, %parallel_loop3A_408 = %broadcast_in_dim3A_142, %parallel_loop3A_409 = %broadcast_in_dim3A_144, %parallel_loop3A_410 = %broadcast_in_dim3A_146, %parallel_loop3A_411 = %broadcast_in_dim3A_148, %parallel_loop3A_412 = %broadcast_in_dim3A_150, %parallel_loop3A_413 = %broadcast_in_dim3A_152, %parallel_loop3A_414 = %broadcast_in_dim3A_154, %parallel_loop3A_415 = %broadcast_in_dim3A_156) -> (vector<32xbf16>, vector<32xbf16>, vector<32xbf16>, vector<32xbf16>, vector<32xbf16>, vector<32xbf16>, vector<32xbf16>, vector<32xbf16>, vector<32xbf16>, vector<32xbf16>, vector<32xbf16>, vector<32xbf16>, vector<32xbf16>, vector<32xbf16>, vector<32xbf16>, vector<32xbf16>, vector<32xbf16>, vector<32xbf16>, vector<32xbf16>, vector<32xbf16>, vector<32xbf16>, vector<32xbf16>, vector<32xbf16>, vector<32xbf16>, vector<32xbf16>, vector<32xbf16>, vector<32xbf16>, vector<32xbf16>, vector<32xbf16>, vector<32xbf16>, vector<32xbf16>, vector<32xbf16>)  : i32 {
        %parallel_loop3A_416 = arith.index_cast %parallel_loop3A_383 : i32 to index
        %parallel_loop3A_417 = arith.index_cast %mul3A_93 : i32 to index
        %parallel_loop3A_418 = tpu.vector_load %arg8[%parallel_loop3A_416, %parallel_loop3A_417] {strides = array<i32>} : memref<32x512xi32, #tpu.memory_space<vmem>>, vector<16xi32>,
        %parallel_loop3A_419 = arith.index_cast %parallel_loop3A_383 : i32 to index
        %parallel_loop3A_420 = arith.index_cast %mul3A_93 : i32 to index
        %parallel_loop3A_421 = tpu.vector_load %arg7[%parallel_loop3A_419, %parallel_loop3A_420] {strides = array<i32>} : memref<32x512xi32, #tpu.memory_space<vmem>>, vector<16xi32>,
        %parallel_loop3A_422 = vector.bitcast %parallel_loop3A_421 : vector<16xi32> to vector<32xbf16>
        %parallel_loop3A_423 = arith.constant 0 : i32
        %parallel_loop3A_424 = tpu.memref_slice %arg6[%parallel_loop3A_423] : memref<66048xi32, #tpu.memory_space<vmem>> -> memref<2064xi32, #tpu.memory_space<vmem>>
        %parallel_loop3A_425 = tpu.vector_load_idx %parallel_loop3A_424[%parallel_loop3A_418] : memref<2064xi32, #tpu.memory_space<vmem>>[vector<16xi32>], vector<16xi32>,
        %parallel_loop3A_426 = vector.bitcast %parallel_loop3A_425 : vector<16xi32> to vector<32xbf16>
        %parallel_loop3A_427 = arith.mulf %parallel_loop3A_426, %parallel_loop3A_422 : vector<32xbf16>
        %parallel_loop3A_428 = arith.addf %parallel_loop3A_384, %parallel_loop3A_427 : vector<32xbf16>
        %parallel_loop3A_429 = arith.constant 2064 : i32
        %parallel_loop3A_430 = tpu.memref_slice %arg6[%parallel_loop3A_429] : memref<66048xi32, #tpu.memory_space<vmem>> -> memref<2064xi32, #tpu.memory_space<vmem>>
        %parallel_loop3A_431 = tpu.vector_load_idx %parallel_loop3A_430[%parallel_loop3A_418] : memref<2064xi32, #tpu.memory_space<vmem>>[vector<16xi32>], vector<16xi32>,
        %parallel_loop3A_432 = vector.bitcast %parallel_loop3A_431 : vector<16xi32> to vector<32xbf16>
        %parallel_loop3A_433 = arith.mulf %parallel_loop3A_432, %parallel_loop3A_422 : vector<32xbf16>
        %parallel_loop3A_434 = arith.addf %parallel_loop3A_385, %parallel_loop3A_433 : vector<32xbf16>
        %parallel_loop3A_435 = arith.constant 4128 : i32
        %parallel_loop3A_436 = tpu.memref_slice %arg6[%parallel_loop3A_435] : memref<66048xi32, #tpu.memory_space<vmem>> -> memref<2064xi32, #tpu.memory_space<vmem>>
        %parallel_loop3A_437 = tpu.vector_load_idx %parallel_loop3A_436[%parallel_loop3A_418] : memref<2064xi32, #tpu.memory_space<vmem>>[vector<16xi32>], vector<16xi32>,
        %parallel_loop3A_438 = vector.bitcast %parallel_loop3A_437 : vector<16xi32> to vector<32xbf16>
        %parallel_loop3A_439 = arith.mulf %parallel_loop3A_438, %parallel_loop3A_422 : vector<32xbf16>
        %parallel_loop3A_440 = arith.addf %parallel_loop3A_386, %parallel_loop3A_439 : vector<32xbf16>
        %parallel_loop3A_441 = arith.constant 6192 : i32
        %parallel_loop3A_442 = tpu.memref_slice %arg6[%parallel_loop3A_441] : memref<66048xi32, #tpu.memory_space<vmem>> -> memref<2064xi32, #tpu.memory_space<vmem>>
        %parallel_loop3A_443 = tpu.vector_load_idx %parallel_loop3A_442[%parallel_loop3A_418] : memref<2064xi32, #tpu.memory_space<vmem>>[vector<16xi32>], vector<16xi32>,
        %parallel_loop3A_444 = vector.bitcast %parallel_loop3A_443 : vector<16xi32> to vector<32xbf16>
        %parallel_loop3A_445 = arith.mulf %parallel_loop3A_444, %parallel_loop3A_422 : vector<32xbf16>
        %parallel_loop3A_446 = arith.addf %parallel_loop3A_387, %parallel_loop3A_445 : vector<32xbf16>
        %parallel_loop3A_447 = arith.constant 8256 : i32
        %parallel_loop3A_448 = tpu.memref_slice %arg6[%parallel_loop3A_447] : memref<66048xi32, #tpu.memory_space<vmem>> -> memref<2064xi32, #tpu.memory_space<vmem>>
        %parallel_loop3A_449 = tpu.vector_load_idx %parallel_loop3A_448[%parallel_loop3A_418] : memref<2064xi32, #tpu.memory_space<vmem>>[vector<16xi32>], vector<16xi32>,
        %parallel_loop3A_450 = vector.bitcast %parallel_loop3A_449 : vector<16xi32> to vector<32xbf16>
        %parallel_loop3A_451 = arith.mulf %parallel_loop3A_450, %parallel_loop3A_422 : vector<32xbf16>
        %parallel_loop3A_452 = arith.addf %parallel_loop3A_388, %parallel_loop3A_451 : vector<32xbf16>
        %parallel_loop3A_453 = arith.constant 10320 : i32
        %parallel_loop3A_454 = tpu.memref_slice %arg6[%parallel_loop3A_453] : memref<66048xi32, #tpu.memory_space<vmem>> -> memref<2064xi32, #tpu.memory_space<vmem>>
        %parallel_loop3A_455 = tpu.vector_load_idx %parallel_loop3A_454[%parallel_loop3A_418] : memref<2064xi32, #tpu.memory_space<vmem>>[vector<16xi32>], vector<16xi32>,
        %parallel_loop3A_456 = vector.bitcast %parallel_loop3A_455 : vector<16xi32> to vector<32xbf16>
        %parallel_loop3A_457 = arith.mulf %parallel_loop3A_456, %parallel_loop3A_422 : vector<32xbf16>
        %parallel_loop3A_458 = arith.addf %parallel_loop3A_389, %parallel_loop3A_457 : vector<32xbf16>
        %parallel_loop3A_459 = arith.constant 12384 : i32
        %parallel_loop3A_460 = tpu.memref_slice %arg6[%parallel_loop3A_459] : memref<66048xi32, #tpu.memory_space<vmem>> -> memref<2064xi32, #tpu.memory_space<vmem>>
        %parallel_loop3A_461 = tpu.vector_load_idx %parallel_loop3A_460[%parallel_loop3A_418] : memref<2064xi32, #tpu.memory_space<vmem>>[vector<16xi32>], vector<16xi32>,
        %parallel_loop3A_462 = vector.bitcast %parallel_loop3A_461 : vector<16xi32> to vector<32xbf16>
        %parallel_loop3A_463 = arith.mulf %parallel_loop3A_462, %parallel_loop3A_422 : vector<32xbf16>
        %parallel_loop3A_464 = arith.addf %parallel_loop3A_390, %parallel_loop3A_463 : vector<32xbf16>
        %parallel_loop3A_465 = arith.constant 14448 : i32
        %parallel_loop3A_466 = tpu.memref_slice %arg6[%parallel_loop3A_465] : memref<66048xi32, #tpu.memory_space<vmem>> -> memref<2064xi32, #tpu.memory_space<vmem>>
        %parallel_loop3A_467 = tpu.vector_load_idx %parallel_loop3A_466[%parallel_loop3A_418] : memref<2064xi32, #tpu.memory_space<vmem>>[vector<16xi32>], vector<16xi32>,
        %parallel_loop3A_468 = vector.bitcast %parallel_loop3A_467 : vector<16xi32> to vector<32xbf16>
        %parallel_loop3A_469 = arith.mulf %parallel_loop3A_468, %parallel_loop3A_422 : vector<32xbf16>
        %parallel_loop3A_470 = arith.addf %parallel_loop3A_391, %parallel_loop3A_469 : vector<32xbf16>
        %parallel_loop3A_471 = arith.constant 16512 : i32
        %parallel_loop3A_472 = tpu.memref_slice %arg6[%parallel_loop3A_471] : memref<66048xi32, #tpu.memory_space<vmem>> -> memref<2064xi32, #tpu.memory_space<vmem>>
        %parallel_loop3A_473 = tpu.vector_load_idx %parallel_loop3A_472[%parallel_loop3A_418] : memref<2064xi32, #tpu.memory_space<vmem>>[vector<16xi32>], vector<16xi32>,
        %parallel_loop3A_474 = vector.bitcast %parallel_loop3A_473 : vector<16xi32> to vector<32xbf16>
        %parallel_loop3A_475 = arith.mulf %parallel_loop3A_474, %parallel_loop3A_422 : vector<32xbf16>
        %parallel_loop3A_476 = arith.addf %parallel_loop3A_392, %parallel_loop3A_475 : vector<32xbf16>
        %parallel_loop3A_477 = arith.constant 18576 : i32
        %parallel_loop3A_478 = tpu.memref_slice %arg6[%parallel_loop3A_477] : memref<66048xi32, #tpu.memory_space<vmem>> -> memref<2064xi32, #tpu.memory_space<vmem>>
        %parallel_loop3A_479 = tpu.vector_load_idx %parallel_loop3A_478[%parallel_loop3A_418] : memref<2064xi32, #tpu.memory_space<vmem>>[vector<16xi32>], vector<16xi32>,
        %parallel_loop3A_480 = vector.bitcast %parallel_loop3A_479 : vector<16xi32> to vector<32xbf16>
        %parallel_loop3A_481 = arith.mulf %parallel_loop3A_480, %parallel_loop3A_422 : vector<32xbf16>
        %parallel_loop3A_482 = arith.addf %parallel_loop3A_393, %parallel_loop3A_481 : vector<32xbf16>
        %parallel_loop3A_483 = arith.constant 20640 : i32
        %parallel_loop3A_484 = tpu.memref_slice %arg6[%parallel_loop3A_483] : memref<66048xi32, #tpu.memory_space<vmem>> -> memref<2064xi32, #tpu.memory_space<vmem>>
        %parallel_loop3A_485 = tpu.vector_load_idx %parallel_loop3A_484[%parallel_loop3A_418] : memref<2064xi32, #tpu.memory_space<vmem>>[vector<16xi32>], vector<16xi32>,
        %parallel_loop3A_486 = vector.bitcast %parallel_loop3A_485 : vector<16xi32> to vector<32xbf16>
        %parallel_loop3A_487 = arith.mulf %parallel_loop3A_486, %parallel_loop3A_422 : vector<32xbf16>
        %parallel_loop3A_488 = arith.addf %parallel_loop3A_394, %parallel_loop3A_487 : vector<32xbf16>
        %parallel_loop3A_489 = arith.constant 22704 : i32
        %parallel_loop3A_490 = tpu.memref_slice %arg6[%parallel_loop3A_489] : memref<66048xi32, #tpu.memory_space<vmem>> -> memref<2064xi32, #tpu.memory_space<vmem>>
        %parallel_loop3A_491 = tpu.vector_load_idx %parallel_loop3A_490[%parallel_loop3A_418] : memref<2064xi32, #tpu.memory_space<vmem>>[vector<16xi32>], vector<16xi32>,
        %parallel_loop3A_492 = vector.bitcast %parallel_loop3A_491 : vector<16xi32> to vector<32xbf16>
        %parallel_loop3A_493 = arith.mulf %parallel_loop3A_492, %parallel_loop3A_422 : vector<32xbf16>
        %parallel_loop3A_494 = arith.addf %parallel_loop3A_395, %parallel_loop3A_493 : vector<32xbf16>
        %parallel_loop3A_495 = arith.constant 24768 : i32
        %parallel_loop3A_496 = tpu.memref_slice %arg6[%parallel_loop3A_495] : memref<66048xi32, #tpu.memory_space<vmem>> -> memref<2064xi32, #tpu.memory_space<vmem>>
        %parallel_loop3A_497 = tpu.vector_load_idx %parallel_loop3A_496[%parallel_loop3A_418] : memref<2064xi32, #tpu.memory_space<vmem>>[vector<16xi32>], vector<16xi32>,
        %parallel_loop3A_498 = vector.bitcast %parallel_loop3A_497 : vector<16xi32> to vector<32xbf16>
        %parallel_loop3A_499 = arith.mulf %parallel_loop3A_498, %parallel_loop3A_422 : vector<32xbf16>
        %parallel_loop3A_500 = arith.addf %parallel_loop3A_396, %parallel_loop3A_499 : vector<32xbf16>
        %parallel_loop3A_501 = arith.constant 26832 : i32
        %parallel_loop3A_502 = tpu.memref_slice %arg6[%parallel_loop3A_501] : memref<66048xi32, #tpu.memory_space<vmem>> -> memref<2064xi32, #tpu.memory_space<vmem>>
        %parallel_loop3A_503 = tpu.vector_load_idx %parallel_loop3A_502[%parallel_loop3A_418] : memref<2064xi32, #tpu.memory_space<vmem>>[vector<16xi32>], vector<16xi32>,
        %parallel_loop3A_504 = vector.bitcast %parallel_loop3A_503 : vector<16xi32> to vector<32xbf16>
        %parallel_loop3A_505 = arith.mulf %parallel_loop3A_504, %parallel_loop3A_422 : vector<32xbf16>
        %parallel_loop3A_506 = arith.addf %parallel_loop3A_397, %parallel_loop3A_505 : vector<32xbf16>
        %parallel_loop3A_507 = arith.constant 28896 : i32
        %parallel_loop3A_508 = tpu.memref_slice %arg6[%parallel_loop3A_507] : memref<66048xi32, #tpu.memory_space<vmem>> -> memref<2064xi32, #tpu.memory_space<vmem>>
        %parallel_loop3A_509 = tpu.vector_load_idx %parallel_loop3A_508[%parallel_loop3A_418] : memref<2064xi32, #tpu.memory_space<vmem>>[vector<16xi32>], vector<16xi32>,
        %parallel_loop3A_510 = vector.bitcast %parallel_loop3A_509 : vector<16xi32> to vector<32xbf16>
        %parallel_loop3A_511 = arith.mulf %parallel_loop3A_510, %parallel_loop3A_422 : vector<32xbf16>
        %parallel_loop3A_512 = arith.addf %parallel_loop3A_398, %parallel_loop3A_511 : vector<32xbf16>
        %parallel_loop3A_513 = arith.constant 30960 : i32
        %parallel_loop3A_514 = tpu.memref_slice %arg6[%parallel_loop3A_513] : memref<66048xi32, #tpu.memory_space<vmem>> -> memref<2064xi32, #tpu.memory_space<vmem>>
        %parallel_loop3A_515 = tpu.vector_load_idx %parallel_loop3A_514[%parallel_loop3A_418] : memref<2064xi32, #tpu.memory_space<vmem>>[vector<16xi32>], vector<16xi32>,
        %parallel_loop3A_516 = vector.bitcast %parallel_loop3A_515 : vector<16xi32> to vector<32xbf16>
        %parallel_loop3A_517 = arith.mulf %parallel_loop3A_516, %parallel_loop3A_422 : vector<32xbf16>
        %parallel_loop3A_518 = arith.addf %parallel_loop3A_399, %parallel_loop3A_517 : vector<32xbf16>
        %parallel_loop3A_519 = arith.constant 33024 : i32
        %parallel_loop3A_520 = tpu.memref_slice %arg6[%parallel_loop3A_519] : memref<66048xi32, #tpu.memory_space<vmem>> -> memref<2064xi32, #tpu.memory_space<vmem>>
        %parallel_loop3A_521 = tpu.vector_load_idx %parallel_loop3A_520[%parallel_loop3A_418] : memref<2064xi32, #tpu.memory_space<vmem>>[vector<16xi32>], vector<16xi32>,
        %parallel_loop3A_522 = vector.bitcast %parallel_loop3A_521 : vector<16xi32> to vector<32xbf16>
        %parallel_loop3A_523 = arith.mulf %parallel_loop3A_522, %parallel_loop3A_422 : vector<32xbf16>
        %parallel_loop3A_524 = arith.addf %parallel_loop3A_400, %parallel_loop3A_523 : vector<32xbf16>
        %parallel_loop3A_525 = arith.constant 35088 : i32
        %parallel_loop3A_526 = tpu.memref_slice %arg6[%parallel_loop3A_525] : memref<66048xi32, #tpu.memory_space<vmem>> -> memref<2064xi32, #tpu.memory_space<vmem>>
        %parallel_loop3A_527 = tpu.vector_load_idx %parallel_loop3A_526[%parallel_loop3A_418] : memref<2064xi32, #tpu.memory_space<vmem>>[vector<16xi32>], vector<16xi32>,
        %parallel_loop3A_528 = vector.bitcast %parallel_loop3A_527 : vector<16xi32> to vector<32xbf16>
        %parallel_loop3A_529 = arith.mulf %parallel_loop3A_528, %parallel_loop3A_422 : vector<32xbf16>
        %parallel_loop3A_530 = arith.addf %parallel_loop3A_401, %parallel_loop3A_529 : vector<32xbf16>
        %parallel_loop3A_531 = arith.constant 37152 : i32
        %parallel_loop3A_532 = tpu.memref_slice %arg6[%parallel_loop3A_531] : memref<66048xi32, #tpu.memory_space<vmem>> -> memref<2064xi32, #tpu.memory_space<vmem>>
        %parallel_loop3A_533 = tpu.vector_load_idx %parallel_loop3A_532[%parallel_loop3A_418] : memref<2064xi32, #tpu.memory_space<vmem>>[vector<16xi32>], vector<16xi32>,
        %parallel_loop3A_534 = vector.bitcast %parallel_loop3A_533 : vector<16xi32> to vector<32xbf16>
        %parallel_loop3A_535 = arith.mulf %parallel_loop3A_534, %parallel_loop3A_422 : vector<32xbf16>
        %parallel_loop3A_536 = arith.addf %parallel_loop3A_402, %parallel_loop3A_535 : vector<32xbf16>
        %parallel_loop3A_537 = arith.constant 39216 : i32
        %parallel_loop3A_538 = tpu.memref_slice %arg6[%parallel_loop3A_537] : memref<66048xi32, #tpu.memory_space<vmem>> -> memref<2064xi32, #tpu.memory_space<vmem>>
        %parallel_loop3A_539 = tpu.vector_load_idx %parallel_loop3A_538[%parallel_loop3A_418] : memref<2064xi32, #tpu.memory_space<vmem>>[vector<16xi32>], vector<16xi32>,
        %parallel_loop3A_540 = vector.bitcast %parallel_loop3A_539 : vector<16xi32> to vector<32xbf16>
        %parallel_loop3A_541 = arith.mulf %parallel_loop3A_540, %parallel_loop3A_422 : vector<32xbf16>
        %parallel_loop3A_542 = arith.addf %parallel_loop3A_403, %parallel_loop3A_541 : vector<32xbf16>
        %parallel_loop3A_543 = arith.constant 41280 : i32
        %parallel_loop3A_544 = tpu.memref_slice %arg6[%parallel_loop3A_543] : memref<66048xi32, #tpu.memory_space<vmem>> -> memref<2064xi32, #tpu.memory_space<vmem>>
        %parallel_loop3A_545 = tpu.vector_load_idx %parallel_loop3A_544[%parallel_loop3A_418] : memref<2064xi32, #tpu.memory_space<vmem>>[vector<16xi32>], vector<16xi32>,
        %parallel_loop3A_546 = vector.bitcast %parallel_loop3A_545 : vector<16xi32> to vector<32xbf16>
        %parallel_loop3A_547 = arith.mulf %parallel_loop3A_546, %parallel_loop3A_422 : vector<32xbf16>
        %parallel_loop3A_548 = arith.addf %parallel_loop3A_404, %parallel_loop3A_547 : vector<32xbf16>
        %parallel_loop3A_549 = arith.constant 43344 : i32
        %parallel_loop3A_550 = tpu.memref_slice %arg6[%parallel_loop3A_549] : memref<66048xi32, #tpu.memory_space<vmem>> -> memref<2064xi32, #tpu.memory_space<vmem>>
        %parallel_loop3A_551 = tpu.vector_load_idx %parallel_loop3A_550[%parallel_loop3A_418] : memref<2064xi32, #tpu.memory_space<vmem>>[vector<16xi32>], vector<16xi32>,
        %parallel_loop3A_552 = vector.bitcast %parallel_loop3A_551 : vector<16xi32> to vector<32xbf16>
        %parallel_loop3A_553 = arith.mulf %parallel_loop3A_552, %parallel_loop3A_422 : vector<32xbf16>
        %parallel_loop3A_554 = arith.addf %parallel_loop3A_405, %parallel_loop3A_553 : vector<32xbf16>
        %parallel_loop3A_555 = arith.constant 45408 : i32
        %parallel_loop3A_556 = tpu.memref_slice %arg6[%parallel_loop3A_555] : memref<66048xi32, #tpu.memory_space<vmem>> -> memref<2064xi32, #tpu.memory_space<vmem>>
        %parallel_loop3A_557 = tpu.vector_load_idx %parallel_loop3A_556[%parallel_loop3A_418] : memref<2064xi32, #tpu.memory_space<vmem>>[vector<16xi32>], vector<16xi32>,
        %parallel_loop3A_558 = vector.bitcast %parallel_loop3A_557 : vector<16xi32> to vector<32xbf16>
        %parallel_loop3A_559 = arith.mulf %parallel_loop3A_558, %parallel_loop3A_422 : vector<32xbf16>
        %parallel_loop3A_560 = arith.addf %parallel_loop3A_406, %parallel_loop3A_559 : vector<32xbf16>
        %parallel_loop3A_561 = arith.constant 47472 : i32
        %parallel_loop3A_562 = tpu.memref_slice %arg6[%parallel_loop3A_561] : memref<66048xi32, #tpu.memory_space<vmem>> -> memref<2064xi32, #tpu.memory_space<vmem>>
        %parallel_loop3A_563 = tpu.vector_load_idx %parallel_loop3A_562[%parallel_loop3A_418] : memref<2064xi32, #tpu.memory_space<vmem>>[vector<16xi32>], vector<16xi32>,
        %parallel_loop3A_564 = vector.bitcast %parallel_loop3A_563 : vector<16xi32> to vector<32xbf16>
        %parallel_loop3A_565 = arith.mulf %parallel_loop3A_564, %parallel_loop3A_422 : vector<32xbf16>
        %parallel_loop3A_566 = arith.addf %parallel_loop3A_407, %parallel_loop3A_565 : vector<32xbf16>
        %parallel_loop3A_567 = arith.constant 49536 : i32
        %parallel_loop3A_568 = tpu.memref_slice %arg6[%parallel_loop3A_567] : memref<66048xi32, #tpu.memory_space<vmem>> -> memref<2064xi32, #tpu.memory_space<vmem>>
        %parallel_loop3A_569 = tpu.vector_load_idx %parallel_loop3A_568[%parallel_loop3A_418] : memref<2064xi32, #tpu.memory_space<vmem>>[vector<16xi32>], vector<16xi32>,
        %parallel_loop3A_570 = vector.bitcast %parallel_loop3A_569 : vector<16xi32> to vector<32xbf16>
        %parallel_loop3A_571 = arith.mulf %parallel_loop3A_570, %parallel_loop3A_422 : vector<32xbf16>
        %parallel_loop3A_572 = arith.addf %parallel_loop3A_408, %parallel_loop3A_571 : vector<32xbf16>
        %parallel_loop3A_573 = arith.constant 51600 : i32
        %parallel_loop3A_574 = tpu.memref_slice %arg6[%parallel_loop3A_573] : memref<66048xi32, #tpu.memory_space<vmem>> -> memref<2064xi32, #tpu.memory_space<vmem>>
        %parallel_loop3A_575 = tpu.vector_load_idx %parallel_loop3A_574[%parallel_loop3A_418] : memref<2064xi32, #tpu.memory_space<vmem>>[vector<16xi32>], vector<16xi32>,
        %parallel_loop3A_576 = vector.bitcast %parallel_loop3A_575 : vector<16xi32> to vector<32xbf16>
        %parallel_loop3A_577 = arith.mulf %parallel_loop3A_576, %parallel_loop3A_422 : vector<32xbf16>
        %parallel_loop3A_578 = arith.addf %parallel_loop3A_409, %parallel_loop3A_577 : vector<32xbf16>
        %parallel_loop3A_579 = arith.constant 53664 : i32
        %parallel_loop3A_580 = tpu.memref_slice %arg6[%parallel_loop3A_579] : memref<66048xi32, #tpu.memory_space<vmem>> -> memref<2064xi32, #tpu.memory_space<vmem>>
        %parallel_loop3A_581 = tpu.vector_load_idx %parallel_loop3A_580[%parallel_loop3A_418] : memref<2064xi32, #tpu.memory_space<vmem>>[vector<16xi32>], vector<16xi32>,
        %parallel_loop3A_582 = vector.bitcast %parallel_loop3A_581 : vector<16xi32> to vector<32xbf16>
        %parallel_loop3A_583 = arith.mulf %parallel_loop3A_582, %parallel_loop3A_422 : vector<32xbf16>
        %parallel_loop3A_584 = arith.addf %parallel_loop3A_410, %parallel_loop3A_583 : vector<32xbf16>
        %parallel_loop3A_585 = arith.constant 55728 : i32
        %parallel_loop3A_586 = tpu.memref_slice %arg6[%parallel_loop3A_585] : memref<66048xi32, #tpu.memory_space<vmem>> -> memref<2064xi32, #tpu.memory_space<vmem>>
        %parallel_loop3A_587 = tpu.vector_load_idx %parallel_loop3A_586[%parallel_loop3A_418] : memref<2064xi32, #tpu.memory_space<vmem>>[vector<16xi32>], vector<16xi32>,
        %parallel_loop3A_588 = vector.bitcast %parallel_loop3A_587 : vector<16xi32> to vector<32xbf16>
        %parallel_loop3A_589 = arith.mulf %parallel_loop3A_588, %parallel_loop3A_422 : vector<32xbf16>
        %parallel_loop3A_590 = arith.addf %parallel_loop3A_411, %parallel_loop3A_589 : vector<32xbf16>
        %parallel_loop3A_591 = arith.constant 57792 : i32
        %parallel_loop3A_592 = tpu.memref_slice %arg6[%parallel_loop3A_591] : memref<66048xi32, #tpu.memory_space<vmem>> -> memref<2064xi32, #tpu.memory_space<vmem>>
        %parallel_loop3A_593 = tpu.vector_load_idx %parallel_loop3A_592[%parallel_loop3A_418] : memref<2064xi32, #tpu.memory_space<vmem>>[vector<16xi32>], vector<16xi32>,
        %parallel_loop3A_594 = vector.bitcast %parallel_loop3A_593 : vector<16xi32> to vector<32xbf16>
        %parallel_loop3A_595 = arith.mulf %parallel_loop3A_594, %parallel_loop3A_422 : vector<32xbf16>
        %parallel_loop3A_596 = arith.addf %parallel_loop3A_412, %parallel_loop3A_595 : vector<32xbf16>
        %parallel_loop3A_597 = arith.constant 59856 : i32
        %parallel_loop3A_598 = tpu.memref_slice %arg6[%parallel_loop3A_597] : memref<66048xi32, #tpu.memory_space<vmem>> -> memref<2064xi32, #tpu.memory_space<vmem>>
        %parallel_loop3A_599 = tpu.vector_load_idx %parallel_loop3A_598[%parallel_loop3A_418] : memref<2064xi32, #tpu.memory_space<vmem>>[vector<16xi32>], vector<16xi32>,
        %parallel_loop3A_600 = vector.bitcast %parallel_loop3A_599 : vector<16xi32> to vector<32xbf16>
        %parallel_loop3A_601 = arith.mulf %parallel_loop3A_600, %parallel_loop3A_422 : vector<32xbf16>
        %parallel_loop3A_602 = arith.addf %parallel_loop3A_413, %parallel_loop3A_601 : vector<32xbf16>
        %parallel_loop3A_603 = arith.constant 61920 : i32
        %parallel_loop3A_604 = tpu.memref_slice %arg6[%parallel_loop3A_603] : memref<66048xi32, #tpu.memory_space<vmem>> -> memref<2064xi32, #tpu.memory_space<vmem>>
        %parallel_loop3A_605 = tpu.vector_load_idx %parallel_loop3A_604[%parallel_loop3A_418] : memref<2064xi32, #tpu.memory_space<vmem>>[vector<16xi32>], vector<16xi32>,
        %parallel_loop3A_606 = vector.bitcast %parallel_loop3A_605 : vector<16xi32> to vector<32xbf16>
        %parallel_loop3A_607 = arith.mulf %parallel_loop3A_606, %parallel_loop3A_422 : vector<32xbf16>
        %parallel_loop3A_608 = arith.addf %parallel_loop3A_414, %parallel_loop3A_607 : vector<32xbf16>
        %parallel_loop3A_609 = arith.constant 63984 : i32
        %parallel_loop3A_610 = tpu.memref_slice %arg6[%parallel_loop3A_609] : memref<66048xi32, #tpu.memory_space<vmem>> -> memref<2064xi32, #tpu.memory_space<vmem>>
        %parallel_loop3A_611 = tpu.vector_load_idx %parallel_loop3A_610[%parallel_loop3A_418] : memref<2064xi32, #tpu.memory_space<vmem>>[vector<16xi32>], vector<16xi32>,
        %parallel_loop3A_612 = vector.bitcast %parallel_loop3A_611 : vector<16xi32> to vector<32xbf16>
        %parallel_loop3A_613 = arith.mulf %parallel_loop3A_612, %parallel_loop3A_422 : vector<32xbf16>
        %parallel_loop3A_614 = arith.addf %parallel_loop3A_415, %parallel_loop3A_613 : vector<32xbf16>
        scf.yield %parallel_loop3A_428, %parallel_loop3A_434, %parallel_loop3A_440, %parallel_loop3A_446, %parallel_loop3A_452, %parallel_loop3A_458, %parallel_loop3A_464, %parallel_loop3A_470, %parallel_loop3A_476, %parallel_loop3A_482, %parallel_loop3A_488, %parallel_loop3A_494, %parallel_loop3A_500, %parallel_loop3A_506, %parallel_loop3A_512, %parallel_loop3A_518, %parallel_loop3A_524, %parallel_loop3A_530, %parallel_loop3A_536, %parallel_loop3A_542, %parallel_loop3A_548, %parallel_loop3A_554, %parallel_loop3A_560, %parallel_loop3A_566, %parallel_loop3A_572, %parallel_loop3A_578, %parallel_loop3A_584, %parallel_loop3A_590, %parallel_loop3A_596, %parallel_loop3A_602, %parallel_loop3A_608, %parallel_loop3A_614 : vector<32xbf16>, vector<32xbf16>, vector<32xbf16>, vector<32xbf16>, vector<32xbf16>, vector<32xbf16>, vector<32xbf16>, vector<32xbf16>, vector<32xbf16>, vector<32xbf16>, vector<32xbf16>, vector<32xbf16>, vector<32xbf16>, vector<32xbf16>, vector<32xbf16>, vector<32xbf16>, vector<32xbf16>, vector<32xbf16>, vector<32xbf16>, vector<32xbf16>, vector<32xbf16>, vector<32xbf16>, vector<32xbf16>, vector<32xbf16>, vector<32xbf16>, vector<32xbf16>, vector<32xbf16>, vector<32xbf16>, vector<32xbf16>, vector<32xbf16>, vector<32xbf16>, vector<32xbf16>
      } {sc.loop_unroll_factor = 2 : i64, sc.parallel_access}
      %unpack3A = tpu.unpack_subelements %parallel_loop3A_159#0, 0 {pack_format = #tpu.pack_format<interleaved>} : vector<32xbf16> -> vector<16xf32>
      %unpack3A_160 = tpu.unpack_subelements %parallel_loop3A_159#0, 1 {pack_format = #tpu.pack_format<interleaved>} : vector<32xbf16> -> vector<16xf32>
      %add3A_161 = arith.addf %unpack3A, %unpack3A_160 : vector<16xf32>
      %swap3A = arith.constant 0 : i32
      %swap3A_162 = arith.index_cast %swap3A : i32 to index
      %swap3A_163 = arith.index_cast %mul3A_93 : i32 to index
      %swap3A_164 = tpu.vector_load %arg9[%swap3A_162, %swap3A_163] {strides = array<i32>} : memref<32x512xf32, #tpu.memory_space<vmem>>, vector<16xf32>,
      tpu.vector_store %arg9[%swap3A_162, %swap3A_163], %add3A_161 {strides = array<i32>} : memref<32x512xf32, #tpu.memory_space<vmem>>, vector<16xf32>,
      %unpack3A_165 = tpu.unpack_subelements %parallel_loop3A_159#1, 0 {pack_format = #tpu.pack_format<interleaved>} : vector<32xbf16> -> vector<16xf32>
      %unpack3A_166 = tpu.unpack_subelements %parallel_loop3A_159#1, 1 {pack_format = #tpu.pack_format<interleaved>} : vector<32xbf16> -> vector<16xf32>
      %add3A_167 = arith.addf %unpack3A_165, %unpack3A_166 : vector<16xf32>
      %swap3A_168 = arith.constant 1 : i32
      %swap3A_169 = arith.index_cast %swap3A_168 : i32 to index
      %swap3A_170 = arith.index_cast %mul3A_93 : i32 to index
      %swap3A_171 = tpu.vector_load %arg9[%swap3A_169, %swap3A_170] {strides = array<i32>} : memref<32x512xf32, #tpu.memory_space<vmem>>, vector<16xf32>,
      tpu.vector_store %arg9[%swap3A_169, %swap3A_170], %add3A_167 {strides = array<i32>} : memref<32x512xf32, #tpu.memory_space<vmem>>, vector<16xf32>,
      %unpack3A_172 = tpu.unpack_subelements %parallel_loop3A_159#2, 0 {pack_format = #tpu.pack_format<interleaved>} : vector<32xbf16> -> vector<16xf32>
      %unpack3A_173 = tpu.unpack_subelements %parallel_loop3A_159#2, 1 {pack_format = #tpu.pack_format<interleaved>} : vector<32xbf16> -> vector<16xf32>
      %add3A_174 = arith.addf %unpack3A_172, %unpack3A_173 : vector<16xf32>
      %swap3A_175 = arith.constant 2 : i32
      %swap3A_176 = arith.index_cast %swap3A_175 : i32 to index
      %swap3A_177 = arith.index_cast %mul3A_93 : i32 to index
      %swap3A_178 = tpu.vector_load %arg9[%swap3A_176, %swap3A_177] {strides = array<i32>} : memref<32x512xf32, #tpu.memory_space<vmem>>, vector<16xf32>,
      tpu.vector_store %arg9[%swap3A_176, %swap3A_177], %add3A_174 {strides = array<i32>} : memref<32x512xf32, #tpu.memory_space<vmem>>, vector<16xf32>,
      %unpack3A_179 = tpu.unpack_subelements %parallel_loop3A_159#3, 0 {pack_format = #tpu.pack_format<interleaved>} : vector<32xbf16> -> vector<16xf32>
      %unpack3A_180 = tpu.unpack_subelements %parallel_loop3A_159#3, 1 {pack_format = #tpu.pack_format<interleaved>} : vector<32xbf16> -> vector<16xf32>
      %add3A_181 = arith.addf %unpack3A_179, %unpack3A_180 : vector<16xf32>
      %swap3A_182 = arith.constant 3 : i32
      %swap3A_183 = arith.index_cast %swap3A_182 : i32 to index
      %swap3A_184 = arith.index_cast %mul3A_93 : i32 to index
      %swap3A_185 = tpu.vector_load %arg9[%swap3A_183, %swap3A_184] {strides = array<i32>} : memref<32x512xf32, #tpu.memory_space<vmem>>, vector<16xf32>,
      tpu.vector_store %arg9[%swap3A_183, %swap3A_184], %add3A_181 {strides = array<i32>} : memref<32x512xf32, #tpu.memory_space<vmem>>, vector<16xf32>,
      %unpack3A_186 = tpu.unpack_subelements %parallel_loop3A_159#4, 0 {pack_format = #tpu.pack_format<interleaved>} : vector<32xbf16> -> vector<16xf32>
      %unpack3A_187 = tpu.unpack_subelements %parallel_loop3A_159#4, 1 {pack_format = #tpu.pack_format<interleaved>} : vector<32xbf16> -> vector<16xf32>
      %add3A_188 = arith.addf %unpack3A_186, %unpack3A_187 : vector<16xf32>
      %swap3A_189 = arith.constant 4 : i32
      %swap3A_190 = arith.index_cast %swap3A_189 : i32 to index
      %swap3A_191 = arith.index_cast %mul3A_93 : i32 to index
      %swap3A_192 = tpu.vector_load %arg9[%swap3A_190, %swap3A_191] {strides = array<i32>} : memref<32x512xf32, #tpu.memory_space<vmem>>, vector<16xf32>,
      tpu.vector_store %arg9[%swap3A_190, %swap3A_191], %add3A_188 {strides = array<i32>} : memref<32x512xf32, #tpu.memory_space<vmem>>, vector<16xf32>,
      %unpack3A_193 = tpu.unpack_subelements %parallel_loop3A_159#5, 0 {pack_format = #tpu.pack_format<interleaved>} : vector<32xbf16> -> vector<16xf32>
      %unpack3A_194 = tpu.unpack_subelements %parallel_loop3A_159#5, 1 {pack_format = #tpu.pack_format<interleaved>} : vector<32xbf16> -> vector<16xf32>
      %add3A_195 = arith.addf %unpack3A_193, %unpack3A_194 : vector<16xf32>
      %swap3A_196 = arith.constant 5 : i32
      %swap3A_197 = arith.index_cast %swap3A_196 : i32 to index
      %swap3A_198 = arith.index_cast %mul3A_93 : i32 to index
      %swap3A_199 = tpu.vector_load %arg9[%swap3A_197, %swap3A_198] {strides = array<i32>} : memref<32x512xf32, #tpu.memory_space<vmem>>, vector<16xf32>,
      tpu.vector_store %arg9[%swap3A_197, %swap3A_198], %add3A_195 {strides = array<i32>} : memref<32x512xf32, #tpu.memory_space<vmem>>, vector<16xf32>,
      %unpack3A_200 = tpu.unpack_subelements %parallel_loop3A_159#6, 0 {pack_format = #tpu.pack_format<interleaved>} : vector<32xbf16> -> vector<16xf32>
      %unpack3A_201 = tpu.unpack_subelements %parallel_loop3A_159#6, 1 {pack_format = #tpu.pack_format<interleaved>} : vector<32xbf16> -> vector<16xf32>
      %add3A_202 = arith.addf %unpack3A_200, %unpack3A_201 : vector<16xf32>
      %swap3A_203 = arith.constant 6 : i32
      %swap3A_204 = arith.index_cast %swap3A_203 : i32 to index
      %swap3A_205 = arith.index_cast %mul3A_93 : i32 to index
      %swap3A_206 = tpu.vector_load %arg9[%swap3A_204, %swap3A_205] {strides = array<i32>} : memref<32x512xf32, #tpu.memory_space<vmem>>, vector<16xf32>,
      tpu.vector_store %arg9[%swap3A_204, %swap3A_205], %add3A_202 {strides = array<i32>} : memref<32x512xf32, #tpu.memory_space<vmem>>, vector<16xf32>,
      %unpack3A_207 = tpu.unpack_subelements %parallel_loop3A_159#7, 0 {pack_format = #tpu.pack_format<interleaved>} : vector<32xbf16> -> vector<16xf32>
      %unpack3A_208 = tpu.unpack_subelements %parallel_loop3A_159#7, 1 {pack_format = #tpu.pack_format<interleaved>} : vector<32xbf16> -> vector<16xf32>
      %add3A_209 = arith.addf %unpack3A_207, %unpack3A_208 : vector<16xf32>
      %swap3A_210 = arith.constant 7 : i32
      %swap3A_211 = arith.index_cast %swap3A_210 : i32 to index
      %swap3A_212 = arith.index_cast %mul3A_93 : i32 to index
      %swap3A_213 = tpu.vector_load %arg9[%swap3A_211, %swap3A_212] {strides = array<i32>} : memref<32x512xf32, #tpu.memory_space<vmem>>, vector<16xf32>,
      tpu.vector_store %arg9[%swap3A_211, %swap3A_212], %add3A_209 {strides = array<i32>} : memref<32x512xf32, #tpu.memory_space<vmem>>, vector<16xf32>,
      %unpack3A_214 = tpu.unpack_subelements %parallel_loop3A_159#8, 0 {pack_format = #tpu.pack_format<interleaved>} : vector<32xbf16> -> vector<16xf32>
      %unpack3A_215 = tpu.unpack_subelements %parallel_loop3A_159#8, 1 {pack_format = #tpu.pack_format<interleaved>} : vector<32xbf16> -> vector<16xf32>
      %add3A_216 = arith.addf %unpack3A_214, %unpack3A_215 : vector<16xf32>
      %swap3A_217 = arith.constant 8 : i32
      %swap3A_218 = arith.index_cast %swap3A_217 : i32 to index
      %swap3A_219 = arith.index_cast %mul3A_93 : i32 to index
      %swap3A_220 = tpu.vector_load %arg9[%swap3A_218, %swap3A_219] {strides = array<i32>} : memref<32x512xf32, #tpu.memory_space<vmem>>, vector<16xf32>,
      tpu.vector_store %arg9[%swap3A_218, %swap3A_219], %add3A_216 {strides = array<i32>} : memref<32x512xf32, #tpu.memory_space<vmem>>, vector<16xf32>,
      %unpack3A_221 = tpu.unpack_subelements %parallel_loop3A_159#9, 0 {pack_format = #tpu.pack_format<interleaved>} : vector<32xbf16> -> vector<16xf32>
      %unpack3A_222 = tpu.unpack_subelements %parallel_loop3A_159#9, 1 {pack_format = #tpu.pack_format<interleaved>} : vector<32xbf16> -> vector<16xf32>
      %add3A_223 = arith.addf %unpack3A_221, %unpack3A_222 : vector<16xf32>
      %swap3A_224 = arith.constant 9 : i32
      %swap3A_225 = arith.index_cast %swap3A_224 : i32 to index
      %swap3A_226 = arith.index_cast %mul3A_93 : i32 to index
      %swap3A_227 = tpu.vector_load %arg9[%swap3A_225, %swap3A_226] {strides = array<i32>} : memref<32x512xf32, #tpu.memory_space<vmem>>, vector<16xf32>,
      tpu.vector_store %arg9[%swap3A_225, %swap3A_226], %add3A_223 {strides = array<i32>} : memref<32x512xf32, #tpu.memory_space<vmem>>, vector<16xf32>,
      %unpack3A_228 = tpu.unpack_subelements %parallel_loop3A_159#10, 0 {pack_format = #tpu.pack_format<interleaved>} : vector<32xbf16> -> vector<16xf32>
      %unpack3A_229 = tpu.unpack_subelements %parallel_loop3A_159#10, 1 {pack_format = #tpu.pack_format<interleaved>} : vector<32xbf16> -> vector<16xf32>
      %add3A_230 = arith.addf %unpack3A_228, %unpack3A_229 : vector<16xf32>
      %swap3A_231 = arith.constant 10 : i32
      %swap3A_232 = arith.index_cast %swap3A_231 : i32 to index
      %swap3A_233 = arith.index_cast %mul3A_93 : i32 to index
      %swap3A_234 = tpu.vector_load %arg9[%swap3A_232, %swap3A_233] {strides = array<i32>} : memref<32x512xf32, #tpu.memory_space<vmem>>, vector<16xf32>,
      tpu.vector_store %arg9[%swap3A_232, %swap3A_233], %add3A_230 {strides = array<i32>} : memref<32x512xf32, #tpu.memory_space<vmem>>, vector<16xf32>,
      %unpack3A_235 = tpu.unpack_subelements %parallel_loop3A_159#11, 0 {pack_format = #tpu.pack_format<interleaved>} : vector<32xbf16> -> vector<16xf32>
      %unpack3A_236 = tpu.unpack_subelements %parallel_loop3A_159#11, 1 {pack_format = #tpu.pack_format<interleaved>} : vector<32xbf16> -> vector<16xf32>
      %add3A_237 = arith.addf %unpack3A_235, %unpack3A_236 : vector<16xf32>
      %swap3A_238 = arith.constant 11 : i32
      %swap3A_239 = arith.index_cast %swap3A_238 : i32 to index
      %swap3A_240 = arith.index_cast %mul3A_93 : i32 to index
      %swap3A_241 = tpu.vector_load %arg9[%swap3A_239, %swap3A_240] {strides = array<i32>} : memref<32x512xf32, #tpu.memory_space<vmem>>, vector<16xf32>,
      tpu.vector_store %arg9[%swap3A_239, %swap3A_240], %add3A_237 {strides = array<i32>} : memref<32x512xf32, #tpu.memory_space<vmem>>, vector<16xf32>,
      %unpack3A_242 = tpu.unpack_subelements %parallel_loop3A_159#12, 0 {pack_format = #tpu.pack_format<interleaved>} : vector<32xbf16> -> vector<16xf32>
      %unpack3A_243 = tpu.unpack_subelements %parallel_loop3A_159#12, 1 {pack_format = #tpu.pack_format<interleaved>} : vector<32xbf16> -> vector<16xf32>
      %add3A_244 = arith.addf %unpack3A_242, %unpack3A_243 : vector<16xf32>
      %swap3A_245 = arith.constant 12 : i32
      %swap3A_246 = arith.index_cast %swap3A_245 : i32 to index
      %swap3A_247 = arith.index_cast %mul3A_93 : i32 to index
      %swap3A_248 = tpu.vector_load %arg9[%swap3A_246, %swap3A_247] {strides = array<i32>} : memref<32x512xf32, #tpu.memory_space<vmem>>, vector<16xf32>,
      tpu.vector_store %arg9[%swap3A_246, %swap3A_247], %add3A_244 {strides = array<i32>} : memref<32x512xf32, #tpu.memory_space<vmem>>, vector<16xf32>,
      %unpack3A_249 = tpu.unpack_subelements %parallel_loop3A_159#13, 0 {pack_format = #tpu.pack_format<interleaved>} : vector<32xbf16> -> vector<16xf32>
      %unpack3A_250 = tpu.unpack_subelements %parallel_loop3A_159#13, 1 {pack_format = #tpu.pack_format<interleaved>} : vector<32xbf16> -> vector<16xf32>
      %add3A_251 = arith.addf %unpack3A_249, %unpack3A_250 : vector<16xf32>
      %swap3A_252 = arith.constant 13 : i32
      %swap3A_253 = arith.index_cast %swap3A_252 : i32 to index
      %swap3A_254 = arith.index_cast %mul3A_93 : i32 to index
      %swap3A_255 = tpu.vector_load %arg9[%swap3A_253, %swap3A_254] {strides = array<i32>} : memref<32x512xf32, #tpu.memory_space<vmem>>, vector<16xf32>,
      tpu.vector_store %arg9[%swap3A_253, %swap3A_254], %add3A_251 {strides = array<i32>} : memref<32x512xf32, #tpu.memory_space<vmem>>, vector<16xf32>,
      %unpack3A_256 = tpu.unpack_subelements %parallel_loop3A_159#14, 0 {pack_format = #tpu.pack_format<interleaved>} : vector<32xbf16> -> vector<16xf32>
      %unpack3A_257 = tpu.unpack_subelements %parallel_loop3A_159#14, 1 {pack_format = #tpu.pack_format<interleaved>} : vector<32xbf16> -> vector<16xf32>
      %add3A_258 = arith.addf %unpack3A_256, %unpack3A_257 : vector<16xf32>
      %swap3A_259 = arith.constant 14 : i32
      %swap3A_260 = arith.index_cast %swap3A_259 : i32 to index
      %swap3A_261 = arith.index_cast %mul3A_93 : i32 to index
      %swap3A_262 = tpu.vector_load %arg9[%swap3A_260, %swap3A_261] {strides = array<i32>} : memref<32x512xf32, #tpu.memory_space<vmem>>, vector<16xf32>,
      tpu.vector_store %arg9[%swap3A_260, %swap3A_261], %add3A_258 {strides = array<i32>} : memref<32x512xf32, #tpu.memory_space<vmem>>, vector<16xf32>,
      %unpack3A_263 = tpu.unpack_subelements %parallel_loop3A_159#15, 0 {pack_format = #tpu.pack_format<interleaved>} : vector<32xbf16> -> vector<16xf32>
      %unpack3A_264 = tpu.unpack_subelements %parallel_loop3A_159#15, 1 {pack_format = #tpu.pack_format<interleaved>} : vector<32xbf16> -> vector<16xf32>
      %add3A_265 = arith.addf %unpack3A_263, %unpack3A_264 : vector<16xf32>
      %swap3A_266 = arith.constant 15 : i32
      %swap3A_267 = arith.index_cast %swap3A_266 : i32 to index
      %swap3A_268 = arith.index_cast %mul3A_93 : i32 to index
      %swap3A_269 = tpu.vector_load %arg9[%swap3A_267, %swap3A_268] {strides = array<i32>} : memref<32x512xf32, #tpu.memory_space<vmem>>, vector<16xf32>,
      tpu.vector_store %arg9[%swap3A_267, %swap3A_268], %add3A_265 {strides = array<i32>} : memref<32x512xf32, #tpu.memory_space<vmem>>, vector<16xf32>,
      %unpack3A_270 = tpu.unpack_subelements %parallel_loop3A_159#16, 0 {pack_format = #tpu.pack_format<interleaved>} : vector<32xbf16> -> vector<16xf32>
      %unpack3A_271 = tpu.unpack_subelements %parallel_loop3A_159#16, 1 {pack_format = #tpu.pack_format<interleaved>} : vector<32xbf16> -> vector<16xf32>
      %add3A_272 = arith.addf %unpack3A_270, %unpack3A_271 : vector<16xf32>
      %swap3A_273 = arith.constant 16 : i32
      %swap3A_274 = arith.index_cast %swap3A_273 : i32 to index
      %swap3A_275 = arith.index_cast %mul3A_93 : i32 to index
      %swap3A_276 = tpu.vector_load %arg9[%swap3A_274, %swap3A_275] {strides = array<i32>} : memref<32x512xf32, #tpu.memory_space<vmem>>, vector<16xf32>,
      tpu.vector_store %arg9[%swap3A_274, %swap3A_275], %add3A_272 {strides = array<i32>} : memref<32x512xf32, #tpu.memory_space<vmem>>, vector<16xf32>,
      %unpack3A_277 = tpu.unpack_subelements %parallel_loop3A_159#17, 0 {pack_format = #tpu.pack_format<interleaved>} : vector<32xbf16> -> vector<16xf32>
      %unpack3A_278 = tpu.unpack_subelements %parallel_loop3A_159#17, 1 {pack_format = #tpu.pack_format<interleaved>} : vector<32xbf16> -> vector<16xf32>
      %add3A_279 = arith.addf %unpack3A_277, %unpack3A_278 : vector<16xf32>
      %swap3A_280 = arith.constant 17 : i32
      %swap3A_281 = arith.index_cast %swap3A_280 : i32 to index
      %swap3A_282 = arith.index_cast %mul3A_93 : i32 to index
      %swap3A_283 = tpu.vector_load %arg9[%swap3A_281, %swap3A_282] {strides = array<i32>} : memref<32x512xf32, #tpu.memory_space<vmem>>, vector<16xf32>,
      tpu.vector_store %arg9[%swap3A_281, %swap3A_282], %add3A_279 {strides = array<i32>} : memref<32x512xf32, #tpu.memory_space<vmem>>, vector<16xf32>,
      %unpack3A_284 = tpu.unpack_subelements %parallel_loop3A_159#18, 0 {pack_format = #tpu.pack_format<interleaved>} : vector<32xbf16> -> vector<16xf32>
      %unpack3A_285 = tpu.unpack_subelements %parallel_loop3A_159#18, 1 {pack_format = #tpu.pack_format<interleaved>} : vector<32xbf16> -> vector<16xf32>
      %add3A_286 = arith.addf %unpack3A_284, %unpack3A_285 : vector<16xf32>
      %swap3A_287 = arith.constant 18 : i32
      %swap3A_288 = arith.index_cast %swap3A_287 : i32 to index
      %swap3A_289 = arith.index_cast %mul3A_93 : i32 to index
      %swap3A_290 = tpu.vector_load %arg9[%swap3A_288, %swap3A_289] {strides = array<i32>} : memref<32x512xf32, #tpu.memory_space<vmem>>, vector<16xf32>,
      tpu.vector_store %arg9[%swap3A_288, %swap3A_289], %add3A_286 {strides = array<i32>} : memref<32x512xf32, #tpu.memory_space<vmem>>, vector<16xf32>,
      %unpack3A_291 = tpu.unpack_subelements %parallel_loop3A_159#19, 0 {pack_format = #tpu.pack_format<interleaved>} : vector<32xbf16> -> vector<16xf32>
      %unpack3A_292 = tpu.unpack_subelements %parallel_loop3A_159#19, 1 {pack_format = #tpu.pack_format<interleaved>} : vector<32xbf16> -> vector<16xf32>
      %add3A_293 = arith.addf %unpack3A_291, %unpack3A_292 : vector<16xf32>
      %swap3A_294 = arith.constant 19 : i32
      %swap3A_295 = arith.index_cast %swap3A_294 : i32 to index
      %swap3A_296 = arith.index_cast %mul3A_93 : i32 to index
      %swap3A_297 = tpu.vector_load %arg9[%swap3A_295, %swap3A_296] {strides = array<i32>} : memref<32x512xf32, #tpu.memory_space<vmem>>, vector<16xf32>,
      tpu.vector_store %arg9[%swap3A_295, %swap3A_296], %add3A_293 {strides = array<i32>} : memref<32x512xf32, #tpu.memory_space<vmem>>, vector<16xf32>,
      %unpack3A_298 = tpu.unpack_subelements %parallel_loop3A_159#20, 0 {pack_format = #tpu.pack_format<interleaved>} : vector<32xbf16> -> vector<16xf32>
      %unpack3A_299 = tpu.unpack_subelements %parallel_loop3A_159#20, 1 {pack_format = #tpu.pack_format<interleaved>} : vector<32xbf16> -> vector<16xf32>
      %add3A_300 = arith.addf %unpack3A_298, %unpack3A_299 : vector<16xf32>
      %swap3A_301 = arith.constant 20 : i32
      %swap3A_302 = arith.index_cast %swap3A_301 : i32 to index
      %swap3A_303 = arith.index_cast %mul3A_93 : i32 to index
      %swap3A_304 = tpu.vector_load %arg9[%swap3A_302, %swap3A_303] {strides = array<i32>} : memref<32x512xf32, #tpu.memory_space<vmem>>, vector<16xf32>,
      tpu.vector_store %arg9[%swap3A_302, %swap3A_303], %add3A_300 {strides = array<i32>} : memref<32x512xf32, #tpu.memory_space<vmem>>, vector<16xf32>,
      %unpack3A_305 = tpu.unpack_subelements %parallel_loop3A_159#21, 0 {pack_format = #tpu.pack_format<interleaved>} : vector<32xbf16> -> vector<16xf32>
      %unpack3A_306 = tpu.unpack_subelements %parallel_loop3A_159#21, 1 {pack_format = #tpu.pack_format<interleaved>} : vector<32xbf16> -> vector<16xf32>
      %add3A_307 = arith.addf %unpack3A_305, %unpack3A_306 : vector<16xf32>
      %swap3A_308 = arith.constant 21 : i32
      %swap3A_309 = arith.index_cast %swap3A_308 : i32 to index
      %swap3A_310 = arith.index_cast %mul3A_93 : i32 to index
      %swap3A_311 = tpu.vector_load %arg9[%swap3A_309, %swap3A_310] {strides = array<i32>} : memref<32x512xf32, #tpu.memory_space<vmem>>, vector<16xf32>,
      tpu.vector_store %arg9[%swap3A_309, %swap3A_310], %add3A_307 {strides = array<i32>} : memref<32x512xf32, #tpu.memory_space<vmem>>, vector<16xf32>,
      %unpack3A_312 = tpu.unpack_subelements %parallel_loop3A_159#22, 0 {pack_format = #tpu.pack_format<interleaved>} : vector<32xbf16> -> vector<16xf32>
      %unpack3A_313 = tpu.unpack_subelements %parallel_loop3A_159#22, 1 {pack_format = #tpu.pack_format<interleaved>} : vector<32xbf16> -> vector<16xf32>
      %add3A_314 = arith.addf %unpack3A_312, %unpack3A_313 : vector<16xf32>
      %swap3A_315 = arith.constant 22 : i32
      %swap3A_316 = arith.index_cast %swap3A_315 : i32 to index
      %swap3A_317 = arith.index_cast %mul3A_93 : i32 to index
      %swap3A_318 = tpu.vector_load %arg9[%swap3A_316, %swap3A_317] {strides = array<i32>} : memref<32x512xf32, #tpu.memory_space<vmem>>, vector<16xf32>,
      tpu.vector_store %arg9[%swap3A_316, %swap3A_317], %add3A_314 {strides = array<i32>} : memref<32x512xf32, #tpu.memory_space<vmem>>, vector<16xf32>,
      %unpack3A_319 = tpu.unpack_subelements %parallel_loop3A_159#23, 0 {pack_format = #tpu.pack_format<interleaved>} : vector<32xbf16> -> vector<16xf32>
      %unpack3A_320 = tpu.unpack_subelements %parallel_loop3A_159#23, 1 {pack_format = #tpu.pack_format<interleaved>} : vector<32xbf16> -> vector<16xf32>
      %add3A_321 = arith.addf %unpack3A_319, %unpack3A_320 : vector<16xf32>
      %swap3A_322 = arith.constant 23 : i32
      %swap3A_323 = arith.index_cast %swap3A_322 : i32 to index
      %swap3A_324 = arith.index_cast %mul3A_93 : i32 to index
      %swap3A_325 = tpu.vector_load %arg9[%swap3A_323, %swap3A_324] {strides = array<i32>} : memref<32x512xf32, #tpu.memory_space<vmem>>, vector<16xf32>,
      tpu.vector_store %arg9[%swap3A_323, %swap3A_324], %add3A_321 {strides = array<i32>} : memref<32x512xf32, #tpu.memory_space<vmem>>, vector<16xf32>,
      %unpack3A_326 = tpu.unpack_subelements %parallel_loop3A_159#24, 0 {pack_format = #tpu.pack_format<interleaved>} : vector<32xbf16> -> vector<16xf32>
      %unpack3A_327 = tpu.unpack_subelements %parallel_loop3A_159#24, 1 {pack_format = #tpu.pack_format<interleaved>} : vector<32xbf16> -> vector<16xf32>
      %add3A_328 = arith.addf %unpack3A_326, %unpack3A_327 : vector<16xf32>
      %swap3A_329 = arith.constant 24 : i32
      %swap3A_330 = arith.index_cast %swap3A_329 : i32 to index
      %swap3A_331 = arith.index_cast %mul3A_93 : i32 to index
      %swap3A_332 = tpu.vector_load %arg9[%swap3A_330, %swap3A_331] {strides = array<i32>} : memref<32x512xf32, #tpu.memory_space<vmem>>, vector<16xf32>,
      tpu.vector_store %arg9[%swap3A_330, %swap3A_331], %add3A_328 {strides = array<i32>} : memref<32x512xf32, #tpu.memory_space<vmem>>, vector<16xf32>,
      %unpack3A_333 = tpu.unpack_subelements %parallel_loop3A_159#25, 0 {pack_format = #tpu.pack_format<interleaved>} : vector<32xbf16> -> vector<16xf32>
      %unpack3A_334 = tpu.unpack_subelements %parallel_loop3A_159#25, 1 {pack_format = #tpu.pack_format<interleaved>} : vector<32xbf16> -> vector<16xf32>
      %add3A_335 = arith.addf %unpack3A_333, %unpack3A_334 : vector<16xf32>
      %swap3A_336 = arith.constant 25 : i32
      %swap3A_337 = arith.index_cast %swap3A_336 : i32 to index
      %swap3A_338 = arith.index_cast %mul3A_93 : i32 to index
      %swap3A_339 = tpu.vector_load %arg9[%swap3A_337, %swap3A_338] {strides = array<i32>} : memref<32x512xf32, #tpu.memory_space<vmem>>, vector<16xf32>,
      tpu.vector_store %arg9[%swap3A_337, %swap3A_338], %add3A_335 {strides = array<i32>} : memref<32x512xf32, #tpu.memory_space<vmem>>, vector<16xf32>,
      %unpack3A_340 = tpu.unpack_subelements %parallel_loop3A_159#26, 0 {pack_format = #tpu.pack_format<interleaved>} : vector<32xbf16> -> vector<16xf32>
      %unpack3A_341 = tpu.unpack_subelements %parallel_loop3A_159#26, 1 {pack_format = #tpu.pack_format<interleaved>} : vector<32xbf16> -> vector<16xf32>
      %add3A_342 = arith.addf %unpack3A_340, %unpack3A_341 : vector<16xf32>
      %swap3A_343 = arith.constant 26 : i32
      %swap3A_344 = arith.index_cast %swap3A_343 : i32 to index
      %swap3A_345 = arith.index_cast %mul3A_93 : i32 to index
      %swap3A_346 = tpu.vector_load %arg9[%swap3A_344, %swap3A_345] {strides = array<i32>} : memref<32x512xf32, #tpu.memory_space<vmem>>, vector<16xf32>,
      tpu.vector_store %arg9[%swap3A_344, %swap3A_345], %add3A_342 {strides = array<i32>} : memref<32x512xf32, #tpu.memory_space<vmem>>, vector<16xf32>,
      %unpack3A_347 = tpu.unpack_subelements %parallel_loop3A_159#27, 0 {pack_format = #tpu.pack_format<interleaved>} : vector<32xbf16> -> vector<16xf32>
      %unpack3A_348 = tpu.unpack_subelements %parallel_loop3A_159#27, 1 {pack_format = #tpu.pack_format<interleaved>} : vector<32xbf16> -> vector<16xf32>
      %add3A_349 = arith.addf %unpack3A_347, %unpack3A_348 : vector<16xf32>
      %swap3A_350 = arith.constant 27 : i32
      %swap3A_351 = arith.index_cast %swap3A_350 : i32 to index
      %swap3A_352 = arith.index_cast %mul3A_93 : i32 to index
      %swap3A_353 = tpu.vector_load %arg9[%swap3A_351, %swap3A_352] {strides = array<i32>} : memref<32x512xf32, #tpu.memory_space<vmem>>, vector<16xf32>,
      tpu.vector_store %arg9[%swap3A_351, %swap3A_352], %add3A_349 {strides = array<i32>} : memref<32x512xf32, #tpu.memory_space<vmem>>, vector<16xf32>,
      %unpack3A_354 = tpu.unpack_subelements %parallel_loop3A_159#28, 0 {pack_format = #tpu.pack_format<interleaved>} : vector<32xbf16> -> vector<16xf32>
      %unpack3A_355 = tpu.unpack_subelements %parallel_loop3A_159#28, 1 {pack_format = #tpu.pack_format<interleaved>} : vector<32xbf16> -> vector<16xf32>
      %add3A_356 = arith.addf %unpack3A_354, %unpack3A_355 : vector<16xf32>
      %swap3A_357 = arith.constant 28 : i32
      %swap3A_358 = arith.index_cast %swap3A_357 : i32 to index
      %swap3A_359 = arith.index_cast %mul3A_93 : i32 to index
      %swap3A_360 = tpu.vector_load %arg9[%swap3A_358, %swap3A_359] {strides = array<i32>} : memref<32x512xf32, #tpu.memory_space<vmem>>, vector<16xf32>,
      tpu.vector_store %arg9[%swap3A_358, %swap3A_359], %add3A_356 {strides = array<i32>} : memref<32x512xf32, #tpu.memory_space<vmem>>, vector<16xf32>,
      %unpack3A_361 = tpu.unpack_subelements %parallel_loop3A_159#29, 0 {pack_format = #tpu.pack_format<interleaved>} : vector<32xbf16> -> vector<16xf32>
      %unpack3A_362 = tpu.unpack_subelements %parallel_loop3A_159#29, 1 {pack_format = #tpu.pack_format<interleaved>} : vector<32xbf16> -> vector<16xf32>
      %add3A_363 = arith.addf %unpack3A_361, %unpack3A_362 : vector<16xf32>
      %swap3A_364 = arith.constant 29 : i32
      %swap3A_365 = arith.index_cast %swap3A_364 : i32 to index
      %swap3A_366 = arith.index_cast %mul3A_93 : i32 to index
      %swap3A_367 = tpu.vector_load %arg9[%swap3A_365, %swap3A_366] {strides = array<i32>} : memref<32x512xf32, #tpu.memory_space<vmem>>, vector<16xf32>,
      tpu.vector_store %arg9[%swap3A_365, %swap3A_366], %add3A_363 {strides = array<i32>} : memref<32x512xf32, #tpu.memory_space<vmem>>, vector<16xf32>,
      %unpack3A_368 = tpu.unpack_subelements %parallel_loop3A_159#30, 0 {pack_format = #tpu.pack_format<interleaved>} : vector<32xbf16> -> vector<16xf32>
      %unpack3A_369 = tpu.unpack_subelements %parallel_loop3A_159#30, 1 {pack_format = #tpu.pack_format<interleaved>} : vector<32xbf16> -> vector<16xf32>
      %add3A_370 = arith.addf %unpack3A_368, %unpack3A_369 : vector<16xf32>
      %swap3A_371 = arith.constant 30 : i32
      %swap3A_372 = arith.index_cast %swap3A_371 : i32 to index
      %swap3A_373 = arith.index_cast %mul3A_93 : i32 to index
      %swap3A_374 = tpu.vector_load %arg9[%swap3A_372, %swap3A_373] {strides = array<i32>} : memref<32x512xf32, #tpu.memory_space<vmem>>, vector<16xf32>,
      tpu.vector_store %arg9[%swap3A_372, %swap3A_373], %add3A_370 {strides = array<i32>} : memref<32x512xf32, #tpu.memory_space<vmem>>, vector<16xf32>,
      %unpack3A_375 = tpu.unpack_subelements %parallel_loop3A_159#31, 0 {pack_format = #tpu.pack_format<interleaved>} : vector<32xbf16> -> vector<16xf32>
      %unpack3A_376 = tpu.unpack_subelements %parallel_loop3A_159#31, 1 {pack_format = #tpu.pack_format<interleaved>} : vector<32xbf16> -> vector<16xf32>
      %add3A_377 = arith.addf %unpack3A_375, %unpack3A_376 : vector<16xf32>
      %swap3A_378 = arith.constant 31 : i32
      %swap3A_379 = arith.index_cast %swap3A_378 : i32 to index
      %swap3A_380 = arith.index_cast %mul3A_93 : i32 to index
      %swap3A_381 = tpu.vector_load %arg9[%swap3A_379, %swap3A_380] {strides = array<i32>} : memref<32x512xf32, #tpu.memory_space<vmem>>, vector<16xf32>,
      tpu.vector_store %arg9[%swap3A_379, %swap3A_380], %add3A_377 {strides = array<i32>} : memref<32x512xf32, #tpu.memory_space<vmem>>, vector<16xf32>,
      %scan3A_382 = arith.constant 0 : i32
      scf.yield %scan3A_382 : i32
    }
    %scan3A_89 = arith.constant 32 : i32
    "tpu.region"() ({
      %run_scoped3A = tpu.sem_alloc : memref<!tpu.dma_semaphore, #tpu.memory_space<semaphore_mem>>
      %dma_start3A = arith.constant 0 : i32
      %dma_start3A_90 = tpu.memref_slice %arg5[%select_n3A_54, %select_n3A_70, %dma_start3A, %add3A_82] : memref<2x8x32x2048xf32, #tpu.memory_space<hbm>> -> memref<1x1x32x512xf32, #tpu.memory_space<hbm>>
      %dma_start3A_91 = tpu.memref_squeeze %dma_start3A_90 : memref<1x1x32x512xf32, #tpu.memory_space<hbm>> -> memref<32x512xf32, #tpu.memory_space<hbm>>
      %dma_start3A_92 = arith.constant 0 : i32
      %dma_start3A_93 = tpu.memref_slice %arg5[%select_n3A_54, %select_n3A_70, %dma_start3A_92, %add3A_82] : memref<2x8x32x2048xf32, #tpu.memory_space<hbm>> -> memref<1x1x32x512xf32, #tpu.memory_space<hbm>>
      %dma_start3A_94 = tpu.memref_squeeze %dma_start3A_93 : memref<1x1x32x512xf32, #tpu.memory_space<hbm>> -> memref<32x512xf32, #tpu.memory_space<hbm>>
      tpu.enqueue_dma source(%arg9 : memref<32x512xf32, #tpu.memory_space<vmem>>) target(%dma_start3A_94 : memref<32x512xf32, #tpu.memory_space<hbm>>) target_semaphore(%run_scoped3A : memref<!tpu.dma_semaphore, #tpu.memory_space<semaphore_mem>>)
      %dma_wait3A = arith.constant 0 : i32
      %dma_wait3A_95 = tpu.memref_slice %arg5[%select_n3A_54, %select_n3A_70, %dma_wait3A, %add3A_82] : memref<2x8x32x2048xf32, #tpu.memory_space<hbm>> -> memref<1x1x32x512xf32, #tpu.memory_space<hbm>>
      %dma_wait3A_96 = tpu.memref_squeeze %dma_wait3A_95 : memref<1x1x32x512xf32, #tpu.memory_space<hbm>> -> memref<32x512xf32, #tpu.memory_space<hbm>>
      %dma_wait3A_97 = arith.constant 0 : i32
      %dma_wait3A_98 = tpu.memref_slice %arg5[%select_n3A_54, %select_n3A_70, %dma_wait3A_97, %add3A_82] : memref<2x8x32x2048xf32, #tpu.memory_space<hbm>> -> memref<1x1x32x512xf32, #tpu.memory_space<hbm>>
      %dma_wait3A_99 = tpu.memref_squeeze %dma_wait3A_98 : memref<1x1x32x512xf32, #tpu.memory_space<hbm>> -> memref<32x512xf32, #tpu.memory_space<hbm>>
      tpu.wait_dma2 semaphore(%run_scoped3A : memref<!tpu.dma_semaphore, #tpu.memory_space<semaphore_mem>>) src(%arg9 : memref<32x512xf32, #tpu.memory_space<vmem>>) dst(%dma_wait3A_99 : memref<32x512xf32, #tpu.memory_space<hbm>>)
      tpu.yield
    }) : () -> ()
    return
  }
}

module attributes {stable_mosaic.version = 14 : i64} {
  func.func @_pack_body(%arg0: i32, %arg1: i32, %arg2: memref<1x1x32x2048xf32, #tpu.memory_space<vmem>>, %arg3: memref<1x1x32x2064xi32, #tpu.memory_space<vmem>>) attributes {dimension_semantics = [#tpu.dimension_semantics<arbitrary>, #tpu.dimension_semantics<arbitrary>], iteration_bounds = array<i64: 2, 8>, scalar_prefetch = 0 : i64, scratch_operands = 0 : i64, tpu.core_type = #tpu.core_type<tc>, window_params = [{transform_indices = @transform_0, window_bounds = array<i64: 1, 1, 32, 2048>}, {transform_indices = @transform_1, window_bounds = array<i64: 1, 1, 32, 2064>}]} {
    %get3A = arith.constant 0 : index
    %get3A_0 = arith.constant 0 : index
    %get3A_1 = arith.constant 0 : index
    %get3A_2 = arith.constant 0 : index
    %get3A_3 = vector.load %arg2[%get3A, %get3A_0, %get3A_1, %get3A_2] : memref<1x1x32x2048xf32, #tpu.memory_space<vmem>>, vector<1x1x32x2048xf32>
    %get3A_4 = vector.shape_cast %get3A_3 : vector<1x1x32x2048xf32> to vector<32x2048xf32>
    %broadcast_in_dim3A = arith.constant 0.000000e+00 : f32
    %broadcast_in_dim3A_5 = vector.broadcast %broadcast_in_dim3A : f32 to vector<32x16xf32>
    %slice3A = vector.extract_strided_slice %get3A_4 {offsets = [0, 0], sizes = [32, 1], strides = [1, 1]} : vector<32x2048xf32> to vector<32x1xf32>
    %slice3A_6 = vector.extract_strided_slice %get3A_4 {offsets = [0, 0], sizes = [32, 2047], strides = [1, 1]} : vector<32x2048xf32> to vector<32x2047xf32>
    %concatenate3A = tpu.concatenate %slice3A, %slice3A_6, %broadcast_in_dim3A_5 in 1 : vector<32x1xf32>, vector<32x2047xf32>, vector<32x16xf32> -> vector<32x2064xf32>
    %concatenate3A_7 = tpu.concatenate %get3A_4, %broadcast_in_dim3A_5 in 1 : vector<32x2048xf32>, vector<32x16xf32> -> vector<32x2064xf32>
    %convert_element_type3A = arith.truncf %concatenate3A : vector<32x2064xf32> to vector<32x2064xbf16>
    %convert_element_type3A_8 = arith.extf %convert_element_type3A : vector<32x2064xbf16> to vector<32x2064xf32>
    %convert_element_type3A_9 = arith.truncf %concatenate3A_7 : vector<32x2064xf32> to vector<32x2064xbf16>
    %convert_element_type3A_10 = arith.extf %convert_element_type3A_9 : vector<32x2064xbf16> to vector<32x2064xf32>
    %bitcast_convert_type3A = tpu.bitcast %convert_element_type3A_8 : vector<32x2064xf32> -> vector<32x2064xi32>
    %shift_right_logical3A = arith.constant 16 : i32
    %shift_right_logical3A_11 = vector.broadcast %shift_right_logical3A : i32 to vector<32x2064xi32>
    %shift_right_logical3A_12 = arith.shrui %bitcast_convert_type3A, %shift_right_logical3A_11 : vector<32x2064xi32>
    %bitcast_convert_type3A_13 = tpu.bitcast %convert_element_type3A_10 : vector<32x2064xf32> -> vector<32x2064xi32>
    %and3A = arith.constant -65536 : i32
    %and3A_14 = vector.broadcast %and3A : i32 to vector<32x2064xi32>
    %and3A_15 = arith.andi %bitcast_convert_type3A_13, %and3A_14 : vector<32x2064xi32>
    %or3A = arith.ori %shift_right_logical3A_12, %and3A_15 : vector<32x2064xi32>
    %bitcast_convert_type3A_16 = tpu.bitcast %or3A : vector<32x2064xi32> -> vector<32x2064xi32>
    %swap3A = arith.constant 0 : index
    %swap3A_17 = arith.constant 0 : index
    %swap3A_18 = arith.constant 0 : index
    %swap3A_19 = arith.constant 0 : index
    %swap3A_20 = vector.load %arg3[%swap3A, %swap3A_17, %swap3A_18, %swap3A_19] : memref<1x1x32x2064xi32, #tpu.memory_space<vmem>>, vector<1x1x32x2064xi32>
    %swap3A_21 = vector.shape_cast %swap3A_20 : vector<1x1x32x2064xi32> to vector<32x2064xi32>
    %swap3A_22 = vector.shape_cast %bitcast_convert_type3A_16 : vector<32x2064xi32> to vector<1x1x32x2064xi32>
    tpu.vector_store %arg3[%swap3A, %swap3A_17, %swap3A_18, %swap3A_19], %swap3A_22 {strides = array<i32>} : memref<1x1x32x2064xi32, #tpu.memory_space<vmem>>, vector<1x1x32x2064xi32>,
    return
  }
  func.func @transform_0(%arg0: i32, %arg1: i32) -> (i32, i32, i32, i32) {
    %c0_i32 = arith.constant 0 : i32
    %c0_i32_0 = arith.constant 0 : i32
    %c0_i32_1 = arith.constant 0 : i32
    return %arg0, %arg1, %c0_i32, %c0_i32_0 : i32, i32, i32, i32
  }
  func.func @transform_1(%arg0: i32, %arg1: i32) -> (i32, i32, i32, i32) {
    %c0_i32 = arith.constant 0 : i32
    %c0_i32_0 = arith.constant 0 : i32
    %c0_i32_1 = arith.constant 0 : i32
    return %arg0, %arg1, %c0_i32, %c0_i32_0 : i32, i32, i32, i32
  }
}

module attributes {stable_mosaic.version = 14 : i64} {
  func.func @_stage1_body(%arg0: i32, %arg1: i32, %arg2: memref<1x512x256xf32, #tpu.memory_space<vmem>>, %arg3: memref<1x512x256xf32, #tpu.memory_space<vmem>>, %arg4: memref<1x512x1xf32, #tpu.memory_space<vmem>>, %arg5: memref<256x256xf32, #tpu.memory_space<vmem>>, %arg6: memref<256xf32, #tpu.memory_space<vmem>>, %arg7: memref<256x256xf32, #tpu.memory_space<vmem>>, %arg8: memref<256xf32, #tpu.memory_space<vmem>>, %arg9: memref<256x256xf32, #tpu.memory_space<vmem>>, %arg10: memref<256xf32, #tpu.memory_space<vmem>>, %arg11: memref<1x8x32x512xf32, #tpu.memory_space<vmem>>, %arg12: memref<1x8x32x512xi32, #tpu.memory_space<vmem>>, %arg13: memref<1x8x32x512xi32, #tpu.memory_space<vmem>>) attributes {dimension_semantics = [#tpu.dimension_semantics<arbitrary>, #tpu.dimension_semantics<arbitrary>], iteration_bounds = array<i64: 2, 4>, scalar_prefetch = 0 : i64, scratch_operands = 0 : i64, tpu.core_type = #tpu.core_type<tc>, window_params = [{transform_indices = @transform_0, window_bounds = array<i64: 1, 512, 256>}, {transform_indices = @transform_1, window_bounds = array<i64: 1, 512, 256>}, {transform_indices = @transform_2, window_bounds = array<i64: 1, 512, 1>}, {pipeline_mode = #tpu.pipeline_mode<synchronous>, transform_indices = @transform_3, window_bounds = array<i64: 256, 256>}, {pipeline_mode = #tpu.pipeline_mode<synchronous>, transform_indices = @transform_4, window_bounds = array<i64: 256>}, {pipeline_mode = #tpu.pipeline_mode<synchronous>, transform_indices = @transform_5, window_bounds = array<i64: 256, 256>}, {pipeline_mode = #tpu.pipeline_mode<synchronous>, transform_indices = @transform_6, window_bounds = array<i64: 256>}, {pipeline_mode = #tpu.pipeline_mode<synchronous>, transform_indices = @transform_7, window_bounds = array<i64: 256, 256>}, {pipeline_mode = #tpu.pipeline_mode<synchronous>, transform_indices = @transform_8, window_bounds = array<i64: 256>}, {transform_indices = @transform_9, window_bounds = array<i64: 1, 8, 32, 512>}, {transform_indices = @transform_10, window_bounds = array<i64: 1, 8, 32, 512>}, {transform_indices = @transform_11, window_bounds = array<i64: 1, 8, 32, 512>}]} {
    %get3A = arith.constant 0 : index
    %get3A_0 = arith.constant 0 : index
    %get3A_1 = arith.constant 0 : index
    %get3A_2 = vector.load %arg2[%get3A, %get3A_0, %get3A_1] : memref<1x512x256xf32, #tpu.memory_space<vmem>>, vector<1x512x256xf32>
    %get3A_3 = vector.shape_cast %get3A_2 : vector<1x512x256xf32> to vector<512x256xf32>
    %get3A_4 = arith.constant 0 : index
    %get3A_5 = arith.constant 0 : index
    %get3A_6 = arith.constant 0 : index
    %get3A_7 = vector.load %arg3[%get3A_4, %get3A_5, %get3A_6] : memref<1x512x256xf32, #tpu.memory_space<vmem>>, vector<1x512x256xf32>
    %get3A_8 = vector.shape_cast %get3A_7 : vector<1x512x256xf32> to vector<512x256xf32>
    %get3A_9 = arith.constant 0 : index
    %get3A_10 = arith.constant 0 : index
    %get3A_11 = vector.load %arg5[%get3A_9, %get3A_10] : memref<256x256xf32, #tpu.memory_space<vmem>>, vector<256x256xf32>
    %transpose3A = tpu.transpose %get3A_11, [1, 0] : vector<256x256xf32> -> vector<256x256xf32>
    %dot_general3A = arith.constant dense<0.000000e+00> : vector<512x256xf32>
    %dot_general3A_12 = tpu.matmul %get3A_8, %transpose3A, %dot_general3A {dimension_numbers = #tpu.dot_dimension_numbers<[1], [0], [0], [1], [0, 0, 1, 1], [], []>, transpose_lhs_hint = false} : vector<512x256xf32>, vector<256x256xf32>, vector<512x256xf32> -> vector<512x256xf32>
    %get3A_13 = arith.constant 0 : index
    %get3A_14 = vector.load %arg6[%get3A_13] : memref<256xf32, #tpu.memory_space<vmem>>, vector<256xf32>
    %broadcast_in_dim3A = vector.shape_cast %get3A_14 : vector<256xf32> to vector<1x256xf32>
    %add3A = vector.broadcast %broadcast_in_dim3A : vector<1x256xf32> to vector<512x256xf32>
    %add3A_15 = arith.addf %dot_general3A_12, %add3A : vector<512x256xf32>
    %transpose3A_16 = tpu.transpose %add3A_15, [1, 0] : vector<512x256xf32> -> vector<256x512xf32>
    %reshape3A = vector.shape_cast %transpose3A_16 : vector<256x512xf32> to vector<8x32x512xf32>
    %swap3A = arith.constant 0 : index
    %swap3A_17 = arith.constant 0 : index
    %swap3A_18 = arith.constant 0 : index
    %swap3A_19 = arith.constant 0 : index
    %swap3A_20 = vector.load %arg11[%swap3A, %swap3A_17, %swap3A_18, %swap3A_19] : memref<1x8x32x512xf32, #tpu.memory_space<vmem>>, vector<1x8x32x512xf32>
    %swap3A_21 = vector.shape_cast %swap3A_20 : vector<1x8x32x512xf32> to vector<8x32x512xf32>
    %swap3A_22 = vector.shape_cast %reshape3A : vector<8x32x512xf32> to vector<1x8x32x512xf32>
    tpu.vector_store %arg11[%swap3A, %swap3A_17, %swap3A_18, %swap3A_19], %swap3A_22 {strides = array<i32>} : memref<1x8x32x512xf32, #tpu.memory_space<vmem>>, vector<1x8x32x512xf32>,
    %get3A_23 = arith.constant 0 : index
    %get3A_24 = arith.constant 0 : index
    %get3A_25 = vector.load %arg7[%get3A_23, %get3A_24] : memref<256x256xf32, #tpu.memory_space<vmem>>, vector<256x256xf32>
    %transpose3A_26 = tpu.transpose %get3A_25, [1, 0] : vector<256x256xf32> -> vector<256x256xf32>
    %dot_general3A_27 = arith.constant dense<0.000000e+00> : vector<512x256xf32>
    %dot_general3A_28 = tpu.matmul %get3A_3, %transpose3A_26, %dot_general3A_27 {dimension_numbers = #tpu.dot_dimension_numbers<[1], [0], [0], [1], [0, 0, 1, 1], [], []>, transpose_lhs_hint = false} : vector<512x256xf32>, vector<256x256xf32>, vector<512x256xf32> -> vector<512x256xf32>
    %get3A_29 = arith.constant 0 : index
    %get3A_30 = vector.load %arg8[%get3A_29] : memref<256xf32, #tpu.memory_space<vmem>>, vector<256xf32>
    %broadcast_in_dim3A_31 = vector.shape_cast %get3A_30 : vector<256xf32> to vector<1x256xf32>
    %add3A_32 = vector.broadcast %broadcast_in_dim3A_31 : vector<1x256xf32> to vector<512x256xf32>
    %add3A_33 = arith.addf %dot_general3A_28, %add3A_32 : vector<512x256xf32>
    %get3A_34 = arith.constant 0 : index
    %get3A_35 = arith.constant 0 : index
    %get3A_36 = arith.constant 0 : index
    %get3A_37 = vector.load %arg4[%get3A_34, %get3A_35, %get3A_36] : memref<1x512x1xf32, #tpu.memory_space<vmem>>, vector<1x512x1xf32>
    %get3A_38 = vector.shape_cast %get3A_37 : vector<1x512x1xf32> to vector<512x1xf32>
    %mul3A = arith.constant 2.048000e+03 : f32
    %mul3A_39 = vector.broadcast %mul3A : f32 to vector<512x1xf32>
    %mul3A_40 = arith.mulf %get3A_38, %mul3A_39 : vector<512x1xf32>
    %sub3A = arith.constant 1.000000e+00 : f32
    %sub3A_41 = vector.broadcast %sub3A : f32 to vector<512x1xf32>
    %sub3A_42 = arith.subf %mul3A_40, %sub3A_41 : vector<512x1xf32>
    %add3A_43 = vector.broadcast %sub3A_42 : vector<512x1xf32> to vector<512x256xf32>
    %add3A_44 = arith.addf %add3A_43, %add3A_33 : vector<512x256xf32>
    %get3A_45 = arith.constant 0 : index
    %get3A_46 = arith.constant 0 : index
    %get3A_47 = vector.load %arg9[%get3A_45, %get3A_46] : memref<256x256xf32, #tpu.memory_space<vmem>>, vector<256x256xf32>
    %transpose3A_48 = tpu.transpose %get3A_47, [1, 0] : vector<256x256xf32> -> vector<256x256xf32>
    %dot_general3A_49 = arith.constant dense<0.000000e+00> : vector<512x256xf32>
    %dot_general3A_50 = tpu.matmul %get3A_3, %transpose3A_48, %dot_general3A_49 {dimension_numbers = #tpu.dot_dimension_numbers<[1], [0], [0], [1], [0, 0, 1, 1], [], []>, transpose_lhs_hint = false} : vector<512x256xf32>, vector<256x256xf32>, vector<512x256xf32> -> vector<512x256xf32>
    %get3A_51 = arith.constant 0 : index
    %get3A_52 = vector.load %arg10[%get3A_51] : memref<256xf32, #tpu.memory_space<vmem>>, vector<256xf32>
    %broadcast_in_dim3A_53 = vector.shape_cast %get3A_52 : vector<256xf32> to vector<1x256xf32>
    %add3A_54 = vector.broadcast %broadcast_in_dim3A_53 : vector<1x256xf32> to vector<512x256xf32>
    %add3A_55 = arith.addf %dot_general3A_50, %add3A_54 : vector<512x256xf32>
    %reshape3A_56 = vector.shape_cast %add3A_55 : vector<512x256xf32> to vector<512x8x32xf32>
    %reduce_max3A = arith.constant dense<0xFF800000> : vector<512x8xf32>
    %reduce_max3A_57 = vector.multi_reduction <maximumf>, %reshape3A_56, %reduce_max3A [2] : vector<512x8x32xf32> to vector<512x8xf32>
    %broadcast_in_dim3A_58 = vector.shape_cast %reduce_max3A_57 : vector<512x8xf32> to vector<512x8x1xf32>
    %sub3A_59 = vector.broadcast %broadcast_in_dim3A_58 : vector<512x8x1xf32> to vector<512x8x32xf32>
    %sub3A_60 = arith.subf %reshape3A_56, %sub3A_59 : vector<512x8x32xf32>
    %exp3A = math.exp %sub3A_60 : vector<512x8x32xf32>
    %reduce_sum3A = arith.constant dense<0.000000e+00> : vector<512x8xf32>
    %reduce_sum3A_61 = vector.multi_reduction <add>, %exp3A, %reduce_sum3A [2] : vector<512x8x32xf32> to vector<512x8xf32>
    %broadcast_in_dim3A_62 = vector.shape_cast %reduce_sum3A_61 : vector<512x8xf32> to vector<512x8x1xf32>
    %div3A = vector.broadcast %broadcast_in_dim3A_62 : vector<512x8x1xf32> to vector<512x8x32xf32>
    %div3A_63 = arith.divf %exp3A, %div3A : vector<512x8x32xf32>
    %reshape3A_64 = vector.shape_cast %div3A_63 : vector<512x8x32xf32> to vector<512x256xf32>
    %floor3A = math.floor %add3A_44 : vector<512x256xf32>
    %sub3A_65 = arith.subf %add3A_44, %floor3A : vector<512x256xf32>
    %sub3A_66 = arith.constant 1.000000e+00 : f32
    %sub3A_67 = vector.broadcast %sub3A_66 : f32 to vector<512x256xf32>
    %sub3A_68 = arith.subf %sub3A_67, %sub3A_65 : vector<512x256xf32>
    %ge3A = arith.constant 0.000000e+00 : f32
    %ge3A_69 = vector.broadcast %ge3A : f32 to vector<512x256xf32>
    %ge3A_70 = arith.cmpf oge, %floor3A, %ge3A_69 : vector<512x256xf32>
    %le3A = arith.constant 2.046000e+03 : f32
    %le3A_71 = vector.broadcast %le3A : f32 to vector<512x256xf32>
    %le3A_72 = arith.cmpf ole, %floor3A, %le3A_71 : vector<512x256xf32>
    %and3A = arith.andi %ge3A_70, %le3A_72 : vector<512x256xi1>
    %mul3A_73 = arith.mulf %reshape3A_64, %sub3A_68 : vector<512x256xf32>
    %jit3A = arith.constant 0.000000e+00 : f32
    %broadcast_in_dim3A_74 = vector.broadcast %jit3A : f32 to vector<512x256xf32>
    %select_n3A = arith.select %and3A, %mul3A_73, %broadcast_in_dim3A_74 : vector<512x256xi1>, vector<512x256xf32>
    %ge3A_75 = arith.constant -1.000000e+00 : f32
    %ge3A_76 = vector.broadcast %ge3A_75 : f32 to vector<512x256xf32>
    %ge3A_77 = arith.cmpf oge, %floor3A, %ge3A_76 : vector<512x256xf32>
    %le3A_78 = arith.constant 2.046000e+03 : f32
    %le3A_79 = vector.broadcast %le3A_78 : f32 to vector<512x256xf32>
    %le3A_80 = arith.cmpf ole, %floor3A, %le3A_79 : vector<512x256xf32>
    %and3A_81 = arith.andi %ge3A_77, %le3A_80 : vector<512x256xi1>
    %mul3A_82 = arith.mulf %reshape3A_64, %sub3A_65 : vector<512x256xf32>
    %jit3A_83 = arith.constant 0.000000e+00 : f32
    %broadcast_in_dim3A_84 = vector.broadcast %jit3A_83 : f32 to vector<512x256xf32>
    %select_n3A_85 = arith.select %and3A_81, %mul3A_82, %broadcast_in_dim3A_84 : vector<512x256xi1>, vector<512x256xf32>
    %eq3A = arith.constant 2.047000e+03 : f32
    %eq3A_86 = vector.broadcast %eq3A : f32 to vector<512x256xf32>
    %eq3A_87 = arith.cmpf oeq, %floor3A, %eq3A_86 : vector<512x256xf32>
    %mul3A_88 = arith.mulf %reshape3A_64, %sub3A_68 : vector<512x256xf32>
    %jit3A_89 = arith.constant 0.000000e+00 : f32
    %broadcast_in_dim3A_90 = vector.broadcast %jit3A_89 : f32 to vector<512x256xf32>
    %select_n3A_91 = arith.select %eq3A_87, %mul3A_88, %broadcast_in_dim3A_90 : vector<512x256xi1>, vector<512x256xf32>
    %add3A_92 = arith.addf %select_n3A_85, %select_n3A_91 : vector<512x256xf32>
    %add3A_93 = arith.constant 1.000000e+00 : f32
    %add3A_94 = vector.broadcast %add3A_93 : f32 to vector<512x256xf32>
    %add3A_95 = arith.addf %floor3A, %add3A_94 : vector<512x256xf32>
    %jit3A_96 = arith.constant 0.000000e+00 : f32
    %jit3A_97 = arith.constant 2.047000e+03 : f32
    %max3A = vector.broadcast %jit3A_96 : f32 to vector<512x256xf32>
    %max3A_98 = arith.maximumf %max3A, %add3A_95 : vector<512x256xf32>
    %min3A = vector.broadcast %jit3A_97 : f32 to vector<512x256xf32>
    %min3A_99 = arith.minimumf %min3A, %max3A_98 : vector<512x256xf32>
    %convert_element_type3A = arith.fptosi %min3A_99 : vector<512x256xf32> to vector<512x256xi32>
    %convert_element_type3A_100 = arith.truncf %select_n3A : vector<512x256xf32> to vector<512x256xbf16>
    %convert_element_type3A_101 = arith.extf %convert_element_type3A_100 : vector<512x256xbf16> to vector<512x256xf32>
    %convert_element_type3A_102 = arith.truncf %add3A_92 : vector<512x256xf32> to vector<512x256xbf16>
    %convert_element_type3A_103 = arith.extf %convert_element_type3A_102 : vector<512x256xbf16> to vector<512x256xf32>
    %bitcast_convert_type3A = tpu.bitcast %convert_element_type3A_101 : vector<512x256xf32> -> vector<512x256xi32>
    %shift_right_logical3A = arith.constant 16 : i32
    %shift_right_logical3A_104 = vector.broadcast %shift_right_logical3A : i32 to vector<512x256xi32>
    %shift_right_logical3A_105 = arith.shrui %bitcast_convert_type3A, %shift_right_logical3A_104 : vector<512x256xi32>
    %bitcast_convert_type3A_106 = tpu.bitcast %convert_element_type3A_103 : vector<512x256xf32> -> vector<512x256xi32>
    %and3A_107 = arith.constant -65536 : i32
    %and3A_108 = vector.broadcast %and3A_107 : i32 to vector<512x256xi32>
    %and3A_109 = arith.andi %bitcast_convert_type3A_106, %and3A_108 : vector<512x256xi32>
    %or3A = arith.ori %shift_right_logical3A_105, %and3A_109 : vector<512x256xi32>
    %bitcast_convert_type3A_110 = tpu.bitcast %or3A : vector<512x256xi32> -> vector<512x256xi32>
    %transpose3A_111 = tpu.transpose %bitcast_convert_type3A_110, [1, 0] : vector<512x256xi32> -> vector<256x512xi32>
    %reshape3A_112 = vector.shape_cast %transpose3A_111 : vector<256x512xi32> to vector<8x32x512xi32>
    %swap3A_113 = arith.constant 0 : index
    %swap3A_114 = arith.constant 0 : index
    %swap3A_115 = arith.constant 0 : index
    %swap3A_116 = arith.constant 0 : index
    %swap3A_117 = vector.load %arg12[%swap3A_113, %swap3A_114, %swap3A_115, %swap3A_116] : memref<1x8x32x512xi32, #tpu.memory_space<vmem>>, vector<1x8x32x512xi32>
    %swap3A_118 = vector.shape_cast %swap3A_117 : vector<1x8x32x512xi32> to vector<8x32x512xi32>
    %swap3A_119 = vector.shape_cast %reshape3A_112 : vector<8x32x512xi32> to vector<1x8x32x512xi32>
    tpu.vector_store %arg12[%swap3A_113, %swap3A_114, %swap3A_115, %swap3A_116], %swap3A_119 {strides = array<i32>} : memref<1x8x32x512xi32, #tpu.memory_space<vmem>>, vector<1x8x32x512xi32>,
    %transpose3A_120 = tpu.transpose %convert_element_type3A, [1, 0] : vector<512x256xi32> -> vector<256x512xi32>
    %reshape3A_121 = vector.shape_cast %transpose3A_120 : vector<256x512xi32> to vector<8x32x512xi32>
    %swap3A_122 = arith.constant 0 : index
    %swap3A_123 = arith.constant 0 : index
    %swap3A_124 = arith.constant 0 : index
    %swap3A_125 = arith.constant 0 : index
    %swap3A_126 = vector.load %arg13[%swap3A_122, %swap3A_123, %swap3A_124, %swap3A_125] : memref<1x8x32x512xi32, #tpu.memory_space<vmem>>, vector<1x8x32x512xi32>
    %swap3A_127 = vector.shape_cast %swap3A_126 : vector<1x8x32x512xi32> to vector<8x32x512xi32>
    %swap3A_128 = vector.shape_cast %reshape3A_121 : vector<8x32x512xi32> to vector<1x8x32x512xi32>
    tpu.vector_store %arg13[%swap3A_122, %swap3A_123, %swap3A_124, %swap3A_125], %swap3A_128 {strides = array<i32>} : memref<1x8x32x512xi32, #tpu.memory_space<vmem>>, vector<1x8x32x512xi32>,
    return
  }
  func.func @transform_0(%arg0: i32, %arg1: i32) -> (i32, i32, i32) {
    %c0_i32 = arith.constant 0 : i32
    %c0_i32_0 = arith.constant 0 : i32
    return %arg0, %arg1, %c0_i32 : i32, i32, i32
  }
  func.func @transform_1(%arg0: i32, %arg1: i32) -> (i32, i32, i32) {
    %c0_i32 = arith.constant 0 : i32
    %c0_i32_0 = arith.constant 0 : i32
    return %arg0, %arg1, %c0_i32 : i32, i32, i32
  }
  func.func @transform_2(%arg0: i32, %arg1: i32) -> (i32, i32, i32) {
    %c0_i32 = arith.constant 0 : i32
    %c0_i32_0 = arith.constant 0 : i32
    return %arg0, %arg1, %c0_i32 : i32, i32, i32
  }
  func.func @transform_3(%arg0: i32, %arg1: i32) -> (i32, i32) {
    %c0_i32 = arith.constant 0 : i32
    %c0_i32_0 = arith.constant 0 : i32
    %c0_i32_1 = arith.constant 0 : i32
    return %c0_i32, %c0_i32_0 : i32, i32
  }
  func.func @transform_4(%arg0: i32, %arg1: i32) -> i32 {
    %c0_i32 = arith.constant 0 : i32
    %c0_i32_0 = arith.constant 0 : i32
    return %c0_i32 : i32
  }
  func.func @transform_5(%arg0: i32, %arg1: i32) -> (i32, i32) {
    %c0_i32 = arith.constant 0 : i32
    %c0_i32_0 = arith.constant 0 : i32
    %c0_i32_1 = arith.constant 0 : i32
    return %c0_i32, %c0_i32_0 : i32, i32
  }
  func.func @transform_6(%arg0: i32, %arg1: i32) -> i32 {
    %c0_i32 = arith.constant 0 : i32
    %c0_i32_0 = arith.constant 0 : i32
    return %c0_i32 : i32
  }
  func.func @transform_7(%arg0: i32, %arg1: i32) -> (i32, i32) {
    %c0_i32 = arith.constant 0 : i32
    %c0_i32_0 = arith.constant 0 : i32
    %c0_i32_1 = arith.constant 0 : i32
    return %c0_i32, %c0_i32_0 : i32, i32
  }
  func.func @transform_8(%arg0: i32, %arg1: i32) -> i32 {
    %c0_i32 = arith.constant 0 : i32
    %c0_i32_0 = arith.constant 0 : i32
    return %c0_i32 : i32
  }
  func.func @transform_9(%arg0: i32, %arg1: i32) -> (i32, i32, i32, i32) {
    %c0_i32 = arith.constant 0 : i32
    %c0_i32_0 = arith.constant 0 : i32
    %c0_i32_1 = arith.constant 0 : i32
    return %arg0, %c0_i32, %c0_i32_0, %arg1 : i32, i32, i32, i32
  }
  func.func @transform_10(%arg0: i32, %arg1: i32) -> (i32, i32, i32, i32) {
    %c0_i32 = arith.constant 0 : i32
    %c0_i32_0 = arith.constant 0 : i32
    %c0_i32_1 = arith.constant 0 : i32
    return %arg0, %c0_i32, %c0_i32_0, %arg1 : i32, i32, i32, i32
  }
  func.func @transform_11(%arg0: i32, %arg1: i32) -> (i32, i32, i32, i32) {
    %c0_i32 = arith.constant 0 : i32
    %c0_i32_0 = arith.constant 0 : i32
    %c0_i32_1 = arith.constant 0 : i32
    return %arg0, %c0_i32, %c0_i32_0, %arg1 : i32, i32, i32, i32
  }
}

module attributes {stable_mosaic.version = 14 : i64} {
  func.func @_stage3_body(%arg0: i32, %arg1: i32, %arg2: memref<1x8x32x512xf32, #tpu.memory_space<vmem>>, %arg3: memref<1x512x256xf32, #tpu.memory_space<vmem>>, %arg4: memref<256x256xf32, #tpu.memory_space<vmem>>, %arg5: memref<256xf32, #tpu.memory_space<vmem>>, %arg6: memref<256xf32, #tpu.memory_space<vmem>>, %arg7: memref<256xf32, #tpu.memory_space<vmem>>, %arg8: memref<1x512x256xf32, #tpu.memory_space<vmem>>) attributes {dimension_semantics = [#tpu.dimension_semantics<arbitrary>, #tpu.dimension_semantics<arbitrary>], iteration_bounds = array<i64: 2, 4>, scalar_prefetch = 0 : i64, scratch_operands = 0 : i64, tpu.core_type = #tpu.core_type<tc>, window_params = [{transform_indices = @transform_0, window_bounds = array<i64: 1, 8, 32, 512>}, {transform_indices = @transform_1, window_bounds = array<i64: 1, 512, 256>}, {pipeline_mode = #tpu.pipeline_mode<synchronous>, transform_indices = @transform_2, window_bounds = array<i64: 256, 256>}, {pipeline_mode = #tpu.pipeline_mode<synchronous>, transform_indices = @transform_3, window_bounds = array<i64: 256>}, {pipeline_mode = #tpu.pipeline_mode<synchronous>, transform_indices = @transform_4, window_bounds = array<i64: 256>}, {pipeline_mode = #tpu.pipeline_mode<synchronous>, transform_indices = @transform_5, window_bounds = array<i64: 256>}, {transform_indices = @transform_6, window_bounds = array<i64: 1, 512, 256>}]} {
    %get3A = arith.constant 0 : index
    %get3A_0 = arith.constant 0 : index
    %get3A_1 = arith.constant 0 : index
    %get3A_2 = arith.constant 0 : index
    %get3A_3 = vector.load %arg2[%get3A, %get3A_0, %get3A_1, %get3A_2] : memref<1x8x32x512xf32, #tpu.memory_space<vmem>>, vector<1x8x32x512xf32>
    %get3A_4 = vector.shape_cast %get3A_3 : vector<1x8x32x512xf32> to vector<8x32x512xf32>
    %reshape3A = vector.shape_cast %get3A_4 : vector<8x32x512xf32> to vector<256x512xf32>
    %transpose3A = tpu.transpose %reshape3A, [1, 0] : vector<256x512xf32> -> vector<512x256xf32>
    %get3A_5 = arith.constant 0 : index
    %get3A_6 = arith.constant 0 : index
    %get3A_7 = vector.load %arg4[%get3A_5, %get3A_6] : memref<256x256xf32, #tpu.memory_space<vmem>>, vector<256x256xf32>
    %transpose3A_8 = tpu.transpose %get3A_7, [1, 0] : vector<256x256xf32> -> vector<256x256xf32>
    %dot_general3A = arith.constant dense<0.000000e+00> : vector<512x256xf32>
    %dot_general3A_9 = tpu.matmul %transpose3A, %transpose3A_8, %dot_general3A {dimension_numbers = #tpu.dot_dimension_numbers<[1], [0], [0], [1], [0, 0, 1, 1], [], []>, transpose_lhs_hint = false} : vector<512x256xf32>, vector<256x256xf32>, vector<512x256xf32> -> vector<512x256xf32>
    %get3A_10 = arith.constant 0 : index
    %get3A_11 = vector.load %arg5[%get3A_10] : memref<256xf32, #tpu.memory_space<vmem>>, vector<256xf32>
    %broadcast_in_dim3A = vector.shape_cast %get3A_11 : vector<256xf32> to vector<1x256xf32>
    %add3A = vector.broadcast %broadcast_in_dim3A : vector<1x256xf32> to vector<512x256xf32>
    %add3A_12 = arith.addf %dot_general3A_9, %add3A : vector<512x256xf32>
    %get3A_13 = arith.constant 0 : index
    %get3A_14 = arith.constant 0 : index
    %get3A_15 = arith.constant 0 : index
    %get3A_16 = vector.load %arg3[%get3A_13, %get3A_14, %get3A_15] : memref<1x512x256xf32, #tpu.memory_space<vmem>>, vector<1x512x256xf32>
    %get3A_17 = vector.shape_cast %get3A_16 : vector<1x512x256xf32> to vector<512x256xf32>
    %add3A_18 = arith.addf %add3A_12, %get3A_17 : vector<512x256xf32>
    %reduce_sum3A = arith.constant dense<0.000000e+00> : vector<512xf32>
    %reduce_sum3A_19 = vector.multi_reduction <add>, %add3A_18, %reduce_sum3A [1] : vector<512x256xf32> to vector<512xf32>
    %broadcast_in_dim3A_20 = vector.shape_cast %reduce_sum3A_19 : vector<512xf32> to vector<512x1xf32>
    %div3A = arith.constant 2.560000e+02 : f32
    %div3A_21 = vector.broadcast %div3A : f32 to vector<512x1xf32>
    %div3A_22 = arith.divf %broadcast_in_dim3A_20, %div3A_21 : vector<512x1xf32>
    %sub3A = vector.broadcast %div3A_22 : vector<512x1xf32> to vector<512x256xf32>
    %sub3A_23 = arith.subf %add3A_18, %sub3A : vector<512x256xf32>
    %integer_pow3A = arith.mulf %sub3A_23, %sub3A_23 : vector<512x256xf32>
    %reduce_sum3A_24 = arith.constant dense<0.000000e+00> : vector<512xf32>
    %reduce_sum3A_25 = vector.multi_reduction <add>, %integer_pow3A, %reduce_sum3A_24 [1] : vector<512x256xf32> to vector<512xf32>
    %broadcast_in_dim3A_26 = vector.shape_cast %reduce_sum3A_25 : vector<512xf32> to vector<512x1xf32>
    %div3A_27 = arith.constant 2.560000e+02 : f32
    %div3A_28 = vector.broadcast %div3A_27 : f32 to vector<512x1xf32>
    %div3A_29 = arith.divf %broadcast_in_dim3A_26, %div3A_28 : vector<512x1xf32>
    %sub3A_30 = vector.broadcast %div3A_22 : vector<512x1xf32> to vector<512x256xf32>
    %sub3A_31 = arith.subf %add3A_18, %sub3A_30 : vector<512x256xf32>
    %add3A_32 = arith.constant 9.99999974E-6 : f32
    %add3A_33 = vector.broadcast %add3A_32 : f32 to vector<512x1xf32>
    %add3A_34 = arith.addf %div3A_29, %add3A_33 : vector<512x1xf32>
    %sqrt3A = math.sqrt %add3A_34 : vector<512x1xf32>
    %div3A_35 = vector.broadcast %sqrt3A : vector<512x1xf32> to vector<512x256xf32>
    %div3A_36 = arith.divf %sub3A_31, %div3A_35 : vector<512x256xf32>
    %get3A_37 = arith.constant 0 : index
    %get3A_38 = vector.load %arg6[%get3A_37] : memref<256xf32, #tpu.memory_space<vmem>>, vector<256xf32>
    %broadcast_in_dim3A_39 = vector.shape_cast %get3A_38 : vector<256xf32> to vector<1x256xf32>
    %mul3A = vector.broadcast %broadcast_in_dim3A_39 : vector<1x256xf32> to vector<512x256xf32>
    %mul3A_40 = arith.mulf %div3A_36, %mul3A : vector<512x256xf32>
    %get3A_41 = arith.constant 0 : index
    %get3A_42 = vector.load %arg7[%get3A_41] : memref<256xf32, #tpu.memory_space<vmem>>, vector<256xf32>
    %broadcast_in_dim3A_43 = vector.shape_cast %get3A_42 : vector<256xf32> to vector<1x256xf32>
    %add3A_44 = vector.broadcast %broadcast_in_dim3A_43 : vector<1x256xf32> to vector<512x256xf32>
    %add3A_45 = arith.addf %mul3A_40, %add3A_44 : vector<512x256xf32>
    %swap3A = arith.constant 0 : index
    %swap3A_46 = arith.constant 0 : index
    %swap3A_47 = arith.constant 0 : index
    %swap3A_48 = vector.load %arg8[%swap3A, %swap3A_46, %swap3A_47] : memref<1x512x256xf32, #tpu.memory_space<vmem>>, vector<1x512x256xf32>
    %swap3A_49 = vector.shape_cast %swap3A_48 : vector<1x512x256xf32> to vector<512x256xf32>
    %swap3A_50 = vector.shape_cast %add3A_45 : vector<512x256xf32> to vector<1x512x256xf32>
    tpu.vector_store %arg8[%swap3A, %swap3A_46, %swap3A_47], %swap3A_50 {strides = array<i32>} : memref<1x512x256xf32, #tpu.memory_space<vmem>>, vector<1x512x256xf32>,
    return
  }
  func.func @transform_0(%arg0: i32, %arg1: i32) -> (i32, i32, i32, i32) {
    %c0_i32 = arith.constant 0 : i32
    %c0_i32_0 = arith.constant 0 : i32
    %c0_i32_1 = arith.constant 0 : i32
    return %arg0, %c0_i32, %c0_i32_0, %arg1 : i32, i32, i32, i32
  }
  func.func @transform_1(%arg0: i32, %arg1: i32) -> (i32, i32, i32) {
    %c0_i32 = arith.constant 0 : i32
    %c0_i32_0 = arith.constant 0 : i32
    return %arg0, %arg1, %c0_i32 : i32, i32, i32
  }
  func.func @transform_2(%arg0: i32, %arg1: i32) -> (i32, i32) {
    %c0_i32 = arith.constant 0 : i32
    %c0_i32_0 = arith.constant 0 : i32
    %c0_i32_1 = arith.constant 0 : i32
    return %c0_i32, %c0_i32_0 : i32, i32
  }
  func.func @transform_3(%arg0: i32, %arg1: i32) -> i32 {
    %c0_i32 = arith.constant 0 : i32
    %c0_i32_0 = arith.constant 0 : i32
    return %c0_i32 : i32
  }
  func.func @transform_4(%arg0: i32, %arg1: i32) -> i32 {
    %c0_i32 = arith.constant 0 : i32
    %c0_i32_0 = arith.constant 0 : i32
    return %c0_i32 : i32
  }
  func.func @transform_5(%arg0: i32, %arg1: i32) -> i32 {
    %c0_i32 = arith.constant 0 : i32
    %c0_i32_0 = arith.constant 0 : i32
    return %c0_i32 : i32
  }
  func.func @transform_6(%arg0: i32, %arg1: i32) -> (i32, i32, i32) {
    %c0_i32 = arith.constant 0 : i32
    %c0_i32_0 = arith.constant 0 : i32
    return %arg0, %arg1, %c0_i32 : i32, i32, i32
  }
}

</mosaic_0001>

<sc_bundles>
// kernel: _run.6.cloned.1.call-start
scs
__scs_entry_jumppad:
0x0: {  	(pc) =	sbr.rel $0x88, $3  }
0x1: {  	(tag) =	ssettag $0x0;
	lr =	simm.s32 $0x1  }
0x2: {  	[smem:$0x3F94] =	sst lr;
	_ =	strace $0xD0000000  }
0x3: {  	_ = 	snop  }
0x4: {  	_ = 	snop  }
0x5: {  	_ = 	snop  }
0x6: {  	_ = 	snop  }
0x7: {  	_ = 	snop  }
__scs_overlays_trampoline_lowered:
0x8: {  	[smem:$0x3FA3] =	sst s0  }
0x9: {  	[smem:$0x3FA4] =	sst s1  }
0xa: {  	[smem:$0x3FA5] =	sst s2  }
0xb: {  	[smem:$0x3FA6] =	sst s3  }
0xc: {  	[smem:$0x3FA7] =	sst s4  }
0xd: {  	[smem:$0x3FA8] =	sst s5  }
0xe: {  	[smem:$0x3FA9] =	sst s6  }
0xf: {  	[smem:$0x3FAA] =	sst s7  }
0x10: {  	[smem:$0x3FAB] =	sst s8  }
0x11: {  	[smem:$0x3FAC] =	sst s9;
	s0 =	simm.s32 @!p0 $0x0  }
0x12: {  	s1 =	sld [smem:$0x3F92];
	s0 =	simm.s32 @p0 $0x1  }
0x13: {  	[smem:$0x3FAD] =	sst s0;
	s0 =	simm.s32 @!p1 $0x0  }
0x14: {  	s2 =	sld [smem:$0x3F91];
	s0 =	simm.s32 @p1 $0x1  }
0x15: {  	[smem:$0x3FAE] =	sst s0;
	s0 =	simm.s32 @!p2 $0x0  }
0x16: {  	s3 =	sld [smem:$0x3FDB];
	s0 =	simm.s32 @p2 $0x1  }
0x17: {  	s4 =	simm.s32 $0x1BF5;
	[smem:$0x3FB0] =	sst s0  }
0x18: {  	s0 =	sld [smem:$0x3F93];
	_ =	swait.ge [sflag:s4], $0x0  }
0x19: {  	s7 =	sld [smem:$0x3F94]  }
0x1a: {  	s8 =	sadd.s32 $0xFFFFE003, lr  }
0x1b: {  	s9 =	sadd.s32 $0xFFFFFEF7, lr;
	s5 =	simm.s32 $0xFFFFFFFF;
	p2 =	slt.u32 s8, $0xFFFFF086  }
0x1c: {  	p1 =	slt.u32 s9, $0xF7A;
	s5 =	simm.s32 @!p2 $0x0  }
0x1d: {  	s5 =	simm.s32 @p1 $0x1;
	p0 =	seq.s32 s7, s2  }
0x1e: {  	s7 =	smul.u32 @!p0 $0xF7A, s2;
	p2 =	seq.s32 @!p0 s5, $0x0  }
0x1f: {  	s9 =	smul.u32 $0xF7A, s1;
	s8 =	simm.s32 @!p0 $0x1BF5;
	p2 =	por !p2, p0  }
0x20: {  	[sflag:s8] =	ssyncset.s32 @!p0 $0xFFFFF086;
	s6 =	sadd.s32 @!p0 s3, s7;
	s7 =	simm.s32 @!p0 $0x108  }
0x21: {  	s3 =	sadd.s32 s3, s9;
	s6 =	sadd.s32 @!p0 $0x88, s6;
	s7 =	simm.s32 @p2 $0x1082  }
0x22: {  	[simem:s7], [sflag:s8] =	dma.local @!p0 [hbm:s6], $0xF7A  }
0x23: {  	s9 =	sor.u32 $0xD0000000, s2;
	s6 =	simm.s32 $0x108;
	_ =	swait.ge @!p0 [sflag:s8], $0x0  }
0x24: {  	s3 =	sadd.s32 $0x88, s3;
	s6 =	simm.s32 @!p1 $0x1082;
	[sflag:s4] =	ssyncset.s32 $0xFFFFF086  }
0x25: {  	[simem:s6], [sflag:s4] =	dma.local [hbm:s3], $0xF7A  }
0x26: {  	[smem:$0x3F94] =	sst s1;
	(tag) =	ssettag s2;
	_ =	strace s9  }
0x27: {  	s1 =	sld [smem:$0x3FA4]  }
0x28: {  	s2 =	sld [smem:$0x3FA5]  }
0x29: {  	s4 =	sld [smem:$0x3FA7]  }
0x2a: {  	p0 =	seq.s32 s5, $0x0;
	s5 =	sld [smem:$0x3FA8]  }
0x2b: {  	s6 =	sld [smem:$0x3FA9]  }
0x2c: {  	s7 =	sld [smem:$0x3FAA]  }
0x2d: {  	s3 =	simm.s32 $0x108;
	s8 =	sld [smem:$0x3FAB]  }
0x2e: {  	s3 =	simm.s32 @!p0 $0x1082;
	s9 =	sld [smem:$0x3FAC]  }
0x2f: {  	lr =	sadd.s32 s0, s3;
	s0 =	sld [smem:$0x3FA3]  }
0x30: {  	s3 =	sld [smem:$0x3FA6]  }
0x31: {  	[smem:$0x3FAF] =	sst s10  }
0x32: {  	s10 =	sld [smem:$0x3FAD];
	_ =	sdelay $0x3  }
0x33: {  	p0 =	seq.s32 s10, $0x1;
	s10 =	sld [smem:$0x3FAF];
	_ =	sdelay $0x3  }
0x34: {  	[smem:$0x3FAF] =	sst s10  }
0x35: {  	s10 =	sld [smem:$0x3FAE];
	_ =	sdelay $0x3  }
0x36: {  	p1 =	seq.s32 s10, $0x1;
	s10 =	sld [smem:$0x3FAF];
	_ =	sdelay $0x3  }
0x37: {  	[smem:$0x3FAF] =	sst s10  }
0x38: {  	s10 =	sld [smem:$0x3FB0]  }
0x39: {  	_ = 	snop;
	(pc) =	sbr.ind lr, $3  }
0x3a: {  	_ = 	snop  }
0x3b: {  	_ = 	snop  }
0x3c: {  	p2 =	seq.s32 s10, $0x1;
	s10 =	sld [smem:$0x3FAF]  }
0x3d: {  	_ =	shalt  }
0x3e: {  	_ =	shalt  }
0x3f: {  	_ =	shalt  }
0x40: {  	_ =	shalt  }
0x41: {  	_ =	shalt  }
0x42: {  	_ =	shalt  }
0x43: {  	_ =	shalt  }
0x44: {  	_ =	shalt  }
0x45: {  	_ =	shalt  }
0x46: {  	_ =	shalt  }
0x47: {  	_ =	shalt  }
0x48: {  	_ =	shalt  }
0x49: {  	_ =	shalt  }
0x4a: {  	_ =	shalt  }
0x4b: {  	_ =	shalt  }
0x4c: {  	_ =	shalt  }
0x4d: {  	_ =	shalt  }
0x4e: {  	_ =	shalt  }
0x4f: {  	_ =	shalt  }
0x50: {  	_ =	shalt  }
0x51: {  	_ =	shalt  }
0x52: {  	_ =	shalt  }
0x53: {  	_ =	shalt  }
0x54: {  	_ =	shalt  }
0x55: {  	_ =	shalt  }
0x56: {  	_ =	shalt  }
0x57: {  	_ =	shalt  }
0x58: {  	_ =	shalt  }
0x59: {  	_ =	shalt  }
0x5a: {  	_ =	shalt  }
0x5b: {  	_ =	shalt  }
0x5c: {  	_ =	shalt  }
0x5d: {  	_ =	shalt  }
0x5e: {  	_ =	shalt  }
0x5f: {  	_ =	shalt  }
0x60: {  	_ =	shalt  }
0x61: {  	_ =	shalt  }
0x62: {  	_ =	shalt  }
0x63: {  	_ =	shalt  }
0x64: {  	_ =	shalt  }
0x65: {  	_ =	shalt  }
0x66: {  	_ =	shalt  }
0x67: {  	_ =	shalt  }
0x68: {  	_ =	shalt  }
0x69: {  	_ =	shalt  }
0x6a: {  	_ =	shalt  }
0x6b: {  	_ =	shalt  }
0x6c: {  	_ =	shalt  }
0x6d: {  	_ =	shalt  }
0x6e: {  	_ =	shalt  }
0x6f: {  	_ =	shalt  }
0x70: {  	_ =	shalt  }
0x71: {  	_ =	shalt  }
0x72: {  	_ =	shalt  }
0x73: {  	_ =	shalt  }
0x74: {  	_ =	shalt  }
0x75: {  	_ =	shalt  }
0x76: {  	_ =	shalt  }
0x77: {  	_ =	shalt  }
0x78: {  	_ =	shalt  }
0x79: {  	_ =	shalt  }
0x7a: {  	_ =	shalt  }
0x7b: {  	_ =	shalt  }
0x7c: {  	_ =	shalt  }
0x7d: {  	_ =	shalt  }
0x7e: {  	_ =	shalt  }
0x7f: {  	_ =	shalt  }
0x80: {  	_ =	shalt  }
0x81: {  	_ =	shalt  }
0x82: {  	_ =	shalt  }
0x83: {  	_ =	shalt  }
0x84: {  	_ =	shalt  }
0x85: {  	_ =	shalt  }
0x86: {  	_ =	shalt  }
0x87: {  	_ =	shalt  }
.Lfunc_end0:
.L_simem_size_0:
called_computation_lowered:
.L_overlay_start_0:
0x88: {  	s2 =	sld [smem:$0x3FD9]  }
0x89: {  	s3 =	sld [smem:$0x3FFE];
	_ =	sdelay $0x1  }
0x8a: {  	s1 =	srdreg.scid  }
0x8b: {  	s0 =	sand.u32 $0x1, s1  }
0x8c: {  	s17 =	sshll.u32 s0, $0xA;
	s2 =	sadd.s32 s3, s2  }
0x8d: {  	s2 =	sadd.s32 s2, s17  }
0x8e: {  	[smem:$0x3FBB] =	sst s2  }
0x8f: {  	_ = 	snop  }
0x90: {  	s2 =	sld [smem:$0x3FD0];
	(tm) =	ssettm $0x1  }
0x91: {  	s18 =	sld [smem:$0x3FFB];
	_ =	sdelay $0x3  }
0x92: {  	_ =	strace s18  }
0x93: {  	s3 =	sld [smem:$0x3FFC];
	_ =	sdelay $0x3  }
0x94: {  	_ =	strace s3  }
0x95: {  	s3 =	sld [smem:$0x3FFD];
	_ =	sdelay $0x3  }
0x96: {  	_ =	strace s3  }
0x97: {  	_ =	strace $0x8FFFFFFF  }
0x98: {  	s19 =	sld [smem:$0x3FDB];
	_ =	sdelay $0x1  }
0x99: {  	s4 =	simm.s32 $_scs_section_size  }
0x9a: {  	s5 =	simm.s32 $_size__tile_overlayer_lowered;
	s6 =	simm.s32 $_tile_overlayer_lowered  }
0x9b: {  	s22 =	simm.s32 $0x1BFF;
	s21 =	sshll.u32 s6, $0x1;
	s3 =	sadd.s32 s4, s19  }
0x9c: {  	s7 =	simm.s32 $0x0;
	s20 =	sshll.u32 s5, $0x1;
	s5 =	sadd.s32 s21, s3  }
0x9d: {  	[timem:s7], [sflag:s22] =	dma.local [hbm:s5], s20  }
0x9e: {  	_ =	swait.ge [sflag:s22], s20  }
0x9f: {  	s4 =	ssub.s32 $0x0, s20;
	[sflag:s22] =	ssyncset.done $0x0  }
0xa0: {  	[sflag:s22] =	ssyncadd.s32 s4;
	_ =	sdelay $0x1  }
0xa1: {  	s23 =	simm.s32 $0x1B8B  }
0xa2: {  	_ =	swait.ge [sflag:s23], $0x1  }
0xa3: {  	[sflag:s23] =	ssyncset.done $0x0  }
0xa4: {  	s25 =	simm.s32 $0x1B8E;
	s24 =	sld [smem:$0x3FFE];
	[sflag:s23] =	ssyncadd.s32 $0xFFFFFFFF  }
0xa5: {  	s26 =	simm.s32 $execute0_lowered;
	[smem:$0x3FD2] =	sst s25  }
0xa6: {  	s5 =	sshll.u32 s26, $0x1;
	_ =	strace $0x80000046;
	[dreg:$0x1] =	wrdreg $0xFFFFFFFF  }
0xa7: {  	s28 =	simm.s32 $_size_execute0_lowered;
	s3 =	sadd.s32 s3, s5;
	[dreg:$0x0] =	wrdreg $0x0  }
0xa8: {  	s5 =	sshll.u32 s28, $0x1;
	[dreg:$0x2] =	wrdreg s3  }
0xa9: {  	[dreg:$0x3] =	wrdreg s5  }
0xaa: {  	[dreg:$0x4] =	wrdreg $0xC0  }
0xab: {  	_ =	task [dreg:s7], $0x5FFFF  }
0xac: {  	[dreg:$0x1] =	wrdreg $0xFFFFFFFF  }
0xad: {  	[dreg:$0x0] =	wrdreg $0x60  }
0xae: {  	[dreg:$0x2] =	wrdreg s24  }
0xaf: {  	[dreg:$0x3] =	wrdreg s2  }
0xb0: {  	[dreg:$0x4] =	wrdreg $0x9  }
0xb1: {  	_ =	task.clear_ibuf [dreg:s7], $0x5FFFF;
	_ =	strace $0x90000046  }
0xb2: {  	s29 =	simm.s32 $0x9;
	_ =	strace $0x80000048  }
0xb3: {  	_ =	swait.ge [sflag:s29], $0x1  }
0xb4: {  	[sflag:s29] =	ssyncadd.s32 $0xFFFFFFFF  }
0xb5: {  	_ =	strace $0x90000048  }
0xb6: {  	_ =	sfence  }
0xb7: {  	s30 =	sld [smem:$0x0];
	_ =	sdelay $0x2  }
0xb8: {  	s31 =	sshll.u32 s1, $0xD;
	s1 =	sshrl.u32 s1, $0x2  }
0xb9: {  	s3 =	sand.u32 $0x4000, s31;
	s1 =	sadd.s32 s1, s30  }
0xba: {  	s0 =	sor.u32 s3, s0;
	s1 =	sshll.u32 s1, $0x11  }
0xbb: {  	s0 =	sor.u32 s1, s0  }
0xbc: {  	s0 =	sadd.s32 $0x8F2B, s0  }
0xbd: {  	[sflag:s0] =	ssyncadd.remote.s32 $0x1  }
0xbe: {  	_ =	sfence.sel $0xFFFF  }
0xbf: {  	[dreg:$0x0] =	wrdreg $0xFFFFFFFF;
	(pc) =	sbr.abs _section_cstart, $3  }
0xc0: {  	[dreg:$0x1] =	wrdreg $0xFFFFFFFF  }
0xc1: {  	_ =	task.clear_ibuf [dreg:s7], $0x2FFFF;
	_ =	strace $0x9FFFFFFF  }
0xc2: {  	(tm) =	ssettm $0x7FFFFFFF  }
0xc3: {  	_ =	shalt  }
tec
execute0_lowered:
.L_overlay_start_1:
0x0: {  	(tag) =	ssettag $0x1  }
0x1: {  	s7 =	stileid.u32  }
0x2: {  	s0 =	srdreg.scid;
	s3 =	rddreg [dreg:$0x0]  }
0x3: {  	s5 =	rddreg [dreg:$0x1];
	s21 =	simm.s32 $0x0;
	s1 =	sshll.u32 s7, $0x1  }
0x4: {  	s2 =	sshrl.u32 s7, $0x2;
	s0 =	sand.u32 $0x1, s0;
	[smem:$0x7FF] =	sst s21  }
0x5: {  	s24 =	sadd.s32 $0x2000, s3;
	s7 =	sshll.u32 s7, $0x7;
	s2 =	sand.u32 $0x1, s2  }
0x6: {  	s1 =	sand.u32 $0x6, s1;
	_ =	strace $0x80000047;
	s4 =	smul.u32 $0x81000, s2  }
0x7: {  	s1 =	sor.u32 s0, s1;
	s0 =	ssub.s32 $0x2, s0;
	s2 =	sshll.u32 s2, $0x10  }
0x8: {  	s6 =	sshll.u32 s1, $0x7;
	s1 =	sshll.u32 s1, $0xD;
	s8 =	sshrl.u32 s0, $0x1  }
0x9: {  	s25 =	sand.u32 $0x400, s7;
	s1 =	sor.u32 s2, s1;
	s0 =	ssub.s32 s0, s8  }
0xa: {  	s4 =	sor.u32 s4, s6;
	s1 =	sor.u32 s25, s1;
	s0 =	smax.u32 s0, $0x1  }
0xb: {  	s4 =	sshrl.u32 s4, $0x3;
	s2 =	sadd.s32 s5, s1;
	[dreg:$0xc] =	wrdreg s0  }
0xc: {  	s4 =	sadd.s32 s4, s3;
	s26 =	sadd.s32 s24, s1;
	[dreg:$0x6] =	wrdreg s2  }
0xd: {  	s3 =	sadd.s32 $0x42400, s3;
	s4 =	sadd.s32 $0x22000, s4;
	[dreg:$0x7] =	wrdreg s26  }
0xe: {  	s28 =	sor.u32 $0x200, s1;
	s1 =	sadd.s32 s3, s1;
	[dreg:$0x5] =	wrdreg s4  }
0xf: {  	s29 =	sadd.s32 s5, s28;
	[dreg:$0x8] =	wrdreg s1  }
0x10: {  	s30 =	sadd.s32 s24, s28;
	[dreg:$0x9] =	wrdreg s29  }
0x11: {  	s22 =	simm.s32 $0x1;
	s31 =	sadd.s32 s3, s28;
	[dreg:$0xa] =	wrdreg s30  }
0x12: {  	s23 =	simm.s32 $0x1000;
	s0 =	simm.s32 $0x0;
	[dreg:$0xb] =	wrdreg s31  }
.LBB2_1:
0x13: {  	[dreg:$0xd] =	wrdreg s0  }
0x14: {  	s18 =	rddreg [dreg:$0x5];
	s19 =	simm.s32 $0x80;
	s20 =	simm.s32 $0x400  }
0x15: {  	[tilespmem:s21], [sflag:$0x1] =	stream.strided.gather [hbm4b:s18+s19], $0x10200, s20, s19, $0x38;
	[tilespmem:$0x1C200] =	vst v63  }
0x16: {  	_ =	swait.ge [sflag:s22], $0x10200  }
0x17: {  	s26 =	simm.s32 $0x4000;
	[sflag:s22] =	ssyncset.done $0x0  }
0x18: {  	s29 =	simm.s32 $0x10200;
	s28 =	rddreg [dreg:$0x6];
	[sflag:s22] =	ssyncadd.s32 $0xFFFEFE00  }
0x19: {  	[tilespmem:s29], [sflag:$0x1] =	stream.strided.gather [hbm4b:s28+s23], $0x4000, s26, s23, $0x38;
	[tilespmem:$0x1C200] =	vst v63  }
0x1a: {  	_ =	swait.ge [sflag:s22], $0x4000  }
0x1b: {  	[sflag:s22] =	ssyncset.done $0x0  }
0x1c: {  	s31 =	simm.s32 $0x14200;
	s30 =	rddreg [dreg:$0x7];
	[sflag:s22] =	ssyncadd.s32 $0xFFFFC000  }
0x1d: {  	[tilespmem:s31], [sflag:$0x1] =	stream.strided.gather [hbm4b:s30+s23], $0x4000, s26, s23, $0x38;
	[tilespmem:$0x1C200] =	vst v63  }
0x1e: {  	_ =	swait.ge [sflag:s22], $0x4000  }
0x1f: {  	s0 =	simm.s32 $0x0;
	[sflag:s22] =	ssyncset.done $0x0  }
0x20: {  	s23 =	simm.s32 $0x1020;
	[sflag:s22] =	ssyncadd.s32 $0xFFFFC000;
	s22 =	simm.s32 $0x810  }
.LBB2_2:
0x21: {  	s1 =	sshll.u32 s0, $0x4;
	[dreg:$0xe] =	wrdreg s0;
	s30 =	sshll.u32 s0, $0x7  }
0x22: {  	[dreg:$0x10] =	wrdreg s1;
	s1 =	sand.u32 $0x70, s1;
	s0 =	sand.u32 $0xC00, s30  }
0x23: {  	[dreg:$0x12] =	wrdreg s30;
	s18 =	sor.u32 s1, s0  }
0x24: {  	[dreg:$0x3] =	wrdreg s18;
	s18 =	simm.s32 $0x0  }
0x25: {  	[dreg:$0x14] =	wrdreg s1;
	s20 =	sand.u32 $0x3000, s18;
	s19 =	sand.u32 $0x300, s18  }
0x26: {  	s31 =	rddreg [dreg:$0x3];
	s19 =	sor.u32 s20, s19  }
0x27: {  	[dreg:$0x16] =	wrdreg s0;
	s19 =	sor.u32 s31, s19  }
0x28: {  	v1 =	vld [tilespmem:s19+$0x14280];
	_ =	sdelay $0x4  }
0x29: {  	v0 =	vld [tilespmem:s19+$0x10280]  }
0x2a: {  	v2 =	vld [tilespmem:s19+$0x10200]  }
0x2b: {  	v3 =	vld [tilespmem:s19+$0x14200]  }
0x2c: {  	v4 =	vld.idx.msk [tilespmem:v1+s21+$0x0], $0xffff  }
0x2d: {  	v5 =	vld.idx.msk [tilespmem:v1+s22+$0x0], $0xffff  }
0x2e: {  	s19 =	simm.s32 $0x1830;
	v6 =	vld.idx.msk [tilespmem:v1+s23+$0x0], $0xffff  }
0x2f: {  	s20 =	simm.s32 $0x2040;
	v7 =	vld.idx.msk [tilespmem:v1+s19+$0x0], $0xffff  }
0x30: {  	s26 =	simm.s32 $0x2850;
	v8 =	vld.idx.msk [tilespmem:v1+s20+$0x0], $0xffff  }
0x31: {  	s28 =	simm.s32 $0x3060;
	v9 =	vld.idx.msk [tilespmem:v1+s26+$0x0], $0xffff  }
0x32: {  	s29 =	simm.s32 $0x3870;
	v10 =	vld.idx.msk [tilespmem:v1+s28+$0x0], $0xffff  }
0x33: {  	s1 =	simm.s32 $0x4080;
	v11 =	vld.idx.msk [tilespmem:v1+s29+$0x0], $0xffff  }
0x34: {  	s0 =	simm.s32 $0x4890;
	v12 =	vld.idx.msk [tilespmem:v1+s1+$0x0], $0xffff  }
0x35: {  	s11 =	simm.s32 $0x50A0;
	v13 =	vld.idx.msk [tilespmem:v1+s0+$0x0], $0xffff  }
0x36: {  	s12 =	simm.s32 $0x58B0;
	v14 =	vld.idx.msk [tilespmem:v1+s11+$0x0], $0xffff  }
0x37: {  	s16 =	simm.s32 $0x60C0;
	v15 =	vld.idx.msk [tilespmem:v1+s12+$0x0], $0xffff  }
0x38: {  	s17 =	simm.s32 $0x68D0;
	v16 =	vld.idx.msk [tilespmem:v1+s16+$0x0], $0xffff  }
0x39: {  	s3 =	simm.s32 $0x70E0;
	v17 =	vld.idx.msk [tilespmem:v1+s17+$0x0], $0xffff  }
0x3a: {  	s4 =	simm.s32 $0x78F0;
	v18 =	vld.idx.msk [tilespmem:v1+s3+$0x0], $0xffff  }
0x3b: {  	s5 =	simm.s32 $0x8100;
	v19 =	vld.idx.msk [tilespmem:v1+s4+$0x0], $0xffff  }
0x3c: {  	s6 =	simm.s32 $0x8910;
	v20 =	vld.idx.msk [tilespmem:v1+s5+$0x0], $0xffff  }
0x3d: {  	s7 =	simm.s32 $0x9120;
	v21 =	vld.idx.msk [tilespmem:v1+s6+$0x0], $0xffff  }
0x3e: {  	s8 =	simm.s32 $0x9930;
	v22 =	vld.idx.msk [tilespmem:v1+s7+$0x0], $0xffff  }
0x3f: {  	s9 =	simm.s32 $0xA140;
	v23 =	vld.idx.msk [tilespmem:v1+s8+$0x0], $0xffff  }
0x40: {  	s10 =	simm.s32 $0xA950;
	v24 =	vld.idx.msk [tilespmem:v1+s9+$0x0], $0xffff  }
0x41: {  	s14 =	simm.s32 $0xB160;
	v25 =	vld.idx.msk [tilespmem:v1+s10+$0x0], $0xffff  }
0x42: {  	s15 =	simm.s32 $0xB970;
	v26 =	vld.idx.msk [tilespmem:v1+s14+$0x0], $0xffff  }
0x43: {  	s13 =	simm.s32 $0xC180;
	v27 =	vld.idx.msk [tilespmem:v1+s15+$0x0], $0xffff  }
0x44: {  	s2 =	simm.s32 $0xC990;
	v28 =	vld.idx.msk [tilespmem:v1+s13+$0x0], $0xffff  }
0x45: {  	s24 =	simm.s32 $0xD1A0;
	v29 =	vld.idx.msk [tilespmem:v1+s2+$0x0], $0xffff  }
0x46: {  	s25 =	simm.s32 $0xD9B0;
	v30 =	vld.idx.msk [tilespmem:v1+s24+$0x0], $0xffff;
	v4 =	vmul.bf16 v4, v0;
	v5 =	vmul.bf16 v5, v0  }
0x47: {  	s30 =	simm.s32 $0xE1C0;
	v52 =	vld.idx.msk [tilespmem:v1+s25+$0x0], $0xffff;
	v6 =	vmul.bf16 v6, v0;
	v7 =	vmul.bf16 v7, v0  }
0x48: {  	s31 =	simm.s32 $0xE9D0;
	v53 =	vld.idx.msk [tilespmem:v1+s30+$0x0], $0xffff;
	v8 =	vmul.bf16 v8, v0;
	v9 =	vmul.bf16 v9, v0  }
0x49: {  	v39 =	vld.idx.msk [tilespmem:v1+s31+$0x0], $0xffff;
	v10 =	vmul.bf16 v10, v0;
	v11 =	vmul.bf16 v11, v0  }
0x4a: {  	v12 =	vmul.bf16 v12, v0;
	v33 =	vmul.bf16 v15, v0;
	v15 =	vld.idx.msk [tilespmem:v3+s21+$0x0], $0xffff  }
0x4b: {  	v31 =	vmul.bf16 v13, v0;
	v38 =	vmul.bf16 v17, v0;
	v17 =	vld.idx.msk [tilespmem:v3+s22+$0x0], $0xffff  }
0x4c: {  	v32 =	vmul.bf16 v14, v0;
	v40 =	vmul.bf16 v18, v0;
	v18 =	vld.idx.msk [tilespmem:v3+s23+$0x0], $0xffff  }
0x4d: {  	v16 =	vmul.bf16 v16, v0;
	v45 =	vmul.bf16 v19, v0;
	v19 =	vld.idx.msk [tilespmem:v3+s19+$0x0], $0xffff  }
0x4e: {  	v46 =	vmul.bf16 v20, v0;
	v20 =	vld.idx.msk [tilespmem:v3+s20+$0x0], $0xffff;
	v54 =	vmul.bf16 v53, v0  }
0x4f: {  	v47 =	vmul.bf16 v21, v0;
	v48 =	vmul.bf16 v22, v0;
	v21 =	vld.idx.msk [tilespmem:v3+s26+$0x0], $0xffff  }
0x50: {  	v50 =	vmul.bf16 v23, v0;
	v22 =	vld.idx.msk [tilespmem:v3+s28+$0x0], $0xffff;
	[tilespmem:$0x1FFA0] =	vst v54;
	v55 =	vmul.bf16 v15, v2  }
0x51: {  	v59 =	vimm.bf16 $0.0e+00;
	v44 =	vmul.bf16 v24, v0;
	v42 =	vmul.bf16 v26, v0;
	v13 =	vld.idx.msk [tilespmem:v3+s29+$0x0], $0xffff  }
0x52: {  	v41 =	vmul.bf16 v27, v0;
	v26 =	vld.idx.msk [tilespmem:v3+s0+$0x0], $0xffff;
	v15 =	vmul.bf16 v17, v2;
	v14 =	vadd.bf16 v55, v59  }
0x53: {  	v34 =	vmul.bf16 v28, v0;
	v35 =	vmul.bf16 v29, v0;
	v29 =	vld.idx.msk [tilespmem:v3+s12+$0x0], $0xffff  }
0x54: {  	v23 =	vld.idx.msk [tilespmem:v3+s1+$0x0], $0xffff;
	v17 =	vmul.bf16 v18, v2;
	v15 =	vadd.bf16 v15, v59;
	v4 =	vadd.bf16 v4, v14  }
0x55: {  	v27 =	vld.idx.msk [tilespmem:v3+s11+$0x0], $0xffff;
	v18 =	vmul.bf16 v19, v2;
	v20 =	vmul.bf16 v20, v2  }
0x56: {  	v28 =	vmul.bf16 v21, v2;
	v17 =	vadd.bf16 v17, v59;
	[tilespmem:$0x1FFB0] =	vst v4;
	v4 =	vadd.bf16 v5, v15  }
0x57: {  	v37 =	vmul.bf16 v52, v0;
	v18 =	vadd.bf16 v18, v59;
	v62 =	vadd.bf16 v20, v59  }
0x58: {  	v63 =	vadd.bf16 v28, v59;
	v26 =	vmul.bf16 v26, v2;
	v51 =	vmul.bf16 v29, v2;
	[tilespmem:$0x1FFC0] =	vst v4  }
0x59: {  	v17 =	vadd.bf16 v6, v17;
	v21 =	vadd.bf16 v7, v18;
	v5 =	vmul.bf16 v13, v2;
	v4 =	vld.idx.msk [tilespmem:v3+s16+$0x0], $0xffff  }
0x5a: {  	v22 =	vmul.bf16 v22, v2;
	v49 =	vadd.bf16 v9, v63;
	v53 =	vadd.bf16 v26, v59;
	v58 =	vld.idx.msk [tilespmem:v3+s17+$0x0], $0xffff  }
0x5b: {  	v9 =	vadd.bf16 v51, v59;
	v15 =	vmul.bf16 v23, v2;
	v5 =	vadd.bf16 v5, v59;
	v20 =	vld.idx.msk [tilespmem:v3+s3+$0x0], $0xffff  }
0x5c: {  	v23 =	vadd.bf16 v22, v59;
	v22 =	vadd.bf16 v8, v62;
	v28 =	vld.idx.msk [tilespmem:v3+s4+$0x0], $0xffff;
	[tilespmem:$0x1FFD0] =	vst v49  }
0x5d: {  	v27 =	vmul.bf16 v27, v2;
	v52 =	vadd.bf16 v15, v59;
	v60 =	vadd.bf16 v11, v5;
	v5 =	vld.idx.msk [tilespmem:v3+s6+$0x0], $0xffff  }
0x5e: {  	v43 =	vmul.bf16 v25, v0;
	v62 =	vadd.bf16 v31, v53;
	v61 =	vadd.bf16 v10, v23;
	v26 =	vld.idx.msk [tilespmem:v3+s7+$0x0], $0xffff  }
0x5f: {  	v36 =	vmul.bf16 v30, v0;
	v15 =	vadd.bf16 v27, v59;
	v27 =	vld.idx.msk [tilespmem:v3+s8+$0x0], $0xffff;
	v54 =	vadd.bf16 v12, v52  }
0x60: {  	v23 =	vadd.bf16 v33, v9;
	v33 =	vimm.bf16 $0.0e+00;
	v30 =	vld.idx.msk [tilespmem:v3+s5+$0x0], $0xffff;
	v4 =	vmul.bf16 v4, v2  }
0x61: {  	v63 =	vadd.bf16 v32, v15;
	[tilespmem:$0x1FFE0] =	vst v54;
	v6 =	vmul.bf16 v58, v2;
	v20 =	vmul.bf16 v20, v2  }
0x62: {  	v55 =	vld.idx.msk [tilespmem:v3+s9+$0x0], $0xffff;
	v12 =	vmul.bf16 v28, v2;
	v5 =	vmul.bf16 v5, v2;
	v4 =	vadd.bf16 v4, v59  }
0x63: {  	v14 =	vld.idx.msk [tilespmem:v3+s15+$0x0], $0xffff;
	v26 =	vmul.bf16 v26, v2;
	v6 =	vadd.bf16 v6, v59;
	v31 =	vadd.bf16 v20, v59  }
0x64: {  	v57 =	vmul.bf16 v27, v2;
	v13 =	vadd.bf16 v12, v59;
	v5 =	vadd.bf16 v5, v59  }
0x65: {  	v32 =	vimm.bf16 $0.0e+00;
	v28 =	vld.idx.msk [tilespmem:v3+s10+$0x0], $0xffff;
	v26 =	vadd.bf16 v26, v59;
	v4 =	vadd.bf16 v16, v4  }
0x66: {  	v29 =	vmul.bf16 v30, v2;
	v30 =	vld.idx.msk [tilespmem:v3+s14+$0x0], $0xffff;
	v27 =	vadd.bf16 v57, v59;
	v58 =	vadd.bf16 v38, v6  }
0x67: {  	v24 =	vadd.bf16 v40, v31;
	v18 =	vadd.bf16 v45, v13;
	v45 =	vmul.bf16 v39, v0;
	[tilespmem:$0x1FFF0] =	vst v4  }
0x68: {  	v16 =	vadd.bf16 v29, v59;
	v55 =	vmul.bf16 v55, v2;
	v49 =	vmul.bf16 v14, v2;
	v53 =	vld.idx.msk [tilespmem:v3+s13+$0x0], $0xffff  }
0x69: {  	v40 =	vimm.bf16 $0.0e+00;
	v38 =	vimm.bf16 $0.0e+00;
	v39 =	vimm.bf16 $0.0e+00;
	v51 =	vld.idx.msk [tilespmem:v3+s2+$0x0], $0xffff  }
0x6a: {  	v31 =	vimm.bf16 $0.0e+00;
	v29 =	vimm.bf16 $0.0e+00;
	v57 =	vmul.bf16 v28, v2;
	v54 =	vld.idx.msk [tilespmem:v3+s24+$0x0], $0xffff  }
0x6b: {  	v20 =	vadd.bf16 v47, v5;
	v19 =	vadd.bf16 v48, v26;
	v26 =	vimm.bf16 $0.0e+00;
	v52 =	vld.idx.msk [tilespmem:v3+s25+$0x0], $0xffff  }
0x6c: {  	v28 =	vimm.bf16 $0.0e+00;
	v25 =	vadd.bf16 v46, v16;
	v16 =	vadd.bf16 v50, v27;
	v50 =	vld.idx.msk [tilespmem:v3+s30+$0x0], $0xffff  }
0x6d: {  	s19 =	simm.s32 $0x0;
	s20 =	simm.s32 $0x0;
	v56 =	vmul.bf16 v30, v2;
	v30 =	vimm.bf16 $0.0e+00;
	v27 =	vimm.bf16 $0.0e+00;
	v48 =	vld.idx.msk [tilespmem:v3+s31+$0x0], $0xffff  }
.LBB2_3:
0x6e: {  	s28 =	simm.s32 $0xF1E0  }
0x6f: {  	s18 =	sadd.s32 $0x100, s18;
	s20 =	sadd.s32 $0x400, s20;
	s26 =	simm.s32 $0xF9F0;
	v47 =	vld.idx.msk [tilespmem:v3+s28+$0x0], $0xffff  }
0x70: {  	s22 =	sand.u32 $0x3000, s20;
	s23 =	sand.u32 $0x300, s18;
	v3 =	vld.idx.msk [tilespmem:v3+s26+$0x0], $0xffff  }
0x71: {  	s21 =	rddreg [dreg:$0x3];
	v14 =	vld.idx.msk [tilespmem:v1+s28+$0x0], $0xffff;
	s22 =	sor.u32 s22, s23  }
0x72: {  	s21 =	sor.u32 s21, s22;
	v46 =	vmul.bf16 v53, v2;
	v53 =	vld.idx.msk [tilespmem:v1+s26+$0x0], $0xffff  }
0x73: {  	v12 =	vmul.bf16 v51, v2;
	v1 =	vld [tilespmem:s21+$0x14280]  }
0x74: {  	v13 =	vmul.bf16 v54, v2;
	v52 =	vmul.bf16 v52, v2  }
0x75: {  	[tilespmem:$0x1FF70] =	vst v24;
	v24 =	vadd.bf16 v55, v59;
	v54 =	vmul.bf16 v50, v2;
	v55 =	vmul.bf16 v48, v2  }
0x76: {  	v38 =	vadd.bf16 v56, v38;
	v56 =	vmul.bf16 v47, v2;
	v2 =	vmul.bf16 v3, v2  }
0x77: {  	v4 =	vadd.bf16 v44, v24  }
0x78: {  	v28 =	vadd.bf16 v2, v28;
	v2 =	vld [tilespmem:s21+$0x10200]  }
0x79: {  	v40 =	vadd.bf16 v57, v40;
	v33 =	vadd.bf16 v46, v33;
	[tilespmem:$0x1FF90] =	vst v4;
	v4 =	vld [tilespmem:$0x1FFA0]  }
0x7a: {  	s22 =	simm.s32 $0x810;
	v30 =	vadd.bf16 v12, v30;
	v57 =	vmul.bf16 v14, v0;
	v59 =	vmul.bf16 v53, v0;
	v0 =	vld [tilespmem:s21+$0x10280]  }
0x7b: {  	s23 =	simm.s32 $0x1020;
	v31 =	vadd.bf16 v13, v31;
	v33 =	vadd.bf16 v34, v33;
	v34 =	vld.idx.msk [tilespmem:v1+s22+$0x0], $0xffff  }
0x7c: {  	s26 =	simm.s32 $0x1830;
	v30 =	vadd.bf16 v35, v30;
	v35 =	vld.idx.msk [tilespmem:v1+s23+$0x0], $0xffff  }
0x7d: {  	s28 =	simm.s32 $0x2040;
	v31 =	vadd.bf16 v36, v31;
	v36 =	vld.idx.msk [tilespmem:v1+s26+$0x0], $0xffff  }
0x7e: {  	s29 =	simm.s32 $0x2850;
	v6 =	vld.idx.msk [tilespmem:v1+s28+$0x0], $0xffff  }
0x7f: {  	s30 =	simm.s32 $0x3060;
	v7 =	vld.idx.msk [tilespmem:v1+s29+$0x0], $0xffff  }
0x80: {  	s31 =	simm.s32 $0x3870;
	v8 =	vld.idx.msk [tilespmem:v1+s30+$0x0], $0xffff  }
0x81: {  	s1 =	simm.s32 $0x4080;
	v9 =	vld.idx.msk [tilespmem:v1+s31+$0x0], $0xffff  }
0x82: {  	s0 =	simm.s32 $0x4890;
	v10 =	vld.idx.msk [tilespmem:v1+s1+$0x0], $0xffff  }
0x83: {  	s11 =	simm.s32 $0x50A0;
	v11 =	vld.idx.msk [tilespmem:v1+s0+$0x0], $0xffff  }
0x84: {  	s12 =	simm.s32 $0x58B0;
	v46 =	vld.idx.msk [tilespmem:v1+s11+$0x0], $0xffff  }
0x85: {  	s16 =	simm.s32 $0x60C0;
	v12 =	vld.idx.msk [tilespmem:v1+s12+$0x0], $0xffff  }
0x86: {  	s17 =	simm.s32 $0x68D0;
	v13 =	vld.idx.msk [tilespmem:v1+s16+$0x0], $0xffff  }
0x87: {  	s3 =	simm.s32 $0x70E0;
	v14 =	vld.idx.msk [tilespmem:v1+s17+$0x0], $0xffff  }
0x88: {  	s4 =	simm.s32 $0x78F0;
	v50 =	vld.idx.msk [tilespmem:v1+s3+$0x0], $0xffff  }
0x89: {  	s5 =	simm.s32 $0x8100;
	v51 =	vld.idx.msk [tilespmem:v1+s4+$0x0], $0xffff  }
0x8a: {  	s6 =	simm.s32 $0x8910;
	v32 =	vadd.bf16 v52, v32;
	v52 =	vld.idx.msk [tilespmem:v1+s5+$0x0], $0xffff  }
0x8b: {  	s7 =	simm.s32 $0x9120;
	v3 =	vadd.bf16 v54, v26;
	v53 =	vld.idx.msk [tilespmem:v1+s6+$0x0], $0xffff  }
0x8c: {  	s8 =	simm.s32 $0x9930;
	v54 =	vld.idx.msk [tilespmem:v1+s7+$0x0], $0xffff  }
0x8d: {  	s9 =	simm.s32 $0xA140;
	v29 =	vadd.bf16 v55, v29;
	v55 =	vld.idx.msk [tilespmem:v1+s8+$0x0], $0xffff;
	v3 =	vadd.bf16 v4, v3  }
0x8e: {  	s14 =	simm.s32 $0xB160;
	v27 =	vadd.bf16 v56, v27;
	v56 =	vld.idx.msk [tilespmem:v1+s9+$0x0], $0xffff  }
0x8f: {  	s25 =	simm.s32 $0xD9B0;
	v26 =	vmov v58;
	v58 =	vld.idx.msk [tilespmem:v1+s14+$0x0], $0xffff;
	[tilespmem:$0x1FF60] =	vst v3;
	v3 =	vadd.bf16 v45, v29  }
0x90: {  	v32 =	vadd.bf16 v37, v32;
	v37 =	vld.idx.msk [tilespmem:v1+s25+$0x0], $0xffff  }
0x91: {  	[tilespmem:$0x1FF50] =	vst v3;
	v3 =	vld [tilespmem:s21+$0x14200];
	s21 =	simm.s32 $0x0  }
0x92: {  	s10 =	simm.s32 $0xA950;
	[tilespmem:$0x1FF80] =	vst v25;
	v25 =	vld.idx.msk [tilespmem:v1+s21+$0x0], $0xffff  }
0x93: {  	s25 =	simm.s32 $0xE1C0;
	v4 =	vadd.bf16 v57, v27;
	v57 =	vld.idx.msk [tilespmem:v1+s10+$0x0], $0xffff  }
0x94: {  	s13 =	simm.s32 $0xC180;
	v24 =	vmov v23;
	v45 =	vld.idx.msk [tilespmem:v1+s25+$0x0], $0xffff  }
0x95: {  	s2 =	simm.s32 $0xC990;
	v23 =	vmov v60;
	[tilespmem:$0x1FF30] =	vst v4;
	v4 =	vadd.bf16 v59, v28;
	v60 =	vmul.bf16 v34, v0;
	v34 =	vld.idx.msk [tilespmem:v1+s13+$0x0], $0xffff  }
0x96: {  	s15 =	simm.s32 $0xB970;
	v27 =	vmovc v61;
	v28 =	vmov v62;
	v61 =	vmul.bf16 v35, v0;
	v62 =	vmul.bf16 v36, v0;
	v35 =	vld.idx.msk [tilespmem:v1+s2+$0x0], $0xffff  }
0x97: {  	s24 =	simm.s32 $0xD1A0;
	[tilespmem:$0x1FF40] =	vst v4;
	v4 =	vmul.bf16 v7, v0;
	v59 =	vmul.bf16 v25, v0;
	v25 =	vld.idx.msk [tilespmem:v1+s15+$0x0], $0xffff  }
0x98: {  	v5 =	vmul.bf16 v8, v0;
	v36 =	vld.idx.msk [tilespmem:v1+s24+$0x0], $0xffff;
	v7 =	vmul.bf16 v10, v0;
	s24 =	simm.s32 $0xE9D0  }
0x99: {  	v8 =	vmul.bf16 v11, v0;
	v11 =	vmul.bf16 v13, v0;
	v13 =	vld.idx.msk [tilespmem:v1+s24+$0x0], $0xffff  }
0x9a: {  	v39 =	vadd.bf16 v49, v39;
	v10 =	vmul.bf16 v12, v0;
	v12 =	vmul.bf16 v14, v0;
	v14 =	vld.idx.msk [tilespmem:v3+s21+$0x0], $0xffff  }
0x9b: {  	v15 =	vmul.bf16 v51, v0;
	v48 =	vmul.bf16 v52, v0;
	v51 =	vld.idx.msk [tilespmem:v3+s22+$0x0], $0xffff  }
0x9c: {  	v39 =	vadd.bf16 v41, v39;
	v52 =	vld.idx.msk [tilespmem:v3+s23+$0x0], $0xffff;
	v41 =	vmul.bf16 v25, v0;
	v25 =	vmul.bf16 v45, v0  }
0x9d: {  	v49 =	vmul.bf16 v53, v0;
	v53 =	vld.idx.msk [tilespmem:v3+s26+$0x0], $0xffff  }
0x9e: {  	v29 =	vmov v63;
	v63 =	vmul.bf16 v6, v0;
	v6 =	vmul.bf16 v9, v0;
	[tilespmem:$0x1FFA0] =	vst v25;
	v25 =	vld [tilespmem:$0x1FFB0]  }
0x9f: {  	v9 =	vmul.bf16 v46, v0;
	v46 =	vmul.bf16 v54, v0;
	v54 =	vld.idx.msk [tilespmem:v3+s28+$0x0], $0xffff  }
0xa0: {  	v47 =	vmul.bf16 v55, v0;
	v44 =	vmul.bf16 v56, v0;
	v55 =	vld.idx.msk [tilespmem:v3+s29+$0x0], $0xffff  }
0xa1: {  	v56 =	vld.idx.msk [tilespmem:v3+s30+$0x0], $0xffff;
	v45 =	vmul.bf16 v13, v0;
	v13 =	vmul.bf16 v14, v2  }
0xa2: {  	v40 =	vadd.bf16 v43, v40;
	v43 =	vmul.bf16 v57, v0;
	v57 =	vld.idx.msk [tilespmem:v3+s31+$0x0], $0xffff  }
0xa3: {  	v38 =	vadd.bf16 v42, v38;
	v42 =	vmul.bf16 v58, v0;
	v13 =	vadd.bf16 v13, v25;
	v25 =	vld [tilespmem:$0x1FFC0]  }
0xa4: {  	v58 =	vld.idx.msk [tilespmem:v3+s0+$0x0], $0xffff;
	v52 =	vmul.bf16 v52, v2;
	v53 =	vmul.bf16 v53, v2  }
0xa5: {  	v14 =	vmul.bf16 v51, v2;
	v51 =	vld.idx.msk [tilespmem:v3+s1+$0x0], $0xffff  }
0xa6: {  	v17 =	vadd.bf16 v52, v17;
	v52 =	vadd.bf16 v53, v21;
	v53 =	vmul.bf16 v55, v2;
	v55 =	vld.idx.msk [tilespmem:v3+s12+$0x0], $0xffff  }
0xa7: {  	v54 =	vmul.bf16 v54, v2;
	v21 =	vmov v19;
	v19 =	vmov v18;
	v18 =	vld.idx.msk [tilespmem:v3+s16+$0x0], $0xffff  }
0xa8: {  	v17 =	vadd.bf16 v61, v17;
	v61 =	vld [tilespmem:$0x1FFD0];
	v14 =	vadd.bf16 v14, v25  }
0xa9: {  	v22 =	vadd.bf16 v54, v22;
	v54 =	vld.idx.msk [tilespmem:v3+s9+$0x0], $0xffff  }
0xaa: {  	v13 =	vadd.bf16 v59, v13;
	v25 =	vmov v16;
	v16 =	vld.idx.msk [tilespmem:v3+s11+$0x0], $0xffff;
	v59 =	vadd.bf16 v60, v14  }
0xab: {  	v56 =	vmul.bf16 v56, v2;
	v14 =	vld.idx.msk [tilespmem:v3+s17+$0x0], $0xffff  }
0xac: {  	v60 =	vmul.bf16 v57, v2;
	v57 =	vld.idx.msk [tilespmem:v3+s4+$0x0], $0xffff;
	[tilespmem:$0x1FFC0] =	vst v59;
	v59 =	vadd.bf16 v62, v52  }
0xad: {  	v52 =	vadd.bf16 v53, v61;
	v53 =	vld.idx.msk [tilespmem:v3+s3+$0x0], $0xffff;
	v62 =	vadd.bf16 v56, v27  }
0xae: {  	v27 =	vld [tilespmem:$0x1FF30]  }
0xaf: {  	v61 =	vadd.bf16 v5, v62;
	v5 =	vld [tilespmem:$0x1FFE0]  }
0xb0: {  	v56 =	vmul.bf16 v58, v2;
	v58 =	vld.idx.msk [tilespmem:v3+s5+$0x0], $0xffff;
	v4 =	vadd.bf16 v4, v52  }
0xb1: {  	v22 =	vadd.bf16 v63, v22;
	[tilespmem:$0x1FFB0] =	vst v13;
	v13 =	vadd.bf16 v60, v23;
	v52 =	vld.idx.msk [tilespmem:v3+s6+$0x0], $0xffff  }
0xb2: {  	v51 =	vmul.bf16 v51, v2;
	v63 =	vadd.bf16 v56, v28;
	v28 =	vld [tilespmem:$0x1FF40];
	[tilespmem:$0x1FFD0] =	vst v4;
	v4 =	vmul.bf16 v55, v2  }
0xb3: {  	v60 =	vadd.bf16 v6, v13;
	v13 =	vmul.bf16 v18, v2;
	v18 =	vld.idx.msk [tilespmem:v3+s7+$0x0], $0xffff  }
0xb4: {  	v6 =	vld.idx.msk [tilespmem:v3+s10+$0x0], $0xffff;
	v4 =	vadd.bf16 v4, v24;
	v5 =	vadd.bf16 v51, v5  }
0xb5: {  	v16 =	vmul.bf16 v16, v2;
	v62 =	vadd.bf16 v8, v63;
	v8 =	vmul.bf16 v58, v2;
	v58 =	vld [tilespmem:$0x1FF70]  }
0xb6: {  	v23 =	vadd.bf16 v10, v4;
	v4 =	vld [tilespmem:$0x1FFF0];
	v5 =	vadd.bf16 v7, v5  }
0xb7: {  	s30 =	simm.s32 $0xD1A0;
	v16 =	vadd.bf16 v16, v29;
	v29 =	vld [tilespmem:$0x1FF50]  }
0xb8: {  	v55 =	vmul.bf16 v54, v2;
	v54 =	vld.idx.msk [tilespmem:v3+s30+$0x0], $0xffff;
	[tilespmem:$0x1FFE0] =	vst v5;
	v5 =	vmul.bf16 v57, v2  }
0xb9: {  	v53 =	vmul.bf16 v53, v2;
	v63 =	vadd.bf16 v9, v16;
	v9 =	vld.idx.msk [tilespmem:v3+s14+$0x0], $0xffff  }
0xba: {  	v50 =	vmul.bf16 v50, v0;
	v51 =	vld.idx.msk [tilespmem:v3+s8+$0x0], $0xffff;
	v5 =	vadd.bf16 v5, v19  }
0xbb: {  	v14 =	vmul.bf16 v14, v2;
	v10 =	vadd.bf16 v53, v58;
	v53 =	vld.idx.msk [tilespmem:v3+s13+$0x0], $0xffff;
	v4 =	vadd.bf16 v13, v4  }
0xbc: {  	v37 =	vmul.bf16 v37, v0;
	v16 =	vmul.bf16 v18, v2;
	v18 =	vadd.bf16 v15, v5;
	v5 =	vld [tilespmem:$0x1FF80]  }
0xbd: {  	s19 =	sadd.s32 $0x2, s19;
	v34 =	vmul.bf16 v34, v0;
	v57 =	vadd.bf16 v14, v26;
	v26 =	vld [tilespmem:$0x1FF60];
	v4 =	vadd.bf16 v11, v4  }
0xbe: {  	p0 =	slt.u32 s19, $0x1E;
	v35 =	vmul.bf16 v35, v0;
	v14 =	vld.idx.msk [tilespmem:v3+s15+$0x0], $0xffff;
	v24 =	vadd.bf16 v50, v10;
	v13 =	vmul.bf16 v52, v2  }
.Ltmp0:
0xbf: {  	s31 =	simm.s32 $0xD9B0;
	v50 =	vld.idx.msk [tilespmem:v3+s25+$0x0], $0xffff;
	v58 =	vadd.bf16 v12, v57;
	[tilespmem:$0x1FFF0] =	vst v4;
	v4 =	vmul.bf16 v51, v2;
	(pc) =	sbr.rel @p0 .LBB2_3-.Ltmp0, $4  }
0xc0: {  	v36 =	vmul.bf16 v36, v0;
	v52 =	vld.idx.msk [tilespmem:v3+s31+$0x0], $0xffff;
	v12 =	vadd.bf16 v13, v20;
	v13 =	vadd.bf16 v16, v21  }
0xc1: {  	v56 =	vmul.bf16 v9, v2;
	v21 =	vmovc v59;
	v59 =	vld [tilespmem:$0x1FF90];
	v4 =	vadd.bf16 v4, v25;
	v5 =	vadd.bf16 v8, v5  }
0xc2: {  	s24 =	simm.s32 $0xE9D0;
	v57 =	vmul.bf16 v6, v2;
	v51 =	vld.idx.msk [tilespmem:v3+s2+$0x0], $0xffff;
	v20 =	vadd.bf16 v49, v12;
	v19 =	vadd.bf16 v46, v13  }
0xc3: {  	v49 =	vmul.bf16 v14, v2;
	v16 =	vadd.bf16 v47, v4;
	v25 =	vadd.bf16 v48, v5;
	v48 =	vld.idx.msk [tilespmem:v3+s24+$0x0], $0xffff  }
0xc4: {  	v5 =	vadd.bf16 v57, v40  }
0xc5: {  	v6 =	vmul.bf16 v53, v2;
	v7 =	vadd.bf16 v56, v38;
	v11 =	vmul.bf16 v54, v2  }
0xc6: {  	v14 =	vmul.bf16 v50, v2;
	v40 =	vunpack.i.l.bf16.f32 v61;
	v9 =	vadd.bf16 v49, v39  }
0xc7: {  	v13 =	vmul.bf16 v52, v2;
	v4 =	vadd.bf16 v55, v59;
	v5 =	vadd.bf16 v43, v5  }
0xc8: {  	s1 =	simm.s32 $0xF1E0;
	v56 =	vld [tilespmem:$0x1FFB0];
	v39 =	vunpack.i.u.bf16.f32 v61;
	v7 =	vadd.bf16 v42, v7;
	v6 =	vadd.bf16 v6, v33  }
0xc9: {  	s0 =	simm.s32 $0xF9F0;
	v8 =	vld.idx.msk [tilespmem:v3+s1+$0x0], $0xffff;
	v11 =	vadd.bf16 v11, v31;
	v52 =	vadd.bf16 v14, v26;
	v31 =	vunpack.i.l.bf16.f32 v21  }
0xca: {  	v47 =	vld.idx.msk [tilespmem:v3+s0+$0x0], $0xffff;
	v33 =	vunpack.i.u.bf16.f32 v22;
	v42 =	vunpack.i.u.bf16.f32 v60;
	v9 =	vadd.bf16 v41, v9  }
0xcb: {  	v12 =	vld.idx.msk [tilespmem:v1+s1+$0x0], $0xffff;
	v43 =	vunpack.i.l.bf16.f32 v60;
	v13 =	vadd.bf16 v13, v32;
	v41 =	vadd.f32 v40, v39  }
0xcc: {  	v49 =	vld.idx.msk [tilespmem:v1+s0+$0x0], $0xffff;
	v10 =	vmul.bf16 v51, v2;
	v4 =	vadd.bf16 v44, v4;
	v6 =	vadd.bf16 v34, v6  }
0xcd: {  	v59 =	vld [tilespmem:$0x1FFC0];
	v15 =	vmul.bf16 v48, v2;
	v11 =	vadd.bf16 v36, v11;
	v44 =	vadd.f32 v43, v42  }
0xce: {  	v34 =	vunpack.i.l.bf16.f32 v22;
	v10 =	vadd.bf16 v10, v30;
	v3 =	vadd.bf16 v37, v13  }
0xcf: {  	s25 =	rddreg [dreg:$0x14];
	v36 =	vld [tilespmem:$0x1FFD0];
	v57 =	vunpack.i.u.bf16.f32 v56;
	v30 =	vunpack.i.u.bf16.f32 v21;
	v8 =	vmul.bf16 v8, v2  }
0xd0: {  	s26 =	rddreg [dreg:$0x16];
	v51 =	vmul.bf16 v47, v2;
	v53 =	vadd.bf16 v15, v29;
	v12 =	vmul.bf16 v12, v0  }
0xd1: {  	s18 =	sadd.s32 s25, s26;
	v54 =	vmul.bf16 v49, v0;
	v32 =	vadd.f32 v31, v30;
	v10 =	vadd.bf16 v35, v10  }
0xd2: {  	s19 =	sadd.s32 $0x18200, s18;
	v26 =	vunpack.i.u.bf16.f32 v59;
	v35 =	vadd.f32 v34, v33;
	v8 =	vadd.bf16 v8, v27  }
0xd3: {  	v55 =	vld [tilespmem:$0x1FFA0];
	[tilespmem:s19+$0x300] =	vst v41;
	v2 =	vadd.bf16 v51, v28;
	v27 =	vunpack.i.u.bf16.f32 v17;
	v28 =	vunpack.i.l.bf16.f32 v17  }
0xd4: {  	[tilespmem:s19+$0x180] =	vst v32;
	v29 =	vadd.f32 v28, v27;
	v37 =	vunpack.i.u.bf16.f32 v36;
	v15 =	vunpack.i.l.bf16.f32 v36  }
0xd5: {  	[tilespmem:s19+$0x200] =	vst v35;
	v8 =	vadd.bf16 v12, v8;
	v12 =	vunpack.i.l.bf16.f32 v56;
	v38 =	vadd.f32 v15, v37  }
0xd6: {  	s28 =	rddreg [dreg:$0x10];
	v14 =	vunpack.i.l.bf16.f32 v59;
	v0 =	vadd.bf16 v54, v2;
	v2 =	vadd.f32 v12, v57;
	[tilespmem:s19+$0x100] =	vst v29  }
0xd7: {  	s29 =	rddreg [dreg:$0x12];
	v48 =	vunpack.i.u.bf16.f32 v62;
	v49 =	vunpack.i.l.bf16.f32 v62;
	v12 =	vadd.f32 v14, v26;
	[tilespmem:s19+$0x280] =	vst v38  }
0xd8: {  	s20 =	sor.u32 s29, s28;
	v1 =	vadd.bf16 v55, v52;
	v50 =	vadd.f32 v49, v48;
	[tilespmem:s18+$0x18200] =	vst v2  }
0xd9: {  	s30 =	sor.u32 $0x380, s20;
	v52 =	vunpack.i.l.bf16.f32 v63;
	v55 =	vunpack.i.l.bf16.f32 v23;
	v51 =	vunpack.i.u.bf16.f32 v63;
	[tilespmem:s19+$0x80] =	vst v12  }
0xda: {  	v13 =	vadd.bf16 v45, v53;
	v53 =	vadd.f32 v52, v51;
	v54 =	vunpack.i.u.bf16.f32 v23;
	[tilespmem:s30+$0x18200] =	vst v44  }
0xdb: {  	v61 =	vunpack.i.u.bf16.f32 v58;
	v62 =	vunpack.i.l.bf16.f32 v58;
	v56 =	vadd.f32 v55, v54;
	[tilespmem:s18+$0x19280] =	vst v50  }
0xdc: {  	v22 =	vunpack.i.l.bf16.f32 v24;
	v21 =	vunpack.i.u.bf16.f32 v24;
	v63 =	vadd.f32 v62, v61;
	[tilespmem:s18+$0x19300] =	vst v53  }
0xdd: {  	v24 =	vunpack.i.u.bf16.f32 v18;
	v23 =	vadd.f32 v22, v21;
	v26 =	vunpack.i.l.bf16.f32 v18;
	[tilespmem:s18+$0x19380] =	vst v56  }
0xde: {  	v28 =	vunpack.i.u.bf16.f32 v25;
	v29 =	vunpack.i.l.bf16.f32 v25;
	v27 =	vadd.f32 v26, v24;
	[tilespmem:s18+$0x19480] =	vst v63  }
0xdf: {  	v31 =	vunpack.i.u.bf16.f32 v20;
	v32 =	vunpack.i.l.bf16.f32 v20;
	v30 =	vadd.f32 v29, v28;
	[tilespmem:s18+$0x19500] =	vst v23  }
0xe0: {  	v34 =	vunpack.i.u.bf16.f32 v19;
	v45 =	vld [tilespmem:$0x1FFE0];
	v33 =	vadd.f32 v32, v31;
	v35 =	vunpack.i.l.bf16.f32 v19;
	[tilespmem:s18+$0x19580] =	vst v27  }
0xe1: {  	v36 =	vadd.f32 v35, v34;
	v37 =	vunpack.i.u.bf16.f32 v16;
	v38 =	vunpack.i.l.bf16.f32 v16;
	[tilespmem:s18+$0x1A200] =	vst v30  }
0xe2: {  	v40 =	vunpack.i.u.bf16.f32 v4;
	v4 =	vunpack.i.l.bf16.f32 v4;
	v39 =	vadd.f32 v38, v37;
	[tilespmem:s18+$0x1A280] =	vst v33  }
0xe3: {  	v42 =	vunpack.i.u.bf16.f32 v5;
	v5 =	vunpack.i.l.bf16.f32 v5;
	v41 =	vadd.f32 v4, v40;
	[tilespmem:s18+$0x1A300] =	vst v36  }
0xe4: {  	v4 =	vadd.f32 v5, v42;
	v48 =	vunpack.i.u.bf16.f32 v6;
	v6 =	vunpack.i.l.bf16.f32 v6;
	[tilespmem:s18+$0x1A380] =	vst v39  }
0xe5: {  	v49 =	vadd.f32 v6, v48;
	v46 =	vunpack.i.u.bf16.f32 v45;
	v15 =	vunpack.i.l.bf16.f32 v45;
	[tilespmem:s18+$0x1A400] =	vst v41  }
0xe6: {  	v43 =	vunpack.i.u.bf16.f32 v7;
	v7 =	vunpack.i.l.bf16.f32 v7;
	v47 =	vadd.f32 v15, v46;
	[tilespmem:s18+$0x1A480] =	vst v4  }
0xe7: {  	v57 =	vld [tilespmem:$0x1FFF0];
	v45 =	vunpack.i.u.bf16.f32 v9;
	v44 =	vadd.f32 v7, v43;
	v46 =	vunpack.i.l.bf16.f32 v9;
	[tilespmem:s18+$0x1B200] =	vst v49  }
0xe8: {  	v51 =	vunpack.i.l.bf16.f32 v10;
	v50 =	vunpack.i.u.bf16.f32 v10;
	[tilespmem:s18+$0x19200] =	vst v47;
	v47 =	vadd.f32 v46, v45  }
0xe9: {  	v54 =	vunpack.i.l.bf16.f32 v11;
	v53 =	vunpack.i.u.bf16.f32 v11;
	[tilespmem:s18+$0x1A500] =	vst v44;
	v52 =	vadd.f32 v51, v50  }
0xea: {  	v56 =	vunpack.i.u.bf16.f32 v3;
	v3 =	vunpack.i.l.bf16.f32 v3;
	v55 =	vadd.f32 v54, v53;
	[tilespmem:s18+$0x1A580] =	vst v47  }
0xeb: {  	s31 =	rddreg [dreg:$0xe];
	v63 =	vunpack.i.u.bf16.f32 v0;
	v0 =	vunpack.i.l.bf16.f32 v0;
	v3 =	vadd.f32 v3, v56;
	[tilespmem:s18+$0x1B280] =	vst v52  }
0xec: {  	s0 =	sadd.s32 $0x1, s31;
	v59 =	vunpack.i.u.bf16.f32 v57;
	v15 =	vunpack.i.l.bf16.f32 v57;
	v0 =	vadd.f32 v0, v63;
	[tilespmem:s18+$0x1B300] =	vst v55  }
0xed: {  	p0 =	sne.s32 s0, $0x20;
	v57 =	vunpack.i.u.bf16.f32 v1;
	v1 =	vunpack.i.l.bf16.f32 v1;
	v60 =	vadd.f32 v15, v59;
	[tilespmem:s18+$0x1B380] =	vst v3  }
.Ltmp1:
0xee: {  	v58 =	vunpack.i.u.bf16.f32 v13;
	v1 =	vadd.f32 v1, v57;
	v59 =	vunpack.i.l.bf16.f32 v13;
	[tilespmem:s18+$0x1B580] =	vst v0;
	(pc) =	sbr.rel @p0 .LBB2_2-.Ltmp1, $4  }
0xef: {  	v61 =	vunpack.i.l.bf16.f32 v8;
	v2 =	vadd.f32 v59, v58;
	[tilespmem:s18+$0x19400] =	vst v60;
	v60 =	vunpack.i.u.bf16.f32 v8  }
0xf0: {  	[tilespmem:s18+$0x1B400] =	vst v1;
	v62 =	vadd.f32 v61, v60  }
0xf1: {  	[tilespmem:s18+$0x1B480] =	vst v2  }
0xf2: {  	[tilespmem:s18+$0x1B500] =	vst v62  }
0xf3: {  	s18 =	rddreg [dreg:$0x8];
	s20 =	simm.s32 $0x1000  }
0xf4: {  	s22 =	simm.s32 $0x4000;
	s0 =	simm.s32 $0x18200;
	s19 =	simm.s32 $0x1  }
0xf5: {  	[hbm4b:s18+s20] =	stream.strided.scatter [tilespmem:s0], [sflag:$0x1], $0x4000, s22, s20, $0x38;
	[tilespmem:$0x1C200] =	vst v63  }
0xf6: {  	_ =	swait.ge [sflag:s19], $0x4000  }
0xf7: {  	[sflag:s19] =	ssyncset.done $0x0  }
0xf8: {  	s23 =	simm.s32 $0x10200;
	s29 =	rddreg [dreg:$0x9];
	[sflag:s19] =	ssyncadd.s32 $0xFFFFC000  }
0xf9: {  	[tilespmem:s23], [sflag:$0x1] =	stream.strided.gather [hbm4b:s29+s20], $0x4000, s22, s20, $0x38;
	[tilespmem:$0x1C200] =	vst v63  }
0xfa: {  	_ =	swait.ge [sflag:s19], $0x4000  }
0xfb: {  	[sflag:s19] =	ssyncset.done $0x0  }
0xfc: {  	s31 =	simm.s32 $0x14200;
	s30 =	rddreg [dreg:$0xa];
	[sflag:s19] =	ssyncadd.s32 $0xFFFFC000  }
0xfd: {  	[tilespmem:s31], [sflag:$0x1] =	stream.strided.gather [hbm4b:s30+s20], $0x4000, s22, s20, $0x38;
	[tilespmem:$0x1C200] =	vst v63  }
0xfe: {  	_ =	swait.ge [sflag:s19], $0x4000  }
0xff: {  	s0 =	simm.s32 $0x0;
	[sflag:s19] =	ssyncset.done $0x0  }
0x100: {  	s23 =	simm.s32 $0x1020;
	s22 =	simm.s32 $0x810;
	[sflag:s19] =	ssyncadd.s32 $0xFFFFC000  }
.LBB2_6:
0x101: {  	s1 =	sshll.u32 s0, $0x4;
	[dreg:$0xf] =	wrdreg s0  }
0x102: {  	s16 =	sshll.u32 s0, $0x7;
	[dreg:$0x11] =	wrdreg s1  }
0x103: {  	s1 =	sand.u32 $0x70, s1;
	[dreg:$0x13] =	wrdreg s16;
	s0 =	sand.u32 $0xC00, s16  }
0x104: {  	s17 =	simm.s32 $0x0;
	[dreg:$0x15] =	wrdreg s1;
	s18 =	sor.u32 s1, s0  }
0x105: {  	s19 =	sand.u32 $0x3000, s17;
	s20 =	sand.u32 $0x300, s17;
	[dreg:$0x4] =	wrdreg s18  }
0x106: {  	s19 =	sor.u32 s19, s20;
	s18 =	rddreg [dreg:$0x4]  }
0x107: {  	[dreg:$0x17] =	wrdreg s0;
	s18 =	sor.u32 s18, s19  }
0x108: {  	v1 =	vld [tilespmem:s18+$0x14280];
	_ =	sdelay $0x4  }
0x109: {  	v0 =	vld [tilespmem:s18+$0x10280]  }
0x10a: {  	v2 =	vld [tilespmem:s18+$0x10200]  }
0x10b: {  	v3 =	vld [tilespmem:s18+$0x14200]  }
0x10c: {  	v4 =	vld.idx.msk [tilespmem:v1+s21+$0x0], $0xffff  }
0x10d: {  	v5 =	vld.idx.msk [tilespmem:v1+s22+$0x0], $0xffff  }
0x10e: {  	s19 =	simm.s32 $0x1830;
	v6 =	vld.idx.msk [tilespmem:v1+s23+$0x0], $0xffff  }
0x10f: {  	s20 =	simm.s32 $0x2040;
	v7 =	vld.idx.msk [tilespmem:v1+s19+$0x0], $0xffff  }
0x110: {  	s1 =	simm.s32 $0x2850;
	v8 =	vld.idx.msk [tilespmem:v1+s20+$0x0], $0xffff  }
0x111: {  	s26 =	simm.s32 $0x3060;
	v9 =	vld.idx.msk [tilespmem:v1+s1+$0x0], $0xffff  }
0x112: {  	s28 =	simm.s32 $0x3870;
	v10 =	vld.idx.msk [tilespmem:v1+s26+$0x0], $0xffff  }
0x113: {  	s0 =	simm.s32 $0x4080;
	v11 =	vld.idx.msk [tilespmem:v1+s28+$0x0], $0xffff  }
0x114: {  	s31 =	simm.s32 $0x4890;
	v12 =	vld.idx.msk [tilespmem:v1+s0+$0x0], $0xffff  }
0x115: {  	s11 =	simm.s32 $0x50A0;
	v13 =	vld.idx.msk [tilespmem:v1+s31+$0x0], $0xffff  }
0x116: {  	s12 =	simm.s32 $0x58B0;
	v14 =	vld.idx.msk [tilespmem:v1+s11+$0x0], $0xffff  }
0x117: {  	s16 =	simm.s32 $0x60C0;
	v15 =	vld.idx.msk [tilespmem:v1+s12+$0x0], $0xffff  }
0x118: {  	s17 =	simm.s32 $0x68D0;
	v16 =	vld.idx.msk [tilespmem:v1+s16+$0x0], $0xffff  }
0x119: {  	s3 =	simm.s32 $0x70E0;
	v17 =	vld.idx.msk [tilespmem:v1+s17+$0x0], $0xffff  }
0x11a: {  	s4 =	simm.s32 $0x78F0;
	v18 =	vld.idx.msk [tilespmem:v1+s3+$0x0], $0xffff  }
0x11b: {  	s5 =	simm.s32 $0x8100;
	v19 =	vld.idx.msk [tilespmem:v1+s4+$0x0], $0xffff  }
0x11c: {  	s6 =	simm.s32 $0x8910;
	v20 =	vld.idx.msk [tilespmem:v1+s5+$0x0], $0xffff  }
0x11d: {  	s7 =	simm.s32 $0x9120;
	v21 =	vld.idx.msk [tilespmem:v1+s6+$0x0], $0xffff  }
0x11e: {  	s8 =	simm.s32 $0x9930;
	v22 =	vld.idx.msk [tilespmem:v1+s7+$0x0], $0xffff  }
0x11f: {  	s9 =	simm.s32 $0xA140;
	v23 =	vld.idx.msk [tilespmem:v1+s8+$0x0], $0xffff  }
0x120: {  	s10 =	simm.s32 $0xA950;
	v24 =	vld.idx.msk [tilespmem:v1+s9+$0x0], $0xffff  }
0x121: {  	s14 =	simm.s32 $0xB160;
	v25 =	vld.idx.msk [tilespmem:v1+s10+$0x0], $0xffff  }
0x122: {  	s15 =	simm.s32 $0xB970;
	v26 =	vld.idx.msk [tilespmem:v1+s14+$0x0], $0xffff  }
0x123: {  	s13 =	simm.s32 $0xC180;
	v27 =	vld.idx.msk [tilespmem:v1+s15+$0x0], $0xffff  }
0x124: {  	s2 =	simm.s32 $0xC990;
	v28 =	vld.idx.msk [tilespmem:v1+s13+$0x0], $0xffff  }
0x125: {  	s24 =	simm.s32 $0xD1A0;
	v29 =	vld.idx.msk [tilespmem:v1+s2+$0x0], $0xffff  }
0x126: {  	s25 =	simm.s32 $0xD9B0;
	v30 =	vld.idx.msk [tilespmem:v1+s24+$0x0], $0xffff;
	v4 =	vmul.bf16 v4, v0;
	v5 =	vmul.bf16 v5, v0  }
0x127: {  	s29 =	simm.s32 $0xE1C0;
	v52 =	vld.idx.msk [tilespmem:v1+s25+$0x0], $0xffff;
	v6 =	vmul.bf16 v6, v0;
	v7 =	vmul.bf16 v7, v0  }
0x128: {  	s30 =	simm.s32 $0xE9D0;
	v53 =	vld.idx.msk [tilespmem:v1+s29+$0x0], $0xffff;
	v8 =	vmul.bf16 v8, v0;
	v9 =	vmul.bf16 v9, v0  }
0x129: {  	v39 =	vld.idx.msk [tilespmem:v1+s30+$0x0], $0xffff;
	v10 =	vmul.bf16 v10, v0;
	v11 =	vmul.bf16 v11, v0  }
0x12a: {  	v12 =	vmul.bf16 v12, v0;
	v33 =	vmul.bf16 v15, v0;
	v15 =	vld.idx.msk [tilespmem:v3+s21+$0x0], $0xffff  }
0x12b: {  	v31 =	vmul.bf16 v13, v0;
	v38 =	vmul.bf16 v17, v0;
	v17 =	vld.idx.msk [tilespmem:v3+s22+$0x0], $0xffff  }
0x12c: {  	v32 =	vmul.bf16 v14, v0;
	v40 =	vmul.bf16 v18, v0;
	v18 =	vld.idx.msk [tilespmem:v3+s23+$0x0], $0xffff  }
0x12d: {  	v16 =	vmul.bf16 v16, v0;
	v45 =	vmul.bf16 v19, v0;
	v19 =	vld.idx.msk [tilespmem:v3+s19+$0x0], $0xffff  }
0x12e: {  	v46 =	vmul.bf16 v20, v0;
	v20 =	vld.idx.msk [tilespmem:v3+s20+$0x0], $0xffff;
	v54 =	vmul.bf16 v53, v0  }
0x12f: {  	v47 =	vmul.bf16 v21, v0;
	v48 =	vmul.bf16 v22, v0;
	v21 =	vld.idx.msk [tilespmem:v3+s1+$0x0], $0xffff  }
0x130: {  	v50 =	vmul.bf16 v23, v0;
	v22 =	vld.idx.msk [tilespmem:v3+s26+$0x0], $0xffff;
	[tilespmem:$0x1FED0] =	vst v54;
	v55 =	vmul.bf16 v15, v2  }
0x131: {  	v59 =	vimm.bf16 $0.0e+00;
	v44 =	vmul.bf16 v24, v0;
	v42 =	vmul.bf16 v26, v0;
	v13 =	vld.idx.msk [tilespmem:v3+s28+$0x0], $0xffff  }
0x132: {  	v41 =	vmul.bf16 v27, v0;
	v26 =	vld.idx.msk [tilespmem:v3+s31+$0x0], $0xffff;
	v15 =	vmul.bf16 v17, v2;
	v14 =	vadd.bf16 v55, v59  }
0x133: {  	v34 =	vmul.bf16 v28, v0;
	v35 =	vmul.bf16 v29, v0;
	v29 =	vld.idx.msk [tilespmem:v3+s12+$0x0], $0xffff  }
0x134: {  	v23 =	vld.idx.msk [tilespmem:v3+s0+$0x0], $0xffff;
	v17 =	vmul.bf16 v18, v2;
	v15 =	vadd.bf16 v15, v59;
	v4 =	vadd.bf16 v4, v14  }
0x135: {  	v27 =	vld.idx.msk [tilespmem:v3+s11+$0x0], $0xffff;
	v18 =	vmul.bf16 v19, v2;
	v20 =	vmul.bf16 v20, v2  }
0x136: {  	v28 =	vmul.bf16 v21, v2;
	v17 =	vadd.bf16 v17, v59;
	[tilespmem:$0x1FEE0] =	vst v4;
	v4 =	vadd.bf16 v5, v15  }
0x137: {  	v37 =	vmul.bf16 v52, v0;
	v18 =	vadd.bf16 v18, v59;
	v62 =	vadd.bf16 v20, v59  }
0x138: {  	v63 =	vadd.bf16 v28, v59;
	v26 =	vmul.bf16 v26, v2;
	v51 =	vmul.bf16 v29, v2;
	[tilespmem:$0x1FEF0] =	vst v4  }
0x139: {  	v17 =	vadd.bf16 v6, v17;
	v21 =	vadd.bf16 v7, v18;
	v5 =	vmul.bf16 v13, v2;
	v4 =	vld.idx.msk [tilespmem:v3+s16+$0x0], $0xffff  }
0x13a: {  	v22 =	vmul.bf16 v22, v2;
	v49 =	vadd.bf16 v9, v63;
	v53 =	vadd.bf16 v26, v59;
	v58 =	vld.idx.msk [tilespmem:v3+s17+$0x0], $0xffff  }
0x13b: {  	v9 =	vadd.bf16 v51, v59;
	v15 =	vmul.bf16 v23, v2;
	v5 =	vadd.bf16 v5, v59;
	v20 =	vld.idx.msk [tilespmem:v3+s3+$0x0], $0xffff  }
0x13c: {  	v23 =	vadd.bf16 v22, v59;
	v22 =	vadd.bf16 v8, v62;
	v28 =	vld.idx.msk [tilespmem:v3+s4+$0x0], $0xffff;
	[tilespmem:$0x1FF00] =	vst v49  }
0x13d: {  	v27 =	vmul.bf16 v27, v2;
	v52 =	vadd.bf16 v15, v59;
	v60 =	vadd.bf16 v11, v5;
	v5 =	vld.idx.msk [tilespmem:v3+s6+$0x0], $0xffff  }
0x13e: {  	v43 =	vmul.bf16 v25, v0;
	v62 =	vadd.bf16 v31, v53;
	v61 =	vadd.bf16 v10, v23;
	v26 =	vld.idx.msk [tilespmem:v3+s7+$0x0], $0xffff  }
0x13f: {  	v36 =	vmul.bf16 v30, v0;
	v15 =	vadd.bf16 v27, v59;
	v27 =	vld.idx.msk [tilespmem:v3+s8+$0x0], $0xffff;
	v54 =	vadd.bf16 v12, v52  }
0x140: {  	v23 =	vadd.bf16 v33, v9;
	v33 =	vimm.bf16 $0.0e+00;
	v30 =	vld.idx.msk [tilespmem:v3+s5+$0x0], $0xffff;
	v4 =	vmul.bf16 v4, v2  }
0x141: {  	v63 =	vadd.bf16 v32, v15;
	[tilespmem:$0x1FF10] =	vst v54;
	v6 =	vmul.bf16 v58, v2;
	v20 =	vmul.bf16 v20, v2  }
0x142: {  	v55 =	vld.idx.msk [tilespmem:v3+s9+$0x0], $0xffff;
	v12 =	vmul.bf16 v28, v2;
	v5 =	vmul.bf16 v5, v2;
	v4 =	vadd.bf16 v4, v59  }
0x143: {  	v14 =	vld.idx.msk [tilespmem:v3+s15+$0x0], $0xffff;
	v26 =	vmul.bf16 v26, v2;
	v6 =	vadd.bf16 v6, v59;
	v31 =	vadd.bf16 v20, v59  }
0x144: {  	v57 =	vmul.bf16 v27, v2;
	v13 =	vadd.bf16 v12, v59;
	v5 =	vadd.bf16 v5, v59  }
0x145: {  	v32 =	vimm.bf16 $0.0e+00;
	v28 =	vld.idx.msk [tilespmem:v3+s10+$0x0], $0xffff;
	v26 =	vadd.bf16 v26, v59;
	v4 =	vadd.bf16 v16, v4  }
0x146: {  	v29 =	vmul.bf16 v30, v2;
	v30 =	vld.idx.msk [tilespmem:v3+s14+$0x0], $0xffff;
	v27 =	vadd.bf16 v57, v59;
	v58 =	vadd.bf16 v38, v6  }
0x147: {  	v24 =	vadd.bf16 v40, v31;
	v18 =	vadd.bf16 v45, v13;
	v45 =	vmul.bf16 v39, v0;
	[tilespmem:$0x1FF20] =	vst v4  }
0x148: {  	v16 =	vadd.bf16 v29, v59;
	v55 =	vmul.bf16 v55, v2;
	v49 =	vmul.bf16 v14, v2;
	v53 =	vld.idx.msk [tilespmem:v3+s13+$0x0], $0xffff  }
0x149: {  	v40 =	vimm.bf16 $0.0e+00;
	v38 =	vimm.bf16 $0.0e+00;
	v39 =	vimm.bf16 $0.0e+00;
	v51 =	vld.idx.msk [tilespmem:v3+s2+$0x0], $0xffff  }
0x14a: {  	v31 =	vimm.bf16 $0.0e+00;
	v29 =	vimm.bf16 $0.0e+00;
	v57 =	vmul.bf16 v28, v2;
	v54 =	vld.idx.msk [tilespmem:v3+s24+$0x0], $0xffff  }
0x14b: {  	v20 =	vadd.bf16 v47, v5;
	v19 =	vadd.bf16 v48, v26;
	v26 =	vimm.bf16 $0.0e+00;
	v52 =	vld.idx.msk [tilespmem:v3+s25+$0x0], $0xffff  }
0x14c: {  	v28 =	vimm.bf16 $0.0e+00;
	v25 =	vadd.bf16 v46, v16;
	v16 =	vadd.bf16 v50, v27;
	v50 =	vld.idx.msk [tilespmem:v3+s29+$0x0], $0xffff  }
0x14d: {  	s18 =	simm.s32 $0x0;
	s19 =	simm.s32 $0x0;
	s20 =	simm.s32 $0x0;
	v56 =	vmul.bf16 v30, v2;
	v30 =	vimm.bf16 $0.0e+00;
	v27 =	vimm.bf16 $0.0e+00;
	v48 =	vld.idx.msk [tilespmem:v3+s30+$0x0], $0xffff  }
.LBB2_7:
0x14e: {  	s28 =	simm.s32 $0xF1E0  }
0x14f: {  	s19 =	sadd.s32 $0x100, s19;
	s20 =	sadd.s32 $0x400, s20;
	s26 =	simm.s32 $0xF9F0;
	v47 =	vld.idx.msk [tilespmem:v3+s28+$0x0], $0xffff  }
0x150: {  	s22 =	sand.u32 $0x3000, s20;
	s23 =	sand.u32 $0x300, s19;
	v3 =	vld.idx.msk [tilespmem:v3+s26+$0x0], $0xffff  }
0x151: {  	s21 =	rddreg [dreg:$0x4];
	v14 =	vld.idx.msk [tilespmem:v1+s28+$0x0], $0xffff;
	s22 =	sor.u32 s22, s23  }
0x152: {  	s21 =	sor.u32 s21, s22;
	v46 =	vmul.bf16 v53, v2;
	v53 =	vld.idx.msk [tilespmem:v1+s26+$0x0], $0xffff  }
0x153: {  	v12 =	vmul.bf16 v51, v2;
	v1 =	vld [tilespmem:s21+$0x14280]  }
0x154: {  	v13 =	vmul.bf16 v54, v2;
	v52 =	vmul.bf16 v52, v2  }
0x155: {  	[tilespmem:$0x1FEA0] =	vst v24;
	v24 =	vadd.bf16 v55, v59;
	v54 =	vmul.bf16 v50, v2;
	v55 =	vmul.bf16 v48, v2  }
0x156: {  	v38 =	vadd.bf16 v56, v38;
	v56 =	vmul.bf16 v47, v2;
	v2 =	vmul.bf16 v3, v2  }
0x157: {  	v4 =	vadd.bf16 v44, v24  }
0x158: {  	v28 =	vadd.bf16 v2, v28;
	v2 =	vld [tilespmem:s21+$0x10200]  }
0x159: {  	v40 =	vadd.bf16 v57, v40;
	v33 =	vadd.bf16 v46, v33;
	[tilespmem:$0x1FEC0] =	vst v4;
	v4 =	vld [tilespmem:$0x1FED0]  }
0x15a: {  	s22 =	simm.s32 $0x810;
	v30 =	vadd.bf16 v12, v30;
	v57 =	vmul.bf16 v14, v0;
	v59 =	vmul.bf16 v53, v0;
	v0 =	vld [tilespmem:s21+$0x10280]  }
0x15b: {  	s23 =	simm.s32 $0x1020;
	v31 =	vadd.bf16 v13, v31;
	v33 =	vadd.bf16 v34, v33;
	v34 =	vld.idx.msk [tilespmem:v1+s22+$0x0], $0xffff  }
0x15c: {  	s26 =	simm.s32 $0x1830;
	v30 =	vadd.bf16 v35, v30;
	v35 =	vld.idx.msk [tilespmem:v1+s23+$0x0], $0xffff  }
0x15d: {  	s28 =	simm.s32 $0x2040;
	v31 =	vadd.bf16 v36, v31;
	v36 =	vld.idx.msk [tilespmem:v1+s26+$0x0], $0xffff  }
0x15e: {  	s29 =	simm.s32 $0x2850;
	v6 =	vld.idx.msk [tilespmem:v1+s28+$0x0], $0xffff  }
0x15f: {  	s30 =	simm.s32 $0x3060;
	v7 =	vld.idx.msk [tilespmem:v1+s29+$0x0], $0xffff  }
0x160: {  	s31 =	simm.s32 $0x3870;
	v8 =	vld.idx.msk [tilespmem:v1+s30+$0x0], $0xffff  }
0x161: {  	s1 =	simm.s32 $0x4080;
	v9 =	vld.idx.msk [tilespmem:v1+s31+$0x0], $0xffff  }
0x162: {  	s0 =	simm.s32 $0x4890;
	v10 =	vld.idx.msk [tilespmem:v1+s1+$0x0], $0xffff  }
0x163: {  	s11 =	simm.s32 $0x50A0;
	v11 =	vld.idx.msk [tilespmem:v1+s0+$0x0], $0xffff  }
0x164: {  	s12 =	simm.s32 $0x58B0;
	v46 =	vld.idx.msk [tilespmem:v1+s11+$0x0], $0xffff  }
0x165: {  	s16 =	simm.s32 $0x60C0;
	v12 =	vld.idx.msk [tilespmem:v1+s12+$0x0], $0xffff  }
0x166: {  	s17 =	simm.s32 $0x68D0;
	v13 =	vld.idx.msk [tilespmem:v1+s16+$0x0], $0xffff  }
0x167: {  	s3 =	simm.s32 $0x70E0;
	v14 =	vld.idx.msk [tilespmem:v1+s17+$0x0], $0xffff  }
0x168: {  	s4 =	simm.s32 $0x78F0;
	v50 =	vld.idx.msk [tilespmem:v1+s3+$0x0], $0xffff  }
0x169: {  	s5 =	simm.s32 $0x8100;
	v51 =	vld.idx.msk [tilespmem:v1+s4+$0x0], $0xffff  }
0x16a: {  	s6 =	simm.s32 $0x8910;
	v32 =	vadd.bf16 v52, v32;
	v52 =	vld.idx.msk [tilespmem:v1+s5+$0x0], $0xffff  }
0x16b: {  	s7 =	simm.s32 $0x9120;
	v3 =	vadd.bf16 v54, v26;
	v53 =	vld.idx.msk [tilespmem:v1+s6+$0x0], $0xffff  }
0x16c: {  	s8 =	simm.s32 $0x9930;
	v54 =	vld.idx.msk [tilespmem:v1+s7+$0x0], $0xffff  }
0x16d: {  	s9 =	simm.s32 $0xA140;
	v29 =	vadd.bf16 v55, v29;
	v55 =	vld.idx.msk [tilespmem:v1+s8+$0x0], $0xffff;
	v3 =	vadd.bf16 v4, v3  }
0x16e: {  	s14 =	simm.s32 $0xB160;
	v27 =	vadd.bf16 v56, v27;
	v56 =	vld.idx.msk [tilespmem:v1+s9+$0x0], $0xffff  }
0x16f: {  	s25 =	simm.s32 $0xD9B0;
	v26 =	vmov v58;
	v58 =	vld.idx.msk [tilespmem:v1+s14+$0x0], $0xffff;
	[tilespmem:$0x1FE90] =	vst v3;
	v3 =	vadd.bf16 v45, v29  }
0x170: {  	v32 =	vadd.bf16 v37, v32;
	v37 =	vld.idx.msk [tilespmem:v1+s25+$0x0], $0xffff  }
0x171: {  	[tilespmem:$0x1FE80] =	vst v3;
	v3 =	vld [tilespmem:s21+$0x14200];
	s21 =	simm.s32 $0x0  }
0x172: {  	s10 =	simm.s32 $0xA950;
	[tilespmem:$0x1FEB0] =	vst v25;
	v25 =	vld.idx.msk [tilespmem:v1+s21+$0x0], $0xffff  }
0x173: {  	s25 =	simm.s32 $0xE1C0;
	v4 =	vadd.bf16 v57, v27;
	v57 =	vld.idx.msk [tilespmem:v1+s10+$0x0], $0xffff  }
0x174: {  	s13 =	simm.s32 $0xC180;
	v24 =	vmov v23;
	v45 =	vld.idx.msk [tilespmem:v1+s25+$0x0], $0xffff  }
0x175: {  	s2 =	simm.s32 $0xC990;
	v23 =	vmov v60;
	[tilespmem:$0x1FE60] =	vst v4;
	v4 =	vadd.bf16 v59, v28;
	v60 =	vmul.bf16 v34, v0;
	v34 =	vld.idx.msk [tilespmem:v1+s13+$0x0], $0xffff  }
0x176: {  	s15 =	simm.s32 $0xB970;
	v27 =	vmovc v61;
	v28 =	vmov v62;
	v61 =	vmul.bf16 v35, v0;
	v62 =	vmul.bf16 v36, v0;
	v35 =	vld.idx.msk [tilespmem:v1+s2+$0x0], $0xffff  }
0x177: {  	s24 =	simm.s32 $0xD1A0;
	[tilespmem:$0x1FE70] =	vst v4;
	v4 =	vmul.bf16 v7, v0;
	v59 =	vmul.bf16 v25, v0;
	v25 =	vld.idx.msk [tilespmem:v1+s15+$0x0], $0xffff  }
0x178: {  	v5 =	vmul.bf16 v8, v0;
	v36 =	vld.idx.msk [tilespmem:v1+s24+$0x0], $0xffff;
	v7 =	vmul.bf16 v10, v0;
	s24 =	simm.s32 $0xE9D0  }
0x179: {  	v8 =	vmul.bf16 v11, v0;
	v11 =	vmul.bf16 v13, v0;
	v13 =	vld.idx.msk [tilespmem:v1+s24+$0x0], $0xffff  }
0x17a: {  	v39 =	vadd.bf16 v49, v39;
	v10 =	vmul.bf16 v12, v0;
	v12 =	vmul.bf16 v14, v0;
	v14 =	vld.idx.msk [tilespmem:v3+s21+$0x0], $0xffff  }
0x17b: {  	v15 =	vmul.bf16 v51, v0;
	v48 =	vmul.bf16 v52, v0;
	v51 =	vld.idx.msk [tilespmem:v3+s22+$0x0], $0xffff  }
0x17c: {  	v39 =	vadd.bf16 v41, v39;
	v52 =	vld.idx.msk [tilespmem:v3+s23+$0x0], $0xffff;
	v41 =	vmul.bf16 v25, v0;
	v25 =	vmul.bf16 v45, v0  }
0x17d: {  	v49 =	vmul.bf16 v53, v0;
	v53 =	vld.idx.msk [tilespmem:v3+s26+$0x0], $0xffff  }
0x17e: {  	v29 =	vmov v63;
	v63 =	vmul.bf16 v6, v0;
	v6 =	vmul.bf16 v9, v0;
	[tilespmem:$0x1FED0] =	vst v25;
	v25 =	vld [tilespmem:$0x1FEE0]  }
0x17f: {  	v9 =	vmul.bf16 v46, v0;
	v46 =	vmul.bf16 v54, v0;
	v54 =	vld.idx.msk [tilespmem:v3+s28+$0x0], $0xffff  }
0x180: {  	v47 =	vmul.bf16 v55, v0;
	v44 =	vmul.bf16 v56, v0;
	v55 =	vld.idx.msk [tilespmem:v3+s29+$0x0], $0xffff  }
0x181: {  	v56 =	vld.idx.msk [tilespmem:v3+s30+$0x0], $0xffff;
	v45 =	vmul.bf16 v13, v0;
	v13 =	vmul.bf16 v14, v2  }
0x182: {  	v40 =	vadd.bf16 v43, v40;
	v43 =	vmul.bf16 v57, v0;
	v57 =	vld.idx.msk [tilespmem:v3+s31+$0x0], $0xffff  }
0x183: {  	v38 =	vadd.bf16 v42, v38;
	v42 =	vmul.bf16 v58, v0;
	v13 =	vadd.bf16 v13, v25;
	v25 =	vld [tilespmem:$0x1FEF0]  }
0x184: {  	v58 =	vld.idx.msk [tilespmem:v3+s0+$0x0], $0xffff;
	v52 =	vmul.bf16 v52, v2;
	v53 =	vmul.bf16 v53, v2  }
0x185: {  	v14 =	vmul.bf16 v51, v2;
	v51 =	vld.idx.msk [tilespmem:v3+s1+$0x0], $0xffff  }
0x186: {  	v17 =	vadd.bf16 v52, v17;
	v52 =	vadd.bf16 v53, v21;
	v53 =	vmul.bf16 v55, v2;
	v55 =	vld.idx.msk [tilespmem:v3+s12+$0x0], $0xffff  }
0x187: {  	v54 =	vmul.bf16 v54, v2;
	v21 =	vmov v19;
	v19 =	vmov v18;
	v18 =	vld.idx.msk [tilespmem:v3+s16+$0x0], $0xffff  }
0x188: {  	v17 =	vadd.bf16 v61, v17;
	v61 =	vld [tilespmem:$0x1FF00];
	v14 =	vadd.bf16 v14, v25  }
0x189: {  	v22 =	vadd.bf16 v54, v22;
	v54 =	vld.idx.msk [tilespmem:v3+s9+$0x0], $0xffff  }
0x18a: {  	v13 =	vadd.bf16 v59, v13;
	v25 =	vmov v16;
	v16 =	vld.idx.msk [tilespmem:v3+s11+$0x0], $0xffff;
	v59 =	vadd.bf16 v60, v14  }
0x18b: {  	v56 =	vmul.bf16 v56, v2;
	v14 =	vld.idx.msk [tilespmem:v3+s17+$0x0], $0xffff  }
0x18c: {  	v60 =	vmul.bf16 v57, v2;
	v57 =	vld.idx.msk [tilespmem:v3+s4+$0x0], $0xffff;
	[tilespmem:$0x1FEF0] =	vst v59;
	v59 =	vadd.bf16 v62, v52  }
0x18d: {  	v52 =	vadd.bf16 v53, v61;
	v53 =	vld.idx.msk [tilespmem:v3+s3+$0x0], $0xffff;
	v62 =	vadd.bf16 v56, v27  }
0x18e: {  	v27 =	vld [tilespmem:$0x1FE60]  }
0x18f: {  	v61 =	vadd.bf16 v5, v62;
	v5 =	vld [tilespmem:$0x1FF10]  }
0x190: {  	v56 =	vmul.bf16 v58, v2;
	v58 =	vld.idx.msk [tilespmem:v3+s5+$0x0], $0xffff;
	v4 =	vadd.bf16 v4, v52  }
0x191: {  	v22 =	vadd.bf16 v63, v22;
	[tilespmem:$0x1FEE0] =	vst v13;
	v13 =	vadd.bf16 v60, v23;
	v52 =	vld.idx.msk [tilespmem:v3+s6+$0x0], $0xffff  }
0x192: {  	v51 =	vmul.bf16 v51, v2;
	v63 =	vadd.bf16 v56, v28;
	v28 =	vld [tilespmem:$0x1FE70];
	[tilespmem:$0x1FF00] =	vst v4;
	v4 =	vmul.bf16 v55, v2  }
0x193: {  	v60 =	vadd.bf16 v6, v13;
	v13 =	vmul.bf16 v18, v2;
	v18 =	vld.idx.msk [tilespmem:v3+s7+$0x0], $0xffff  }
0x194: {  	v6 =	vld.idx.msk [tilespmem:v3+s10+$0x0], $0xffff;
	v4 =	vadd.bf16 v4, v24;
	v5 =	vadd.bf16 v51, v5  }
0x195: {  	v16 =	vmul.bf16 v16, v2;
	v62 =	vadd.bf16 v8, v63;
	v8 =	vmul.bf16 v58, v2;
	v58 =	vld [tilespmem:$0x1FEA0]  }
0x196: {  	v23 =	vadd.bf16 v10, v4;
	v4 =	vld [tilespmem:$0x1FF20];
	v5 =	vadd.bf16 v7, v5  }
0x197: {  	s30 =	simm.s32 $0xD1A0;
	v16 =	vadd.bf16 v16, v29;
	v29 =	vld [tilespmem:$0x1FE80]  }
0x198: {  	v55 =	vmul.bf16 v54, v2;
	v54 =	vld.idx.msk [tilespmem:v3+s30+$0x0], $0xffff;
	[tilespmem:$0x1FF10] =	vst v5;
	v5 =	vmul.bf16 v57, v2  }
0x199: {  	v53 =	vmul.bf16 v53, v2;
	v63 =	vadd.bf16 v9, v16;
	v9 =	vld.idx.msk [tilespmem:v3+s14+$0x0], $0xffff  }
0x19a: {  	v50 =	vmul.bf16 v50, v0;
	v51 =	vld.idx.msk [tilespmem:v3+s8+$0x0], $0xffff;
	v5 =	vadd.bf16 v5, v19  }
0x19b: {  	v14 =	vmul.bf16 v14, v2;
	v10 =	vadd.bf16 v53, v58;
	v53 =	vld.idx.msk [tilespmem:v3+s13+$0x0], $0xffff;
	v4 =	vadd.bf16 v13, v4  }
0x19c: {  	v37 =	vmul.bf16 v37, v0;
	v16 =	vmul.bf16 v18, v2;
	v18 =	vadd.bf16 v15, v5;
	v5 =	vld [tilespmem:$0x1FEB0]  }
0x19d: {  	s18 =	sadd.s32 $0x2, s18;
	v34 =	vmul.bf16 v34, v0;
	v57 =	vadd.bf16 v14, v26;
	v26 =	vld [tilespmem:$0x1FE90];
	v4 =	vadd.bf16 v11, v4  }
0x19e: {  	p0 =	slt.u32 s18, $0x1E;
	v35 =	vmul.bf16 v35, v0;
	v14 =	vld.idx.msk [tilespmem:v3+s15+$0x0], $0xffff;
	v24 =	vadd.bf16 v50, v10;
	v13 =	vmul.bf16 v52, v2  }
.Ltmp2:
0x19f: {  	s31 =	simm.s32 $0xD9B0;
	v50 =	vld.idx.msk [tilespmem:v3+s25+$0x0], $0xffff;
	v58 =	vadd.bf16 v12, v57;
	[tilespmem:$0x1FF20] =	vst v4;
	v4 =	vmul.bf16 v51, v2;
	(pc) =	sbr.rel @p0 .LBB2_7-.Ltmp2, $4  }
0x1a0: {  	v36 =	vmul.bf16 v36, v0;
	v52 =	vld.idx.msk [tilespmem:v3+s31+$0x0], $0xffff;
	v12 =	vadd.bf16 v13, v20;
	v13 =	vadd.bf16 v16, v21  }
0x1a1: {  	v56 =	vmul.bf16 v9, v2;
	v21 =	vmovc v59;
	v59 =	vld [tilespmem:$0x1FEC0];
	v4 =	vadd.bf16 v4, v25;
	v5 =	vadd.bf16 v8, v5  }
0x1a2: {  	s24 =	simm.s32 $0xE9D0;
	v57 =	vmul.bf16 v6, v2;
	v51 =	vld.idx.msk [tilespmem:v3+s2+$0x0], $0xffff;
	v20 =	vadd.bf16 v49, v12;
	v19 =	vadd.bf16 v46, v13  }
0x1a3: {  	v49 =	vmul.bf16 v14, v2;
	v16 =	vadd.bf16 v47, v4;
	v25 =	vadd.bf16 v48, v5;
	v48 =	vld.idx.msk [tilespmem:v3+s24+$0x0], $0xffff  }
0x1a4: {  	v5 =	vadd.bf16 v57, v40  }
0x1a5: {  	v6 =	vmul.bf16 v53, v2;
	v7 =	vadd.bf16 v56, v38;
	v11 =	vmul.bf16 v54, v2  }
0x1a6: {  	v14 =	vmul.bf16 v50, v2;
	v40 =	vunpack.i.l.bf16.f32 v61;
	v9 =	vadd.bf16 v49, v39  }
0x1a7: {  	v13 =	vmul.bf16 v52, v2;
	v4 =	vadd.bf16 v55, v59;
	v5 =	vadd.bf16 v43, v5  }
0x1a8: {  	s1 =	simm.s32 $0xF1E0;
	v56 =	vld [tilespmem:$0x1FEE0];
	v39 =	vunpack.i.u.bf16.f32 v61;
	v7 =	vadd.bf16 v42, v7;
	v6 =	vadd.bf16 v6, v33  }
0x1a9: {  	s0 =	simm.s32 $0xF9F0;
	v8 =	vld.idx.msk [tilespmem:v3+s1+$0x0], $0xffff;
	v11 =	vadd.bf16 v11, v31;
	v52 =	vadd.bf16 v14, v26;
	v31 =	vunpack.i.l.bf16.f32 v21  }
0x1aa: {  	v47 =	vld.idx.msk [tilespmem:v3+s0+$0x0], $0xffff;
	v33 =	vunpack.i.u.bf16.f32 v22;
	v42 =	vunpack.i.u.bf16.f32 v60;
	v9 =	vadd.bf16 v41, v9  }
0x1ab: {  	v12 =	vld.idx.msk [tilespmem:v1+s1+$0x0], $0xffff;
	v43 =	vunpack.i.l.bf16.f32 v60;
	v13 =	vadd.bf16 v13, v32;
	v41 =	vadd.f32 v40, v39  }
0x1ac: {  	v49 =	vld.idx.msk [tilespmem:v1+s0+$0x0], $0xffff;
	v10 =	vmul.bf16 v51, v2;
	v4 =	vadd.bf16 v44, v4;
	v6 =	vadd.bf16 v34, v6  }
0x1ad: {  	v59 =	vld [tilespmem:$0x1FEF0];
	v15 =	vmul.bf16 v48, v2;
	v11 =	vadd.bf16 v36, v11;
	v44 =	vadd.f32 v43, v42  }
0x1ae: {  	v34 =	vunpack.i.l.bf16.f32 v22;
	v10 =	vadd.bf16 v10, v30;
	v3 =	vadd.bf16 v37, v13  }
0x1af: {  	s25 =	rddreg [dreg:$0x15];
	v36 =	vld [tilespmem:$0x1FF00];
	v57 =	vunpack.i.u.bf16.f32 v56;
	v30 =	vunpack.i.u.bf16.f32 v21;
	v8 =	vmul.bf16 v8, v2  }
0x1b0: {  	s26 =	rddreg [dreg:$0x17];
	v51 =	vmul.bf16 v47, v2;
	v53 =	vadd.bf16 v15, v29;
	v12 =	vmul.bf16 v12, v0  }
0x1b1: {  	s18 =	sadd.s32 s25, s26;
	v54 =	vmul.bf16 v49, v0;
	v32 =	vadd.f32 v31, v30;
	v10 =	vadd.bf16 v35, v10  }
0x1b2: {  	s19 =	sadd.s32 $0x18200, s18;
	v26 =	vunpack.i.u.bf16.f32 v59;
	v35 =	vadd.f32 v34, v33;
	v8 =	vadd.bf16 v8, v27  }
0x1b3: {  	v55 =	vld [tilespmem:$0x1FED0];
	[tilespmem:s19+$0x300] =	vst v41;
	v2 =	vadd.bf16 v51, v28;
	v27 =	vunpack.i.u.bf16.f32 v17;
	v28 =	vunpack.i.l.bf16.f32 v17  }
0x1b4: {  	[tilespmem:s19+$0x180] =	vst v32;
	v29 =	vadd.f32 v28, v27;
	v37 =	vunpack.i.u.bf16.f32 v36;
	v15 =	vunpack.i.l.bf16.f32 v36  }
0x1b5: {  	[tilespmem:s19+$0x200] =	vst v35;
	v8 =	vadd.bf16 v12, v8;
	v12 =	vunpack.i.l.bf16.f32 v56;
	v38 =	vadd.f32 v15, v37  }
0x1b6: {  	s28 =	rddreg [dreg:$0x11];
	v14 =	vunpack.i.l.bf16.f32 v59;
	v0 =	vadd.bf16 v54, v2;
	v2 =	vadd.f32 v12, v57;
	[tilespmem:s19+$0x100] =	vst v29  }
0x1b7: {  	s29 =	rddreg [dreg:$0x13];
	v48 =	vunpack.i.u.bf16.f32 v62;
	v49 =	vunpack.i.l.bf16.f32 v62;
	v12 =	vadd.f32 v14, v26;
	[tilespmem:s19+$0x280] =	vst v38  }
0x1b8: {  	s20 =	sor.u32 s29, s28;
	v1 =	vadd.bf16 v55, v52;
	v50 =	vadd.f32 v49, v48;
	[tilespmem:s18+$0x18200] =	vst v2  }
0x1b9: {  	s30 =	sor.u32 $0x380, s20;
	v52 =	vunpack.i.l.bf16.f32 v63;
	v55 =	vunpack.i.l.bf16.f32 v23;
	v51 =	vunpack.i.u.bf16.f32 v63;
	[tilespmem:s19+$0x80] =	vst v12  }
0x1ba: {  	v13 =	vadd.bf16 v45, v53;
	v53 =	vadd.f32 v52, v51;
	v54 =	vunpack.i.u.bf16.f32 v23;
	[tilespmem:s30+$0x18200] =	vst v44  }
0x1bb: {  	v61 =	vunpack.i.u.bf16.f32 v58;
	v62 =	vunpack.i.l.bf16.f32 v58;
	v56 =	vadd.f32 v55, v54;
	[tilespmem:s18+$0x19280] =	vst v50  }
0x1bc: {  	v22 =	vunpack.i.l.bf16.f32 v24;
	v21 =	vunpack.i.u.bf16.f32 v24;
	v63 =	vadd.f32 v62, v61;
	[tilespmem:s18+$0x19300] =	vst v53  }
0x1bd: {  	v24 =	vunpack.i.u.bf16.f32 v18;
	v23 =	vadd.f32 v22, v21;
	v26 =	vunpack.i.l.bf16.f32 v18;
	[tilespmem:s18+$0x19380] =	vst v56  }
0x1be: {  	v28 =	vunpack.i.u.bf16.f32 v25;
	v29 =	vunpack.i.l.bf16.f32 v25;
	v27 =	vadd.f32 v26, v24;
	[tilespmem:s18+$0x19480] =	vst v63  }
0x1bf: {  	v31 =	vunpack.i.u.bf16.f32 v20;
	v32 =	vunpack.i.l.bf16.f32 v20;
	v30 =	vadd.f32 v29, v28;
	[tilespmem:s18+$0x19500] =	vst v23  }
0x1c0: {  	v34 =	vunpack.i.u.bf16.f32 v19;
	v45 =	vld [tilespmem:$0x1FF10];
	v33 =	vadd.f32 v32, v31;
	v35 =	vunpack.i.l.bf16.f32 v19;
	[tilespmem:s18+$0x19580] =	vst v27  }
0x1c1: {  	v36 =	vadd.f32 v35, v34;
	v37 =	vunpack.i.u.bf16.f32 v16;
	v38 =	vunpack.i.l.bf16.f32 v16;
	[tilespmem:s18+$0x1A200] =	vst v30  }
0x1c2: {  	v40 =	vunpack.i.u.bf16.f32 v4;
	v4 =	vunpack.i.l.bf16.f32 v4;
	v39 =	vadd.f32 v38, v37;
	[tilespmem:s18+$0x1A280] =	vst v33  }
0x1c3: {  	v42 =	vunpack.i.u.bf16.f32 v5;
	v5 =	vunpack.i.l.bf16.f32 v5;
	v41 =	vadd.f32 v4, v40;
	[tilespmem:s18+$0x1A300] =	vst v36  }
0x1c4: {  	v4 =	vadd.f32 v5, v42;
	v48 =	vunpack.i.u.bf16.f32 v6;
	v6 =	vunpack.i.l.bf16.f32 v6;
	[tilespmem:s18+$0x1A380] =	vst v39  }
0x1c5: {  	v49 =	vadd.f32 v6, v48;
	v46 =	vunpack.i.u.bf16.f32 v45;
	v15 =	vunpack.i.l.bf16.f32 v45;
	[tilespmem:s18+$0x1A400] =	vst v41  }
0x1c6: {  	v43 =	vunpack.i.u.bf16.f32 v7;
	v7 =	vunpack.i.l.bf16.f32 v7;
	v47 =	vadd.f32 v15, v46;
	[tilespmem:s18+$0x1A480] =	vst v4  }
0x1c7: {  	v57 =	vld [tilespmem:$0x1FF20];
	v45 =	vunpack.i.u.bf16.f32 v9;
	v44 =	vadd.f32 v7, v43;
	v46 =	vunpack.i.l.bf16.f32 v9;
	[tilespmem:s18+$0x1B200] =	vst v49  }
0x1c8: {  	v51 =	vunpack.i.l.bf16.f32 v10;
	v50 =	vunpack.i.u.bf16.f32 v10;
	[tilespmem:s18+$0x19200] =	vst v47;
	v47 =	vadd.f32 v46, v45  }
0x1c9: {  	v54 =	vunpack.i.l.bf16.f32 v11;
	v53 =	vunpack.i.u.bf16.f32 v11;
	[tilespmem:s18+$0x1A500] =	vst v44;
	v52 =	vadd.f32 v51, v50  }
0x1ca: {  	v56 =	vunpack.i.u.bf16.f32 v3;
	v3 =	vunpack.i.l.bf16.f32 v3;
	v55 =	vadd.f32 v54, v53;
	[tilespmem:s18+$0x1A580] =	vst v47  }
0x1cb: {  	s31 =	rddreg [dreg:$0xf];
	v63 =	vunpack.i.u.bf16.f32 v0;
	v0 =	vunpack.i.l.bf16.f32 v0;
	v3 =	vadd.f32 v3, v56;
	[tilespmem:s18+$0x1B280] =	vst v52  }
0x1cc: {  	s0 =	sadd.s32 $0x1, s31;
	v59 =	vunpack.i.u.bf16.f32 v57;
	v15 =	vunpack.i.l.bf16.f32 v57;
	v0 =	vadd.f32 v0, v63;
	[tilespmem:s18+$0x1B300] =	vst v55  }
0x1cd: {  	p0 =	sne.s32 s0, $0x20;
	v57 =	vunpack.i.u.bf16.f32 v1;
	v1 =	vunpack.i.l.bf16.f32 v1;
	v60 =	vadd.f32 v15, v59;
	[tilespmem:s18+$0x1B380] =	vst v3  }
.Ltmp3:
0x1ce: {  	v58 =	vunpack.i.u.bf16.f32 v13;
	v1 =	vadd.f32 v1, v57;
	v59 =	vunpack.i.l.bf16.f32 v13;
	[tilespmem:s18+$0x1B580] =	vst v0;
	(pc) =	sbr.rel @p0 .LBB2_6-.Ltmp3, $4  }
0x1cf: {  	v61 =	vunpack.i.l.bf16.f32 v8;
	v2 =	vadd.f32 v59, v58;
	[tilespmem:s18+$0x19400] =	vst v60;
	v60 =	vunpack.i.u.bf16.f32 v8  }
0x1d0: {  	[tilespmem:s18+$0x1B400] =	vst v1;
	v62 =	vadd.f32 v61, v60  }
0x1d1: {  	[tilespmem:s18+$0x1B480] =	vst v2  }
0x1d2: {  	[tilespmem:s18+$0x1B500] =	vst v62  }
0x1d3: {  	s18 =	rddreg [dreg:$0xb];
	s23 =	simm.s32 $0x1000  }
0x1d4: {  	s19 =	simm.s32 $0x4000;
	s0 =	simm.s32 $0x18200;
	s22 =	simm.s32 $0x1  }
0x1d5: {  	[hbm4b:s18+s23] =	stream.strided.scatter [tilespmem:s0], [sflag:$0x1], $0x4000, s19, s23, $0x38;
	[tilespmem:$0x1C200] =	vst v63  }
0x1d6: {  	_ =	swait.ge [sflag:s22], $0x4000  }
0x1d7: {  	s30 =	rddreg [dreg:$0xd]  }
0x1d8: {  	s31 =	rddreg [dreg:$0xc];
	s0 =	sadd.s32 $0x1, s30  }
0x1d9: {  	p0 =	sne.s32 s0, s31  }
.Ltmp4:
0x1da: {  	_ = 	snop;
	(pc) =	sbr.rel @p0 .LBB2_1-.Ltmp4, $3  }
0x1db: {  	_ =	sdelay $0x1  }
0x1dc: {  	[sflag:s22] =	ssyncset.done $0x0  }
0x1dd: {  	[sflag:s22] =	ssyncadd.s32 $0xFFFFC000  }
0x1de: {  	_ =	sfence.sel $0x180000  }
0x1df: {  	[bflag:$0x0] =	sbarrier.arrive $0xFFFF  }
0x1e0: {  	_ =	strace $0x90000047  }
0x1e1: {  	s0 =	stileid.u32;
	[bflag:$0x2] =	sbarrier.arrive $0xFFFF  }
0x1e2: {  	p0 =	sne.s32 s0, $0x0;
	s0 =	rddreg [dreg:$0x2]  }
0x1e3: {  	s0 =	sadd.s32 @!p0 $0x100000, s0  }
0x1e4: {  	[sflag:s0] =	ssyncadd.tile.s32 @!p0 $0x1;
	_ =	shalt  }
.Lfunc_end2:
_tile_overlayer_lowered:
.L_overlay_start_2:
0x1e5: {  	(tag) =	ssettag $0x2  }
0x1e6: {  	s0 =	rddreg [dreg:$0x0];
	s2 =	stileid.u32  }
0x1e7: {  	s1 =	rddreg [dreg:$0x1];
	p0 =	sne.s32 s2, $0x0  }
0x1e8: {  	s3 =	rddreg [dreg:$0x2];
	[bflag:$0x3] =	sbarrier.arrive $0xFFFF;
	s2 =	simm.s32 @!p0 $0x1C01  }
0x1e9: {  	[timem:s3], [sflag:s2] =	dma.local @!p0 [hbm:s0], s1  }
0x1ea: {  	s0 =	simm.s32 @!p0 $0x1  }
0x1eb: {  	_ =	swait.ge @!p0 [sflag:s0], s1  }
0x1ec: {  	s1 =	ssub.s32 @!p0 $0x0, s1;
	[sflag:s0] =	ssyncset.done @!p0 $0x0  }
0x1ed: {  	[sflag:s0] =	ssyncadd.s32 @!p0 s1  }
0x1ee: {  	[bflag:$0x3] =	sbarrier.arrive $0xFFFF  }
0x1ef: {  	_ =	shalt  }

</sc_bundles>
